<compile_context>
chip_gen: v7x
topology: tpu7x:2x2x1
jax: 0.10.2.dev20260603
libtpu: 0.0.44.dev20260713+nightly
codegen_flags: <defaults>
</compile_context>

<pallas_src>
import jax
import jax.numpy as jnp
from jax import lax
from jax.experimental import pallas as pl
from jax.experimental.pallas import tpu as pltpu
from jax.experimental.pallas import tpu_sc as plsc

B = 16384
N_NUM = 13
N_CAT = 26
VOCAB = 100000
D = 64
N_TOK = 1 + N_NUM + N_CAT
NROWS = N_TOK * D
DENSE_ROWS = (1 + N_NUM) * D
CAT_ROWS = N_CAT * D
LANES = 16

NC = 2
NS = 16
NW = NC * NS
DENSE_PER_W = DENSE_ROWS // NW
CAT_PER_W = CAT_ROWS // NW
BC = 2048
NBC = B // BC
NVC = BC // LANES
BCL = 4096
NBCL = B // BCL
NVCL = BCL // LANES


def _splat_gather(ref, pos):
    return plsc.load_gather(ref, [jnp.full((LANES,), pos, jnp.int32)])


def _tokenizer_body(xnumt_hbm, xcatt_hbm, w_hbm, bias_hbm, cls_hbm, tbl_hbm,
                    out_hbm, row_v, idxcol_v, resl_v0, resl_v1,
                    xch_v0, xch_v1, w_v, bias_v, cls_v, osem, rsem0, xsem):
    wid = lax.axis_index("s") * NC + lax.axis_index("c")

    pltpu.sync_copy(w_hbm, w_v)
    pltpu.sync_copy(bias_hbm, bias_v)
    pltpu.sync_copy(cls_hbm, cls_v)
    resl = [resl_v0, resl_v1]
    res = [resl_v0.at[pl.ds(0, BC)], resl_v1.at[pl.ds(0, BC)]]
    xch = [xch_v0, xch_v1]

    def emit_row(row, make_chunk):
        handles = [None, None]
        for c in range(NBC):
            r = res[c % 2]
            if handles[c % 2] is not None:
                handles[c % 2].wait()
            make_chunk(c, r)
            handles[c % 2] = pltpu.async_copy(
                r, out_hbm.at[row, pl.ds(c * BC, BC)], osem)
        for h in handles:
            h.wait()

    def emit_row_big(row, make_chunk):
        handles = [None, None]
        for c in range(NBCL):
            r = resl[c % 2]
            if handles[c % 2] is not None:
                handles[c % 2].wait()
            make_chunk(c, r)
            handles[c % 2] = pltpu.async_copy(
                r, out_hbm.at[row, pl.ds(c * BCL, BCL)], osem)
        for h in handles:
            h.wait()

    def dense_body(j, carry):
        row = wid + NW * j

        def cls_chunk(c, r):
            cv = _splat_gather(cls_v, row)

            @plsc.parallel_loop(0, NVC, unroll=8)
            def vb(k):
                r[pl.ds(LANES * k, LANES)] = cv

        def num_chunk(c, r):
            q = row - D
            i = q // D
            wv = _splat_gather(w_v, q)
            bv = _splat_gather(bias_v, q)
            xc = xch[c % 2]
            pltpu.make_async_copy(
                xnumt_hbm.at[i, pl.ds(c * BC, BC)], xc, xsem).wait()
            if c + 1 < NBC:
                pltpu.async_copy(
                    xnumt_hbm.at[i, pl.ds((c + 1) * BC, BC)],
                    xch[(c + 1) % 2], xsem)

            @plsc.parallel_loop(0, NVC, unroll=8)
            def vb(k):
                r[pl.ds(LANES * k, LANES)] = (
                    xc[pl.ds(LANES * k, LANES)] * wv + bv)

        def do_cls(_):
            emit_row(row, cls_chunk)
            return 0

        def do_num(_):
            i = (row - D) // D
            pltpu.async_copy(xnumt_hbm.at[i, pl.ds(0, BC)], xch[0], xsem)
            emit_row(row, num_chunk)
            return 0

        lax.cond(row < D, do_cls, do_num, 0)
        return carry

    lax.fori_loop(0, DENSE_PER_W, dense_body, 0)

    def cat_body(j, prev_f):
        q = wid * CAT_PER_W + j
        f = q // D
        d = q - f * D
        row = DENSE_ROWS + q

        pltpu.async_copy(tbl_hbm.at[f, d], row_v, rsem0)

        def load_idx(_):
            pltpu.sync_copy(xcatt_hbm.at[f], idxcol_v)
            return f

        prev_f = lax.cond(f != prev_f, load_idx, lambda _: prev_f, 0)

        pltpu.make_async_copy(tbl_hbm.at[f, d], row_v, rsem0).wait()

        def cat_chunk(c, r):
            @plsc.parallel_loop(0, NVCL, unroll=8)
            def vb(k):
                iv = idxcol_v[pl.ds(c * BCL + LANES * k, LANES)]
                r[pl.ds(LANES * k, LANES)] = plsc.load_gather(row_v, [iv])

        emit_row_big(row, cat_chunk)
        return prev_f

    lax.fori_loop(0, CAT_PER_W, cat_body, jnp.int32(-1))


@jax.jit
def _tokenizer(xnumt, xcatt, w_flat, bias_flat, cls_flat, tbl_t):
    mesh = plsc.VectorSubcoreMesh(core_axis_name="c", subcore_axis_name="s")
    kern = pl.kernel(
        _tokenizer_body,
        out_type=jax.ShapeDtypeStruct((NROWS, B), jnp.float32),
        mesh=mesh,
        scratch_types=[
            pltpu.VMEM((VOCAB,), jnp.float32),
            pltpu.VMEM((B,), jnp.int32),
            pltpu.VMEM((BCL,), jnp.float32),
            pltpu.VMEM((BCL,), jnp.float32),
            pltpu.VMEM((BC,), jnp.float32),
            pltpu.VMEM((BC,), jnp.float32),
            pltpu.VMEM((N_NUM * D,), jnp.float32),
            pltpu.VMEM((N_NUM * D,), jnp.float32),
            pltpu.VMEM((D,), jnp.float32),
            pltpu.SemaphoreType.DMA,
            pltpu.SemaphoreType.DMA,
            pltpu.SemaphoreType.DMA,
        ],
        compiler_params=pltpu.CompilerParams(
            use_tc_tiling_on_sc=True, needs_layout_passes=False),
    )
    return kern(xnumt, xcatt, w_flat, bias_flat, cls_flat, tbl_t)


def kernel(x_num, x_cat, weight, bias, cls_token, tables):
    out = _tokenizer(
        x_num.T,
        x_cat.astype(jnp.int32).T,
        weight.reshape(N_NUM * D),
        bias.reshape(N_NUM * D),
        cls_token.reshape(D),
        tables.transpose(0, 2, 1),
    )
    return out.reshape(N_TOK, D, B).transpose(2, 0, 1)

# --- scband reference (transcript-rebuilt; emitter-appended) ---
"""Pipeline reference for scband-feature-tokenizer-38336878084822 (READ-ONLY COPY).

The authoritative reference and input builder live on the scoring server;
editing this copy changes nothing except your own understanding.
"""

import jax, jax.numpy as jnp
import numpy as np

B = 16384
N_NUM = 13
N_CAT = 26
VOCAB = 100000
D = 64


def setup_inputs(seed: int = 0) -> dict:
    key = jax.random.key(seed)
    ks = jax.random.split(key, 6)
    x_num = jax.random.normal(ks[0], (B, N_NUM), dtype=jnp.float32)
    x_cat = jax.random.randint(ks[1], (B, N_CAT), 0, VOCAB, dtype=jnp.int64)
    # learned params
    weight = jax.random.uniform(ks[2], (N_NUM, D), dtype=jnp.float32, minval=-1.0, maxval=1.0) * (6.0 ** 0.5 / (D ** 0.5))
    bias = jnp.zeros((N_NUM, D), dtype=jnp.float32)
    cls_token = jax.random.normal(ks[3], (1, 1, D), dtype=jnp.float32) * 0.02
    # per-feature embedding tables (equal cardinality -> stacked into one array)
    tables = jax.random.normal(ks[4], (N_CAT, VOCAB, D), dtype=jnp.float32) * 0.02
    return {"x_num": x_num, "x_cat": x_cat, "weight": weight, "bias": bias, "cls_token": cls_token, "tables": tables}


def reference(x_num, x_cat, weight, bias, cls_token, tables):
    # numerical tokens: x_i -> W_i * x_i + b_i  (per-feature linear)
    tokens = x_num[:, :, None] * weight[None, :, :] + bias[None, :, :]  # (B, N_NUM, D)
    # categorical tokens: per-feature embedding lookup
    # tables: (N_CAT, VOCAB, D); gather with feature index + row index
    feat_idx = jnp.arange(N_CAT)[None, :]  # (1, N_CAT)
    cat_tokens = tables[feat_idx, x_cat]   # (B, N_CAT, D)
    tokens = jnp.concatenate([tokens, cat_tokens], axis=1)
    # prepend CLS
    cls = jnp.broadcast_to(cls_token, (x_num.shape[0], 1, tokens.shape[-1]))
    return jnp.concatenate([cls, tokens], axis=1)  # (B, 1 + N_NUM + N_CAT, D)

if __name__ == "__main__":
    import jax
    _d = setup_inputs()
    print(jax.jit(kernel)(*tuple(_d.values())))

</pallas_src>

<mosaic_0001>
#map = affine_map<(d0, d1) -> (0, 0)>
#map1 = affine_map<(d0, d1) -> (0)>
#map2 = affine_map<(d0, d1) -> (0, 0, 0)>
module attributes {stable_mosaic.version = 14 : i64} {
  func.func @_tokenizer_body(%arg0: i32, %arg1: i32, %arg2: memref<13x16384xf32, #tpu.memory_space<hbm>>, %arg3: memref<26x16384xi32, #tpu.memory_space<hbm>>, %arg4: memref<832xf32, #tpu.memory_space<hbm>>, %arg5: memref<832xf32, #tpu.memory_space<hbm>>, %arg6: memref<64xf32, #tpu.memory_space<hbm>>, %arg7: memref<26x64x100000xf32, #tpu.memory_space<hbm>>, %arg8: memref<2560x16384xf32, #tpu.memory_space<hbm>>, %arg9: memref<100000xf32, #tpu.memory_space<vmem>>, %arg10: memref<16384xi32, #tpu.memory_space<vmem>>, %arg11: memref<4096xf32, #tpu.memory_space<vmem>>, %arg12: memref<4096xf32, #tpu.memory_space<vmem>>, %arg13: memref<2048xf32, #tpu.memory_space<vmem>>, %arg14: memref<2048xf32, #tpu.memory_space<vmem>>, %arg15: memref<832xf32, #tpu.memory_space<vmem>>, %arg16: memref<832xf32, #tpu.memory_space<vmem>>, %arg17: memref<64xf32, #tpu.memory_space<vmem>>, %arg18: memref<!tpu.dma_semaphore, #tpu.memory_space<semaphore_mem>>, %arg19: memref<!tpu.dma_semaphore, #tpu.memory_space<semaphore_mem>>, %arg20: memref<!tpu.dma_semaphore, #tpu.memory_space<semaphore_mem>>) attributes {dimension_semantics = [#tpu.dimension_semantics<core_parallel>, #tpu.dimension_semantics<subcore_parallel>], iteration_bounds = array<i64: 2, 16>, scalar_prefetch = 0 : i64, scratch_operands = 12 : i64, tpu.core_type = #tpu.core_type<sc_vector_subcore>, window_params = [{transform_indices = #map}, {transform_indices = #map}, {transform_indices = #map1}, {transform_indices = #map1}, {transform_indices = #map1}, {transform_indices = #map2}, {transform_indices = #map}]} {
    %mul3A = arith.constant 2 : i32
    %mul3A_0 = arith.muli %arg1, %mul3A : i32
    %add3A = arith.addi %mul3A_0, %arg0 : i32
    "tpu.region"() ({
      %run_scoped3A = tpu.sem_alloc : memref<!tpu.dma_semaphore, #tpu.memory_space<semaphore_mem>>
      tpu.enqueue_dma source(%arg4 : memref<832xf32, #tpu.memory_space<hbm>>) target(%arg15 : memref<832xf32, #tpu.memory_space<vmem>>) target_semaphore(%run_scoped3A : memref<!tpu.dma_semaphore, #tpu.memory_space<semaphore_mem>>)
      tpu.wait_dma2 semaphore(%run_scoped3A : memref<!tpu.dma_semaphore, #tpu.memory_space<semaphore_mem>>) src(%arg4 : memref<832xf32, #tpu.memory_space<hbm>>) dst(%arg15 : memref<832xf32, #tpu.memory_space<vmem>>)
      tpu.yield
    }) : () -> ()
    "tpu.region"() ({
      %run_scoped3A = tpu.sem_alloc : memref<!tpu.dma_semaphore, #tpu.memory_space<semaphore_mem>>
      tpu.enqueue_dma source(%arg5 : memref<832xf32, #tpu.memory_space<hbm>>) target(%arg16 : memref<832xf32, #tpu.memory_space<vmem>>) target_semaphore(%run_scoped3A : memref<!tpu.dma_semaphore, #tpu.memory_space<semaphore_mem>>)
      tpu.wait_dma2 semaphore(%run_scoped3A : memref<!tpu.dma_semaphore, #tpu.memory_space<semaphore_mem>>) src(%arg5 : memref<832xf32, #tpu.memory_space<hbm>>) dst(%arg16 : memref<832xf32, #tpu.memory_space<vmem>>)
      tpu.yield
    }) : () -> ()
    "tpu.region"() ({
      %run_scoped3A = tpu.sem_alloc : memref<!tpu.dma_semaphore, #tpu.memory_space<semaphore_mem>>
      tpu.enqueue_dma source(%arg6 : memref<64xf32, #tpu.memory_space<hbm>>) target(%arg17 : memref<64xf32, #tpu.memory_space<vmem>>) target_semaphore(%run_scoped3A : memref<!tpu.dma_semaphore, #tpu.memory_space<semaphore_mem>>)
      tpu.wait_dma2 semaphore(%run_scoped3A : memref<!tpu.dma_semaphore, #tpu.memory_space<semaphore_mem>>) src(%arg6 : memref<64xf32, #tpu.memory_space<hbm>>) dst(%arg17 : memref<64xf32, #tpu.memory_space<vmem>>)
      tpu.yield
    }) : () -> ()
    %scan3A = arith.constant 0 : i32
    %scan3A_1 = arith.constant 0 : i32
    %scan3A_2 = arith.constant 28 : i32
    %scan3A_3 = arith.addi %scan3A_1, %scan3A_2 : i32
    %scan3A_4 = arith.constant 1 : i32
    scf.for %scan3A_13 = %scan3A_1 to %scan3A_3 step %scan3A_4  : i32 {
      %mul3A_14 = arith.constant 32 : i32
      %mul3A_15 = arith.muli %mul3A_14, %scan3A_13 : i32
      %add3A_16 = arith.addi %add3A, %mul3A_15 : i32
      %lt3A = arith.constant 64 : i32
      %lt3A_17 = arith.cmpi slt, %add3A_16, %lt3A : i32
      %convert_element_type3A = arith.extui %lt3A_17 : i1 to i32
      %cond3A = arith.constant 0 : i32
      %cond3A_18 = arith.constant 0 : i32
      %cond3A_19 = arith.cmpi ne, %convert_element_type3A, %cond3A_18 : i32
      %cond3A_20 = scf.if %cond3A_19 -> (i32) {
        %broadcast_in_dim3A = vector.broadcast %add3A_16 : i32 to vector<16xi32>
        %gather3A = tpu.vector_load_idx %arg17[%broadcast_in_dim3A] : memref<64xf32, #tpu.memory_space<vmem>>[vector<16xi32>], vector<16xf32>,
        %parallel_loop3A = arith.constant 0 : i32
        %parallel_loop3A_21 = arith.constant 128 : i32
        %parallel_loop3A_22 = arith.constant 1 : i32
        scf.for %parallel_loop3A_217 = %parallel_loop3A to %parallel_loop3A_21 step %parallel_loop3A_22  : i32 {
          %parallel_loop3A_218 = arith.constant 16 : i32
          %parallel_loop3A_219 = arith.muli %parallel_loop3A_218, %parallel_loop3A_217 : i32
          %parallel_loop3A_220 = arith.constant 0 : i32
          %parallel_loop3A_221 = tpu.memref_slice %arg11[%parallel_loop3A_220] : memref<4096xf32, #tpu.memory_space<vmem>> -> memref<2048xf32, #tpu.memory_space<vmem>>
          %parallel_loop3A_222 = arith.index_cast %parallel_loop3A_219 : i32 to index
          %parallel_loop3A_223 = tpu.vector_load %parallel_loop3A_221[%parallel_loop3A_222] {strides = array<i32>} : memref<2048xf32, #tpu.memory_space<vmem>>, vector<16xf32>,
          tpu.vector_store %parallel_loop3A_221[%parallel_loop3A_222], %gather3A {strides = array<i32>} : memref<2048xf32, #tpu.memory_space<vmem>>, vector<16xf32>,
        } {sc.loop_unroll_factor = 8 : i64, sc.parallel_access}
        %dma_start3A = arith.constant 0 : i32
        %dma_start3A_23 = tpu.memref_slice %arg11[%dma_start3A] : memref<4096xf32, #tpu.memory_space<vmem>> -> memref<2048xf32, #tpu.memory_space<vmem>>
        %dma_start3A_24 = arith.constant 0 : i32
        %dma_start3A_25 = tpu.memref_slice %arg8[%add3A_16, %dma_start3A_24] : memref<2560x16384xf32, #tpu.memory_space<hbm>> -> memref<1x2048xf32, #tpu.memory_space<hbm>>
        %dma_start3A_26 = tpu.memref_squeeze %dma_start3A_25 : memref<1x2048xf32, #tpu.memory_space<hbm>> -> memref<2048xf32, #tpu.memory_space<hbm>>
        %dma_start3A_27 = arith.constant 0 : i32
        %dma_start3A_28 = tpu.memref_slice %arg8[%add3A_16, %dma_start3A_27] : memref<2560x16384xf32, #tpu.memory_space<hbm>> -> memref<1x2048xf32, #tpu.memory_space<hbm>>
        %dma_start3A_29 = tpu.memref_squeeze %dma_start3A_28 : memref<1x2048xf32, #tpu.memory_space<hbm>> -> memref<2048xf32, #tpu.memory_space<hbm>>
        %dma_start3A_30 = arith.constant 0 : i32
        %dma_start3A_31 = tpu.memref_slice %arg11[%dma_start3A_30] : memref<4096xf32, #tpu.memory_space<vmem>> -> memref<2048xf32, #tpu.memory_space<vmem>>
        tpu.enqueue_dma source(%dma_start3A_31 : memref<2048xf32, #tpu.memory_space<vmem>>) target(%dma_start3A_29 : memref<2048xf32, #tpu.memory_space<hbm>>) target_semaphore(%arg18 : memref<!tpu.dma_semaphore, #tpu.memory_space<semaphore_mem>>)
        %broadcast_in_dim3A_32 = vector.broadcast %add3A_16 : i32 to vector<16xi32>
        %gather3A_33 = tpu.vector_load_idx %arg17[%broadcast_in_dim3A_32] : memref<64xf32, #tpu.memory_space<vmem>>[vector<16xi32>], vector<16xf32>,
        %parallel_loop3A_34 = arith.constant 0 : i32
        %parallel_loop3A_35 = arith.constant 128 : i32
        %parallel_loop3A_36 = arith.constant 1 : i32
        scf.for %parallel_loop3A_217 = %parallel_loop3A_34 to %parallel_loop3A_35 step %parallel_loop3A_36  : i32 {
          %parallel_loop3A_218 = arith.constant 16 : i32
          %parallel_loop3A_219 = arith.muli %parallel_loop3A_218, %parallel_loop3A_217 : i32
          %parallel_loop3A_220 = arith.constant 0 : i32
          %parallel_loop3A_221 = tpu.memref_slice %arg12[%parallel_loop3A_220] : memref<4096xf32, #tpu.memory_space<vmem>> -> memref<2048xf32, #tpu.memory_space<vmem>>
          %parallel_loop3A_222 = arith.index_cast %parallel_loop3A_219 : i32 to index
          %parallel_loop3A_223 = tpu.vector_load %parallel_loop3A_221[%parallel_loop3A_222] {strides = array<i32>} : memref<2048xf32, #tpu.memory_space<vmem>>, vector<16xf32>,
          tpu.vector_store %parallel_loop3A_221[%parallel_loop3A_222], %gather3A_33 {strides = array<i32>} : memref<2048xf32, #tpu.memory_space<vmem>>, vector<16xf32>,
        } {sc.loop_unroll_factor = 8 : i64, sc.parallel_access}
        %dma_start3A_37 = arith.constant 0 : i32
        %dma_start3A_38 = tpu.memref_slice %arg12[%dma_start3A_37] : memref<4096xf32, #tpu.memory_space<vmem>> -> memref<2048xf32, #tpu.memory_space<vmem>>
        %dma_start3A_39 = arith.constant 2048 : i32
        %dma_start3A_40 = tpu.memref_slice %arg8[%add3A_16, %dma_start3A_39] : memref<2560x16384xf32, #tpu.memory_space<hbm>> -> memref<1x2048xf32, #tpu.memory_space<hbm>>
        %dma_start3A_41 = tpu.memref_squeeze %dma_start3A_40 : memref<1x2048xf32, #tpu.memory_space<hbm>> -> memref<2048xf32, #tpu.memory_space<hbm>>
        %dma_start3A_42 = arith.constant 2048 : i32
        %dma_start3A_43 = tpu.memref_slice %arg8[%add3A_16, %dma_start3A_42] : memref<2560x16384xf32, #tpu.memory_space<hbm>> -> memref<1x2048xf32, #tpu.memory_space<hbm>>
        %dma_start3A_44 = tpu.memref_squeeze %dma_start3A_43 : memref<1x2048xf32, #tpu.memory_space<hbm>> -> memref<2048xf32, #tpu.memory_space<hbm>>
        %dma_start3A_45 = arith.constant 0 : i32
        %dma_start3A_46 = tpu.memref_slice %arg12[%dma_start3A_45] : memref<4096xf32, #tpu.memory_space<vmem>> -> memref<2048xf32, #tpu.memory_space<vmem>>
        tpu.enqueue_dma source(%dma_start3A_46 : memref<2048xf32, #tpu.memory_space<vmem>>) target(%dma_start3A_44 : memref<2048xf32, #tpu.memory_space<hbm>>) target_semaphore(%arg18 : memref<!tpu.dma_semaphore, #tpu.memory_space<semaphore_mem>>)
        %dma_wait3A = arith.constant 0 : i32
        %dma_wait3A_47 = tpu.memref_slice %arg11[%dma_wait3A] : memref<4096xf32, #tpu.memory_space<vmem>> -> memref<2048xf32, #tpu.memory_space<vmem>>
        %dma_wait3A_48 = arith.constant 0 : i32
        %dma_wait3A_49 = tpu.memref_slice %arg8[%add3A_16, %dma_wait3A_48] : memref<2560x16384xf32, #tpu.memory_space<hbm>> -> memref<1x2048xf32, #tpu.memory_space<hbm>>
        %dma_wait3A_50 = tpu.memref_squeeze %dma_wait3A_49 : memref<1x2048xf32, #tpu.memory_space<hbm>> -> memref<2048xf32, #tpu.memory_space<hbm>>
        %dma_wait3A_51 = arith.constant 0 : i32
        %dma_wait3A_52 = tpu.memref_slice %arg8[%add3A_16, %dma_wait3A_51] : memref<2560x16384xf32, #tpu.memory_space<hbm>> -> memref<1x2048xf32, #tpu.memory_space<hbm>>
        %dma_wait3A_53 = tpu.memref_squeeze %dma_wait3A_52 : memref<1x2048xf32, #tpu.memory_space<hbm>> -> memref<2048xf32, #tpu.memory_space<hbm>>
        %dma_wait3A_54 = arith.constant 0 : i32
        %dma_wait3A_55 = tpu.memref_slice %arg11[%dma_wait3A_54] : memref<4096xf32, #tpu.memory_space<vmem>> -> memref<2048xf32, #tpu.memory_space<vmem>>
        tpu.wait_dma2 semaphore(%arg18 : memref<!tpu.dma_semaphore, #tpu.memory_space<semaphore_mem>>) src(%dma_wait3A_55 : memref<2048xf32, #tpu.memory_space<vmem>>) dst(%dma_wait3A_53 : memref<2048xf32, #tpu.memory_space<hbm>>)
        %broadcast_in_dim3A_56 = vector.broadcast %add3A_16 : i32 to vector<16xi32>
        %gather3A_57 = tpu.vector_load_idx %arg17[%broadcast_in_dim3A_56] : memref<64xf32, #tpu.memory_space<vmem>>[vector<16xi32>], vector<16xf32>,
        %parallel_loop3A_58 = arith.constant 0 : i32
        %parallel_loop3A_59 = arith.constant 128 : i32
        %parallel_loop3A_60 = arith.constant 1 : i32
        scf.for %parallel_loop3A_217 = %parallel_loop3A_58 to %parallel_loop3A_59 step %parallel_loop3A_60  : i32 {
          %parallel_loop3A_218 = arith.constant 16 : i32
          %parallel_loop3A_219 = arith.muli %parallel_loop3A_218, %parallel_loop3A_217 : i32
          %parallel_loop3A_220 = arith.constant 0 : i32
          %parallel_loop3A_221 = tpu.memref_slice %arg11[%parallel_loop3A_220] : memref<4096xf32, #tpu.memory_space<vmem>> -> memref<2048xf32, #tpu.memory_space<vmem>>
          %parallel_loop3A_222 = arith.index_cast %parallel_loop3A_219 : i32 to index
          %parallel_loop3A_223 = tpu.vector_load %parallel_loop3A_221[%parallel_loop3A_222] {strides = array<i32>} : memref<2048xf32, #tpu.memory_space<vmem>>, vector<16xf32>,
          tpu.vector_store %parallel_loop3A_221[%parallel_loop3A_222], %gather3A_57 {strides = array<i32>} : memref<2048xf32, #tpu.memory_space<vmem>>, vector<16xf32>,
        } {sc.loop_unroll_factor = 8 : i64, sc.parallel_access}
        %dma_start3A_61 = arith.constant 0 : i32
        %dma_start3A_62 = tpu.memref_slice %arg11[%dma_start3A_61] : memref<4096xf32, #tpu.memory_space<vmem>> -> memref<2048xf32, #tpu.memory_space<vmem>>
        %dma_start3A_63 = arith.constant 4096 : i32
        %dma_start3A_64 = tpu.memref_slice %arg8[%add3A_16, %dma_start3A_63] : memref<2560x16384xf32, #tpu.memory_space<hbm>> -> memref<1x2048xf32, #tpu.memory_space<hbm>>
        %dma_start3A_65 = tpu.memref_squeeze %dma_start3A_64 : memref<1x2048xf32, #tpu.memory_space<hbm>> -> memref<2048xf32, #tpu.memory_space<hbm>>
        %dma_start3A_66 = arith.constant 4096 : i32
        %dma_start3A_67 = tpu.memref_slice %arg8[%add3A_16, %dma_start3A_66] : memref<2560x16384xf32, #tpu.memory_space<hbm>> -> memref<1x2048xf32, #tpu.memory_space<hbm>>
        %dma_start3A_68 = tpu.memref_squeeze %dma_start3A_67 : memref<1x2048xf32, #tpu.memory_space<hbm>> -> memref<2048xf32, #tpu.memory_space<hbm>>
        %dma_start3A_69 = arith.constant 0 : i32
        %dma_start3A_70 = tpu.memref_slice %arg11[%dma_start3A_69] : memref<4096xf32, #tpu.memory_space<vmem>> -> memref<2048xf32, #tpu.memory_space<vmem>>
        tpu.enqueue_dma source(%dma_start3A_70 : memref<2048xf32, #tpu.memory_space<vmem>>) target(%dma_start3A_68 : memref<2048xf32, #tpu.memory_space<hbm>>) target_semaphore(%arg18 : memref<!tpu.dma_semaphore, #tpu.memory_space<semaphore_mem>>)
        %dma_wait3A_71 = arith.constant 0 : i32
        %dma_wait3A_72 = tpu.memref_slice %arg12[%dma_wait3A_71] : memref<4096xf32, #tpu.memory_space<vmem>> -> memref<2048xf32, #tpu.memory_space<vmem>>
        %dma_wait3A_73 = arith.constant 2048 : i32
        %dma_wait3A_74 = tpu.memref_slice %arg8[%add3A_16, %dma_wait3A_73] : memref<2560x16384xf32, #tpu.memory_space<hbm>> -> memref<1x2048xf32, #tpu.memory_space<hbm>>
        %dma_wait3A_75 = tpu.memref_squeeze %dma_wait3A_74 : memref<1x2048xf32, #tpu.memory_space<hbm>> -> memref<2048xf32, #tpu.memory_space<hbm>>
        %dma_wait3A_76 = arith.constant 2048 : i32
        %dma_wait3A_77 = tpu.memref_slice %arg8[%add3A_16, %dma_wait3A_76] : memref<2560x16384xf32, #tpu.memory_space<hbm>> -> memref<1x2048xf32, #tpu.memory_space<hbm>>
        %dma_wait3A_78 = tpu.memref_squeeze %dma_wait3A_77 : memref<1x2048xf32, #tpu.memory_space<hbm>> -> memref<2048xf32, #tpu.memory_space<hbm>>
        %dma_wait3A_79 = arith.constant 0 : i32
        %dma_wait3A_80 = tpu.memref_slice %arg12[%dma_wait3A_79] : memref<4096xf32, #tpu.memory_space<vmem>> -> memref<2048xf32, #tpu.memory_space<vmem>>
        tpu.wait_dma2 semaphore(%arg18 : memref<!tpu.dma_semaphore, #tpu.memory_space<semaphore_mem>>) src(%dma_wait3A_80 : memref<2048xf32, #tpu.memory_space<vmem>>) dst(%dma_wait3A_78 : memref<2048xf32, #tpu.memory_space<hbm>>)
        %broadcast_in_dim3A_81 = vector.broadcast %add3A_16 : i32 to vector<16xi32>
        %gather3A_82 = tpu.vector_load_idx %arg17[%broadcast_in_dim3A_81] : memref<64xf32, #tpu.memory_space<vmem>>[vector<16xi32>], vector<16xf32>,
        %parallel_loop3A_83 = arith.constant 0 : i32
        %parallel_loop3A_84 = arith.constant 128 : i32
        %parallel_loop3A_85 = arith.constant 1 : i32
        scf.for %parallel_loop3A_217 = %parallel_loop3A_83 to %parallel_loop3A_84 step %parallel_loop3A_85  : i32 {
          %parallel_loop3A_218 = arith.constant 16 : i32
          %parallel_loop3A_219 = arith.muli %parallel_loop3A_218, %parallel_loop3A_217 : i32
          %parallel_loop3A_220 = arith.constant 0 : i32
          %parallel_loop3A_221 = tpu.memref_slice %arg12[%parallel_loop3A_220] : memref<4096xf32, #tpu.memory_space<vmem>> -> memref<2048xf32, #tpu.memory_space<vmem>>
          %parallel_loop3A_222 = arith.index_cast %parallel_loop3A_219 : i32 to index
          %parallel_loop3A_223 = tpu.vector_load %parallel_loop3A_221[%parallel_loop3A_222] {strides = array<i32>} : memref<2048xf32, #tpu.memory_space<vmem>>, vector<16xf32>,
          tpu.vector_store %parallel_loop3A_221[%parallel_loop3A_222], %gather3A_82 {strides = array<i32>} : memref<2048xf32, #tpu.memory_space<vmem>>, vector<16xf32>,
        } {sc.loop_unroll_factor = 8 : i64, sc.parallel_access}
        %dma_start3A_86 = arith.constant 0 : i32
        %dma_start3A_87 = tpu.memref_slice %arg12[%dma_start3A_86] : memref<4096xf32, #tpu.memory_space<vmem>> -> memref<2048xf32, #tpu.memory_space<vmem>>
        %dma_start3A_88 = arith.constant 6144 : i32
        %dma_start3A_89 = tpu.memref_slice %arg8[%add3A_16, %dma_start3A_88] : memref<2560x16384xf32, #tpu.memory_space<hbm>> -> memref<1x2048xf32, #tpu.memory_space<hbm>>
        %dma_start3A_90 = tpu.memref_squeeze %dma_start3A_89 : memref<1x2048xf32, #tpu.memory_space<hbm>> -> memref<2048xf32, #tpu.memory_space<hbm>>
        %dma_start3A_91 = arith.constant 6144 : i32
        %dma_start3A_92 = tpu.memref_slice %arg8[%add3A_16, %dma_start3A_91] : memref<2560x16384xf32, #tpu.memory_space<hbm>> -> memref<1x2048xf32, #tpu.memory_space<hbm>>
        %dma_start3A_93 = tpu.memref_squeeze %dma_start3A_92 : memref<1x2048xf32, #tpu.memory_space<hbm>> -> memref<2048xf32, #tpu.memory_space<hbm>>
        %dma_start3A_94 = arith.constant 0 : i32
        %dma_start3A_95 = tpu.memref_slice %arg12[%dma_start3A_94] : memref<4096xf32, #tpu.memory_space<vmem>> -> memref<2048xf32, #tpu.memory_space<vmem>>
        tpu.enqueue_dma source(%dma_start3A_95 : memref<2048xf32, #tpu.memory_space<vmem>>) target(%dma_start3A_93 : memref<2048xf32, #tpu.memory_space<hbm>>) target_semaphore(%arg18 : memref<!tpu.dma_semaphore, #tpu.memory_space<semaphore_mem>>)
        %dma_wait3A_96 = arith.constant 0 : i32
        %dma_wait3A_97 = tpu.memref_slice %arg11[%dma_wait3A_96] : memref<4096xf32, #tpu.memory_space<vmem>> -> memref<2048xf32, #tpu.memory_space<vmem>>
        %dma_wait3A_98 = arith.constant 4096 : i32
        %dma_wait3A_99 = tpu.memref_slice %arg8[%add3A_16, %dma_wait3A_98] : memref<2560x16384xf32, #tpu.memory_space<hbm>> -> memref<1x2048xf32, #tpu.memory_space<hbm>>
        %dma_wait3A_100 = tpu.memref_squeeze %dma_wait3A_99 : memref<1x2048xf32, #tpu.memory_space<hbm>> -> memref<2048xf32, #tpu.memory_space<hbm>>
        %dma_wait3A_101 = arith.constant 4096 : i32
        %dma_wait3A_102 = tpu.memref_slice %arg8[%add3A_16, %dma_wait3A_101] : memref<2560x16384xf32, #tpu.memory_space<hbm>> -> memref<1x2048xf32, #tpu.memory_space<hbm>>
        %dma_wait3A_103 = tpu.memref_squeeze %dma_wait3A_102 : memref<1x2048xf32, #tpu.memory_space<hbm>> -> memref<2048xf32, #tpu.memory_space<hbm>>
        %dma_wait3A_104 = arith.constant 0 : i32
        %dma_wait3A_105 = tpu.memref_slice %arg11[%dma_wait3A_104] : memref<4096xf32, #tpu.memory_space<vmem>> -> memref<2048xf32, #tpu.memory_space<vmem>>
        tpu.wait_dma2 semaphore(%arg18 : memref<!tpu.dma_semaphore, #tpu.memory_space<semaphore_mem>>) src(%dma_wait3A_105 : memref<2048xf32, #tpu.memory_space<vmem>>) dst(%dma_wait3A_103 : memref<2048xf32, #tpu.memory_space<hbm>>)
        %broadcast_in_dim3A_106 = vector.broadcast %add3A_16 : i32 to vector<16xi32>
        %gather3A_107 = tpu.vector_load_idx %arg17[%broadcast_in_dim3A_106] : memref<64xf32, #tpu.memory_space<vmem>>[vector<16xi32>], vector<16xf32>,
        %parallel_loop3A_108 = arith.constant 0 : i32
        %parallel_loop3A_109 = arith.constant 128 : i32
        %parallel_loop3A_110 = arith.constant 1 : i32
        scf.for %parallel_loop3A_217 = %parallel_loop3A_108 to %parallel_loop3A_109 step %parallel_loop3A_110  : i32 {
          %parallel_loop3A_218 = arith.constant 16 : i32
          %parallel_loop3A_219 = arith.muli %parallel_loop3A_218, %parallel_loop3A_217 : i32
          %parallel_loop3A_220 = arith.constant 0 : i32
          %parallel_loop3A_221 = tpu.memref_slice %arg11[%parallel_loop3A_220] : memref<4096xf32, #tpu.memory_space<vmem>> -> memref<2048xf32, #tpu.memory_space<vmem>>
          %parallel_loop3A_222 = arith.index_cast %parallel_loop3A_219 : i32 to index
          %parallel_loop3A_223 = tpu.vector_load %parallel_loop3A_221[%parallel_loop3A_222] {strides = array<i32>} : memref<2048xf32, #tpu.memory_space<vmem>>, vector<16xf32>,
          tpu.vector_store %parallel_loop3A_221[%parallel_loop3A_222], %gather3A_107 {strides = array<i32>} : memref<2048xf32, #tpu.memory_space<vmem>>, vector<16xf32>,
        } {sc.loop_unroll_factor = 8 : i64, sc.parallel_access}
        %dma_start3A_111 = arith.constant 0 : i32
        %dma_start3A_112 = tpu.memref_slice %arg11[%dma_start3A_111] : memref<4096xf32, #tpu.memory_space<vmem>> -> memref<2048xf32, #tpu.memory_space<vmem>>
        %dma_start3A_113 = arith.constant 8192 : i32
        %dma_start3A_114 = tpu.memref_slice %arg8[%add3A_16, %dma_start3A_113] : memref<2560x16384xf32, #tpu.memory_space<hbm>> -> memref<1x2048xf32, #tpu.memory_space<hbm>>
        %dma_start3A_115 = tpu.memref_squeeze %dma_start3A_114 : memref<1x2048xf32, #tpu.memory_space<hbm>> -> memref<2048xf32, #tpu.memory_space<hbm>>
        %dma_start3A_116 = arith.constant 8192 : i32
        %dma_start3A_117 = tpu.memref_slice %arg8[%add3A_16, %dma_start3A_116] : memref<2560x16384xf32, #tpu.memory_space<hbm>> -> memref<1x2048xf32, #tpu.memory_space<hbm>>
        %dma_start3A_118 = tpu.memref_squeeze %dma_start3A_117 : memref<1x2048xf32, #tpu.memory_space<hbm>> -> memref<2048xf32, #tpu.memory_space<hbm>>
        %dma_start3A_119 = arith.constant 0 : i32
        %dma_start3A_120 = tpu.memref_slice %arg11[%dma_start3A_119] : memref<4096xf32, #tpu.memory_space<vmem>> -> memref<2048xf32, #tpu.memory_space<vmem>>
        tpu.enqueue_dma source(%dma_start3A_120 : memref<2048xf32, #tpu.memory_space<vmem>>) target(%dma_start3A_118 : memref<2048xf32, #tpu.memory_space<hbm>>) target_semaphore(%arg18 : memref<!tpu.dma_semaphore, #tpu.memory_space<semaphore_mem>>)
        %dma_wait3A_121 = arith.constant 0 : i32
        %dma_wait3A_122 = tpu.memref_slice %arg12[%dma_wait3A_121] : memref<4096xf32, #tpu.memory_space<vmem>> -> memref<2048xf32, #tpu.memory_space<vmem>>
        %dma_wait3A_123 = arith.constant 6144 : i32
        %dma_wait3A_124 = tpu.memref_slice %arg8[%add3A_16, %dma_wait3A_123] : memref<2560x16384xf32, #tpu.memory_space<hbm>> -> memref<1x2048xf32, #tpu.memory_space<hbm>>
        %dma_wait3A_125 = tpu.memref_squeeze %dma_wait3A_124 : memref<1x2048xf32, #tpu.memory_space<hbm>> -> memref<2048xf32, #tpu.memory_space<hbm>>
        %dma_wait3A_126 = arith.constant 6144 : i32
        %dma_wait3A_127 = tpu.memref_slice %arg8[%add3A_16, %dma_wait3A_126] : memref<2560x16384xf32, #tpu.memory_space<hbm>> -> memref<1x2048xf32, #tpu.memory_space<hbm>>
        %dma_wait3A_128 = tpu.memref_squeeze %dma_wait3A_127 : memref<1x2048xf32, #tpu.memory_space<hbm>> -> memref<2048xf32, #tpu.memory_space<hbm>>
        %dma_wait3A_129 = arith.constant 0 : i32
        %dma_wait3A_130 = tpu.memref_slice %arg12[%dma_wait3A_129] : memref<4096xf32, #tpu.memory_space<vmem>> -> memref<2048xf32, #tpu.memory_space<vmem>>
        tpu.wait_dma2 semaphore(%arg18 : memref<!tpu.dma_semaphore, #tpu.memory_space<semaphore_mem>>) src(%dma_wait3A_130 : memref<2048xf32, #tpu.memory_space<vmem>>) dst(%dma_wait3A_128 : memref<2048xf32, #tpu.memory_space<hbm>>)
        %broadcast_in_dim3A_131 = vector.broadcast %add3A_16 : i32 to vector<16xi32>
        %gather3A_132 = tpu.vector_load_idx %arg17[%broadcast_in_dim3A_131] : memref<64xf32, #tpu.memory_space<vmem>>[vector<16xi32>], vector<16xf32>,
        %parallel_loop3A_133 = arith.constant 0 : i32
        %parallel_loop3A_134 = arith.constant 128 : i32
        %parallel_loop3A_135 = arith.constant 1 : i32
        scf.for %parallel_loop3A_217 = %parallel_loop3A_133 to %parallel_loop3A_134 step %parallel_loop3A_135  : i32 {
          %parallel_loop3A_218 = arith.constant 16 : i32
          %parallel_loop3A_219 = arith.muli %parallel_loop3A_218, %parallel_loop3A_217 : i32
          %parallel_loop3A_220 = arith.constant 0 : i32
          %parallel_loop3A_221 = tpu.memref_slice %arg12[%parallel_loop3A_220] : memref<4096xf32, #tpu.memory_space<vmem>> -> memref<2048xf32, #tpu.memory_space<vmem>>
          %parallel_loop3A_222 = arith.index_cast %parallel_loop3A_219 : i32 to index
          %parallel_loop3A_223 = tpu.vector_load %parallel_loop3A_221[%parallel_loop3A_222] {strides = array<i32>} : memref<2048xf32, #tpu.memory_space<vmem>>, vector<16xf32>,
          tpu.vector_store %parallel_loop3A_221[%parallel_loop3A_222], %gather3A_132 {strides = array<i32>} : memref<2048xf32, #tpu.memory_space<vmem>>, vector<16xf32>,
        } {sc.loop_unroll_factor = 8 : i64, sc.parallel_access}
        %dma_start3A_136 = arith.constant 0 : i32
        %dma_start3A_137 = tpu.memref_slice %arg12[%dma_start3A_136] : memref<4096xf32, #tpu.memory_space<vmem>> -> memref<2048xf32, #tpu.memory_space<vmem>>
        %dma_start3A_138 = arith.constant 10240 : i32
        %dma_start3A_139 = tpu.memref_slice %arg8[%add3A_16, %dma_start3A_138] : memref<2560x16384xf32, #tpu.memory_space<hbm>> -> memref<1x2048xf32, #tpu.memory_space<hbm>>
        %dma_start3A_140 = tpu.memref_squeeze %dma_start3A_139 : memref<1x2048xf32, #tpu.memory_space<hbm>> -> memref<2048xf32, #tpu.memory_space<hbm>>
        %dma_start3A_141 = arith.constant 10240 : i32
        %dma_start3A_142 = tpu.memref_slice %arg8[%add3A_16, %dma_start3A_141] : memref<2560x16384xf32, #tpu.memory_space<hbm>> -> memref<1x2048xf32, #tpu.memory_space<hbm>>
        %dma_start3A_143 = tpu.memref_squeeze %dma_start3A_142 : memref<1x2048xf32, #tpu.memory_space<hbm>> -> memref<2048xf32, #tpu.memory_space<hbm>>
        %dma_start3A_144 = arith.constant 0 : i32
        %dma_start3A_145 = tpu.memref_slice %arg12[%dma_start3A_144] : memref<4096xf32, #tpu.memory_space<vmem>> -> memref<2048xf32, #tpu.memory_space<vmem>>
        tpu.enqueue_dma source(%dma_start3A_145 : memref<2048xf32, #tpu.memory_space<vmem>>) target(%dma_start3A_143 : memref<2048xf32, #tpu.memory_space<hbm>>) target_semaphore(%arg18 : memref<!tpu.dma_semaphore, #tpu.memory_space<semaphore_mem>>)
        %dma_wait3A_146 = arith.constant 0 : i32
        %dma_wait3A_147 = tpu.memref_slice %arg11[%dma_wait3A_146] : memref<4096xf32, #tpu.memory_space<vmem>> -> memref<2048xf32, #tpu.memory_space<vmem>>
        %dma_wait3A_148 = arith.constant 8192 : i32
        %dma_wait3A_149 = tpu.memref_slice %arg8[%add3A_16, %dma_wait3A_148] : memref<2560x16384xf32, #tpu.memory_space<hbm>> -> memref<1x2048xf32, #tpu.memory_space<hbm>>
        %dma_wait3A_150 = tpu.memref_squeeze %dma_wait3A_149 : memref<1x2048xf32, #tpu.memory_space<hbm>> -> memref<2048xf32, #tpu.memory_space<hbm>>
        %dma_wait3A_151 = arith.constant 8192 : i32
        %dma_wait3A_152 = tpu.memref_slice %arg8[%add3A_16, %dma_wait3A_151] : memref<2560x16384xf32, #tpu.memory_space<hbm>> -> memref<1x2048xf32, #tpu.memory_space<hbm>>
        %dma_wait3A_153 = tpu.memref_squeeze %dma_wait3A_152 : memref<1x2048xf32, #tpu.memory_space<hbm>> -> memref<2048xf32, #tpu.memory_space<hbm>>
        %dma_wait3A_154 = arith.constant 0 : i32
        %dma_wait3A_155 = tpu.memref_slice %arg11[%dma_wait3A_154] : memref<4096xf32, #tpu.memory_space<vmem>> -> memref<2048xf32, #tpu.memory_space<vmem>>
        tpu.wait_dma2 semaphore(%arg18 : memref<!tpu.dma_semaphore, #tpu.memory_space<semaphore_mem>>) src(%dma_wait3A_155 : memref<2048xf32, #tpu.memory_space<vmem>>) dst(%dma_wait3A_153 : memref<2048xf32, #tpu.memory_space<hbm>>)
        %broadcast_in_dim3A_156 = vector.broadcast %add3A_16 : i32 to vector<16xi32>
        %gather3A_157 = tpu.vector_load_idx %arg17[%broadcast_in_dim3A_156] : memref<64xf32, #tpu.memory_space<vmem>>[vector<16xi32>], vector<16xf32>,
        %parallel_loop3A_158 = arith.constant 0 : i32
        %parallel_loop3A_159 = arith.constant 128 : i32
        %parallel_loop3A_160 = arith.constant 1 : i32
        scf.for %parallel_loop3A_217 = %parallel_loop3A_158 to %parallel_loop3A_159 step %parallel_loop3A_160  : i32 {
          %parallel_loop3A_218 = arith.constant 16 : i32
          %parallel_loop3A_219 = arith.muli %parallel_loop3A_218, %parallel_loop3A_217 : i32
          %parallel_loop3A_220 = arith.constant 0 : i32
          %parallel_loop3A_221 = tpu.memref_slice %arg11[%parallel_loop3A_220] : memref<4096xf32, #tpu.memory_space<vmem>> -> memref<2048xf32, #tpu.memory_space<vmem>>
          %parallel_loop3A_222 = arith.index_cast %parallel_loop3A_219 : i32 to index
          %parallel_loop3A_223 = tpu.vector_load %parallel_loop3A_221[%parallel_loop3A_222] {strides = array<i32>} : memref<2048xf32, #tpu.memory_space<vmem>>, vector<16xf32>,
          tpu.vector_store %parallel_loop3A_221[%parallel_loop3A_222], %gather3A_157 {strides = array<i32>} : memref<2048xf32, #tpu.memory_space<vmem>>, vector<16xf32>,
        } {sc.loop_unroll_factor = 8 : i64, sc.parallel_access}
        %dma_start3A_161 = arith.constant 0 : i32
        %dma_start3A_162 = tpu.memref_slice %arg11[%dma_start3A_161] : memref<4096xf32, #tpu.memory_space<vmem>> -> memref<2048xf32, #tpu.memory_space<vmem>>
        %dma_start3A_163 = arith.constant 12288 : i32
        %dma_start3A_164 = tpu.memref_slice %arg8[%add3A_16, %dma_start3A_163] : memref<2560x16384xf32, #tpu.memory_space<hbm>> -> memref<1x2048xf32, #tpu.memory_space<hbm>>
        %dma_start3A_165 = tpu.memref_squeeze %dma_start3A_164 : memref<1x2048xf32, #tpu.memory_space<hbm>> -> memref<2048xf32, #tpu.memory_space<hbm>>
        %dma_start3A_166 = arith.constant 12288 : i32
        %dma_start3A_167 = tpu.memref_slice %arg8[%add3A_16, %dma_start3A_166] : memref<2560x16384xf32, #tpu.memory_space<hbm>> -> memref<1x2048xf32, #tpu.memory_space<hbm>>
        %dma_start3A_168 = tpu.memref_squeeze %dma_start3A_167 : memref<1x2048xf32, #tpu.memory_space<hbm>> -> memref<2048xf32, #tpu.memory_space<hbm>>
        %dma_start3A_169 = arith.constant 0 : i32
        %dma_start3A_170 = tpu.memref_slice %arg11[%dma_start3A_169] : memref<4096xf32, #tpu.memory_space<vmem>> -> memref<2048xf32, #tpu.memory_space<vmem>>
        tpu.enqueue_dma source(%dma_start3A_170 : memref<2048xf32, #tpu.memory_space<vmem>>) target(%dma_start3A_168 : memref<2048xf32, #tpu.memory_space<hbm>>) target_semaphore(%arg18 : memref<!tpu.dma_semaphore, #tpu.memory_space<semaphore_mem>>)
        %dma_wait3A_171 = arith.constant 0 : i32
        %dma_wait3A_172 = tpu.memref_slice %arg12[%dma_wait3A_171] : memref<4096xf32, #tpu.memory_space<vmem>> -> memref<2048xf32, #tpu.memory_space<vmem>>
        %dma_wait3A_173 = arith.constant 10240 : i32
        %dma_wait3A_174 = tpu.memref_slice %arg8[%add3A_16, %dma_wait3A_173] : memref<2560x16384xf32, #tpu.memory_space<hbm>> -> memref<1x2048xf32, #tpu.memory_space<hbm>>
        %dma_wait3A_175 = tpu.memref_squeeze %dma_wait3A_174 : memref<1x2048xf32, #tpu.memory_space<hbm>> -> memref<2048xf32, #tpu.memory_space<hbm>>
        %dma_wait3A_176 = arith.constant 10240 : i32
        %dma_wait3A_177 = tpu.memref_slice %arg8[%add3A_16, %dma_wait3A_176] : memref<2560x16384xf32, #tpu.memory_space<hbm>> -> memref<1x2048xf32, #tpu.memory_space<hbm>>
        %dma_wait3A_178 = tpu.memref_squeeze %dma_wait3A_177 : memref<1x2048xf32, #tpu.memory_space<hbm>> -> memref<2048xf32, #tpu.memory_space<hbm>>
        %dma_wait3A_179 = arith.constant 0 : i32
        %dma_wait3A_180 = tpu.memref_slice %arg12[%dma_wait3A_179] : memref<4096xf32, #tpu.memory_space<vmem>> -> memref<2048xf32, #tpu.memory_space<vmem>>
        tpu.wait_dma2 semaphore(%arg18 : memref<!tpu.dma_semaphore, #tpu.memory_space<semaphore_mem>>) src(%dma_wait3A_180 : memref<2048xf32, #tpu.memory_space<vmem>>) dst(%dma_wait3A_178 : memref<2048xf32, #tpu.memory_space<hbm>>)
        %broadcast_in_dim3A_181 = vector.broadcast %add3A_16 : i32 to vector<16xi32>
        %gather3A_182 = tpu.vector_load_idx %arg17[%broadcast_in_dim3A_181] : memref<64xf32, #tpu.memory_space<vmem>>[vector<16xi32>], vector<16xf32>,
        %parallel_loop3A_183 = arith.constant 0 : i32
        %parallel_loop3A_184 = arith.constant 128 : i32
        %parallel_loop3A_185 = arith.constant 1 : i32
        scf.for %parallel_loop3A_217 = %parallel_loop3A_183 to %parallel_loop3A_184 step %parallel_loop3A_185  : i32 {
          %parallel_loop3A_218 = arith.constant 16 : i32
          %parallel_loop3A_219 = arith.muli %parallel_loop3A_218, %parallel_loop3A_217 : i32
          %parallel_loop3A_220 = arith.constant 0 : i32
          %parallel_loop3A_221 = tpu.memref_slice %arg12[%parallel_loop3A_220] : memref<4096xf32, #tpu.memory_space<vmem>> -> memref<2048xf32, #tpu.memory_space<vmem>>
          %parallel_loop3A_222 = arith.index_cast %parallel_loop3A_219 : i32 to index
          %parallel_loop3A_223 = tpu.vector_load %parallel_loop3A_221[%parallel_loop3A_222] {strides = array<i32>} : memref<2048xf32, #tpu.memory_space<vmem>>, vector<16xf32>,
          tpu.vector_store %parallel_loop3A_221[%parallel_loop3A_222], %gather3A_182 {strides = array<i32>} : memref<2048xf32, #tpu.memory_space<vmem>>, vector<16xf32>,
        } {sc.loop_unroll_factor = 8 : i64, sc.parallel_access}
        %dma_start3A_186 = arith.constant 0 : i32
        %dma_start3A_187 = tpu.memref_slice %arg12[%dma_start3A_186] : memref<4096xf32, #tpu.memory_space<vmem>> -> memref<2048xf32, #tpu.memory_space<vmem>>
        %dma_start3A_188 = arith.constant 14336 : i32
        %dma_start3A_189 = tpu.memref_slice %arg8[%add3A_16, %dma_start3A_188] : memref<2560x16384xf32, #tpu.memory_space<hbm>> -> memref<1x2048xf32, #tpu.memory_space<hbm>>
        %dma_start3A_190 = tpu.memref_squeeze %dma_start3A_189 : memref<1x2048xf32, #tpu.memory_space<hbm>> -> memref<2048xf32, #tpu.memory_space<hbm>>
        %dma_start3A_191 = arith.constant 14336 : i32
        %dma_start3A_192 = tpu.memref_slice %arg8[%add3A_16, %dma_start3A_191] : memref<2560x16384xf32, #tpu.memory_space<hbm>> -> memref<1x2048xf32, #tpu.memory_space<hbm>>
        %dma_start3A_193 = tpu.memref_squeeze %dma_start3A_192 : memref<1x2048xf32, #tpu.memory_space<hbm>> -> memref<2048xf32, #tpu.memory_space<hbm>>
        %dma_start3A_194 = arith.constant 0 : i32
        %dma_start3A_195 = tpu.memref_slice %arg12[%dma_start3A_194] : memref<4096xf32, #tpu.memory_space<vmem>> -> memref<2048xf32, #tpu.memory_space<vmem>>
        tpu.enqueue_dma source(%dma_start3A_195 : memref<2048xf32, #tpu.memory_space<vmem>>) target(%dma_start3A_193 : memref<2048xf32, #tpu.memory_space<hbm>>) target_semaphore(%arg18 : memref<!tpu.dma_semaphore, #tpu.memory_space<semaphore_mem>>)
        %dma_wait3A_196 = arith.constant 0 : i32
        %dma_wait3A_197 = tpu.memref_slice %arg11[%dma_wait3A_196] : memref<4096xf32, #tpu.memory_space<vmem>> -> memref<2048xf32, #tpu.memory_space<vmem>>
        %dma_wait3A_198 = arith.constant 12288 : i32
        %dma_wait3A_199 = tpu.memref_slice %arg8[%add3A_16, %dma_wait3A_198] : memref<2560x16384xf32, #tpu.memory_space<hbm>> -> memref<1x2048xf32, #tpu.memory_space<hbm>>
        %dma_wait3A_200 = tpu.memref_squeeze %dma_wait3A_199 : memref<1x2048xf32, #tpu.memory_space<hbm>> -> memref<2048xf32, #tpu.memory_space<hbm>>
        %dma_wait3A_201 = arith.constant 12288 : i32
        %dma_wait3A_202 = tpu.memref_slice %arg8[%add3A_16, %dma_wait3A_201] : memref<2560x16384xf32, #tpu.memory_space<hbm>> -> memref<1x2048xf32, #tpu.memory_space<hbm>>
        %dma_wait3A_203 = tpu.memref_squeeze %dma_wait3A_202 : memref<1x2048xf32, #tpu.memory_space<hbm>> -> memref<2048xf32, #tpu.memory_space<hbm>>
        %dma_wait3A_204 = arith.constant 0 : i32
        %dma_wait3A_205 = tpu.memref_slice %arg11[%dma_wait3A_204] : memref<4096xf32, #tpu.memory_space<vmem>> -> memref<2048xf32, #tpu.memory_space<vmem>>
        tpu.wait_dma2 semaphore(%arg18 : memref<!tpu.dma_semaphore, #tpu.memory_space<semaphore_mem>>) src(%dma_wait3A_205 : memref<2048xf32, #tpu.memory_space<vmem>>) dst(%dma_wait3A_203 : memref<2048xf32, #tpu.memory_space<hbm>>)
        %dma_wait3A_206 = arith.constant 0 : i32
        %dma_wait3A_207 = tpu.memref_slice %arg12[%dma_wait3A_206] : memref<4096xf32, #tpu.memory_space<vmem>> -> memref<2048xf32, #tpu.memory_space<vmem>>
        %dma_wait3A_208 = arith.constant 14336 : i32
        %dma_wait3A_209 = tpu.memref_slice %arg8[%add3A_16, %dma_wait3A_208] : memref<2560x16384xf32, #tpu.memory_space<hbm>> -> memref<1x2048xf32, #tpu.memory_space<hbm>>
        %dma_wait3A_210 = tpu.memref_squeeze %dma_wait3A_209 : memref<1x2048xf32, #tpu.memory_space<hbm>> -> memref<2048xf32, #tpu.memory_space<hbm>>
        %dma_wait3A_211 = arith.constant 14336 : i32
        %dma_wait3A_212 = tpu.memref_slice %arg8[%add3A_16, %dma_wait3A_211] : memref<2560x16384xf32, #tpu.memory_space<hbm>> -> memref<1x2048xf32, #tpu.memory_space<hbm>>
        %dma_wait3A_213 = tpu.memref_squeeze %dma_wait3A_212 : memref<1x2048xf32, #tpu.memory_space<hbm>> -> memref<2048xf32, #tpu.memory_space<hbm>>
        %dma_wait3A_214 = arith.constant 0 : i32
        %dma_wait3A_215 = tpu.memref_slice %arg12[%dma_wait3A_214] : memref<4096xf32, #tpu.memory_space<vmem>> -> memref<2048xf32, #tpu.memory_space<vmem>>
        tpu.wait_dma2 semaphore(%arg18 : memref<!tpu.dma_semaphore, #tpu.memory_space<semaphore_mem>>) src(%dma_wait3A_215 : memref<2048xf32, #tpu.memory_space<vmem>>) dst(%dma_wait3A_213 : memref<2048xf32, #tpu.memory_space<hbm>>)
        %cond3A_216 = arith.constant 0 : i32
        scf.yield %cond3A_216 : i32
      } else {
        %sub3A = arith.constant 64 : i32
        %sub3A_21 = arith.subi %add3A_16, %sub3A : i32
        %jit3A = arith.constant 64 : i32
        %div3A = arith.divsi %sub3A_21, %jit3A : i32
        %sign3A = arith.constant 0 : i32
        %sign3A_22 = arith.cmpi sgt, %sub3A_21, %sign3A : i32
        %sign3A_23 = arith.extui %sign3A_22 : i1 to i32
        %sign3A_24 = arith.constant 0 : i32
        %sign3A_25 = arith.cmpi slt, %sub3A_21, %sign3A_24 : i32
        %sign3A_26 = arith.extui %sign3A_25 : i1 to i32
        %sign3A_27 = arith.subi %sign3A_23, %sign3A_26 : i32
        %sign3A_28 = arith.constant 0 : i32
        %sign3A_29 = arith.cmpi sgt, %jit3A, %sign3A_28 : i32
        %sign3A_30 = arith.extui %sign3A_29 : i1 to i32
        %sign3A_31 = arith.constant 0 : i32
        %sign3A_32 = arith.cmpi slt, %jit3A, %sign3A_31 : i32
        %sign3A_33 = arith.extui %sign3A_32 : i1 to i32
        %sign3A_34 = arith.subi %sign3A_30, %sign3A_33 : i32
        %ne3A = arith.cmpi ne, %sign3A_27, %sign3A_34 : i32
        %rem3A = arith.remsi %sub3A_21, %jit3A : i32
        %ne3A_35 = arith.constant 0 : i32
        %ne3A_36 = arith.cmpi ne, %rem3A, %ne3A_35 : i32
        %and3A = arith.andi %ne3A, %ne3A_36 : i1
        %sub3A_37 = arith.constant 1 : i32
        %sub3A_38 = arith.subi %div3A, %sub3A_37 : i32
        %select_n3A = arith.select %and3A, %sub3A_38, %div3A : i32
        %dma_start3A = arith.constant 0 : i32
        %dma_start3A_39 = tpu.memref_slice %arg2[%select_n3A, %dma_start3A] : memref<13x16384xf32, #tpu.memory_space<hbm>> -> memref<1x2048xf32, #tpu.memory_space<hbm>>
        %dma_start3A_40 = tpu.memref_squeeze %dma_start3A_39 : memref<1x2048xf32, #tpu.memory_space<hbm>> -> memref<2048xf32, #tpu.memory_space<hbm>>
        %dma_start3A_41 = arith.constant 0 : i32
        %dma_start3A_42 = tpu.memref_slice %arg2[%select_n3A, %dma_start3A_41] : memref<13x16384xf32, #tpu.memory_space<hbm>> -> memref<1x2048xf32, #tpu.memory_space<hbm>>
        %dma_start3A_43 = tpu.memref_squeeze %dma_start3A_42 : memref<1x2048xf32, #tpu.memory_space<hbm>> -> memref<2048xf32, #tpu.memory_space<hbm>>
        tpu.enqueue_dma source(%dma_start3A_43 : memref<2048xf32, #tpu.memory_space<hbm>>) target(%arg13 : memref<2048xf32, #tpu.memory_space<vmem>>) target_semaphore(%arg20 : memref<!tpu.dma_semaphore, #tpu.memory_space<semaphore_mem>>)
        %sub3A_44 = arith.constant 64 : i32
        %sub3A_45 = arith.subi %add3A_16, %sub3A_44 : i32
        %jit3A_46 = arith.constant 64 : i32
        %div3A_47 = arith.divsi %sub3A_45, %jit3A_46 : i32
        %sign3A_48 = arith.constant 0 : i32
        %sign3A_49 = arith.cmpi sgt, %sub3A_45, %sign3A_48 : i32
        %sign3A_50 = arith.extui %sign3A_49 : i1 to i32
        %sign3A_51 = arith.constant 0 : i32
        %sign3A_52 = arith.cmpi slt, %sub3A_45, %sign3A_51 : i32
        %sign3A_53 = arith.extui %sign3A_52 : i1 to i32
        %sign3A_54 = arith.subi %sign3A_50, %sign3A_53 : i32
        %sign3A_55 = arith.constant 0 : i32
        %sign3A_56 = arith.cmpi sgt, %jit3A_46, %sign3A_55 : i32
        %sign3A_57 = arith.extui %sign3A_56 : i1 to i32
        %sign3A_58 = arith.constant 0 : i32
        %sign3A_59 = arith.cmpi slt, %jit3A_46, %sign3A_58 : i32
        %sign3A_60 = arith.extui %sign3A_59 : i1 to i32
        %sign3A_61 = arith.subi %sign3A_57, %sign3A_60 : i32
        %ne3A_62 = arith.cmpi ne, %sign3A_54, %sign3A_61 : i32
        %rem3A_63 = arith.remsi %sub3A_45, %jit3A_46 : i32
        %ne3A_64 = arith.constant 0 : i32
        %ne3A_65 = arith.cmpi ne, %rem3A_63, %ne3A_64 : i32
        %and3A_66 = arith.andi %ne3A_62, %ne3A_65 : i1
        %sub3A_67 = arith.constant 1 : i32
        %sub3A_68 = arith.subi %div3A_47, %sub3A_67 : i32
        %select_n3A_69 = arith.select %and3A_66, %sub3A_68, %div3A_47 : i32
        %broadcast_in_dim3A = vector.broadcast %sub3A_45 : i32 to vector<16xi32>
        %gather3A = tpu.vector_load_idx %arg15[%broadcast_in_dim3A] : memref<832xf32, #tpu.memory_space<vmem>>[vector<16xi32>], vector<16xf32>,
        %broadcast_in_dim3A_70 = vector.broadcast %sub3A_45 : i32 to vector<16xi32>
        %gather3A_71 = tpu.vector_load_idx %arg16[%broadcast_in_dim3A_70] : memref<832xf32, #tpu.memory_space<vmem>>[vector<16xi32>], vector<16xf32>,
        %dma_wait3A = arith.constant 0 : i32
        %dma_wait3A_72 = tpu.memref_slice %arg2[%select_n3A_69, %dma_wait3A] : memref<13x16384xf32, #tpu.memory_space<hbm>> -> memref<1x2048xf32, #tpu.memory_space<hbm>>
        %dma_wait3A_73 = tpu.memref_squeeze %dma_wait3A_72 : memref<1x2048xf32, #tpu.memory_space<hbm>> -> memref<2048xf32, #tpu.memory_space<hbm>>
        %dma_wait3A_74 = arith.constant 0 : i32
        %dma_wait3A_75 = tpu.memref_slice %arg2[%select_n3A_69, %dma_wait3A_74] : memref<13x16384xf32, #tpu.memory_space<hbm>> -> memref<1x2048xf32, #tpu.memory_space<hbm>>
        %dma_wait3A_76 = tpu.memref_squeeze %dma_wait3A_75 : memref<1x2048xf32, #tpu.memory_space<hbm>> -> memref<2048xf32, #tpu.memory_space<hbm>>
        tpu.wait_dma2 semaphore(%arg20 : memref<!tpu.dma_semaphore, #tpu.memory_space<semaphore_mem>>) src(%dma_wait3A_76 : memref<2048xf32, #tpu.memory_space<hbm>>) dst(%arg13 : memref<2048xf32, #tpu.memory_space<vmem>>)
        %dma_start3A_77 = arith.constant 2048 : i32
        %dma_start3A_78 = tpu.memref_slice %arg2[%select_n3A_69, %dma_start3A_77] : memref<13x16384xf32, #tpu.memory_space<hbm>> -> memref<1x2048xf32, #tpu.memory_space<hbm>>
        %dma_start3A_79 = tpu.memref_squeeze %dma_start3A_78 : memref<1x2048xf32, #tpu.memory_space<hbm>> -> memref<2048xf32, #tpu.memory_space<hbm>>
        %dma_start3A_80 = arith.constant 2048 : i32
        %dma_start3A_81 = tpu.memref_slice %arg2[%select_n3A_69, %dma_start3A_80] : memref<13x16384xf32, #tpu.memory_space<hbm>> -> memref<1x2048xf32, #tpu.memory_space<hbm>>
        %dma_start3A_82 = tpu.memref_squeeze %dma_start3A_81 : memref<1x2048xf32, #tpu.memory_space<hbm>> -> memref<2048xf32, #tpu.memory_space<hbm>>
        tpu.enqueue_dma source(%dma_start3A_82 : memref<2048xf32, #tpu.memory_space<hbm>>) target(%arg14 : memref<2048xf32, #tpu.memory_space<vmem>>) target_semaphore(%arg20 : memref<!tpu.dma_semaphore, #tpu.memory_space<semaphore_mem>>)
        %parallel_loop3A = arith.constant 0 : i32
        %parallel_loop3A_83 = arith.constant 128 : i32
        %parallel_loop3A_84 = arith.constant 1 : i32
        scf.for %parallel_loop3A_555 = %parallel_loop3A to %parallel_loop3A_83 step %parallel_loop3A_84  : i32 {
          %parallel_loop3A_556 = arith.constant 16 : i32
          %parallel_loop3A_557 = arith.muli %parallel_loop3A_556, %parallel_loop3A_555 : i32
          %parallel_loop3A_558 = arith.index_cast %parallel_loop3A_557 : i32 to index
          %parallel_loop3A_559 = tpu.vector_load %arg13[%parallel_loop3A_558] {strides = array<i32>} : memref<2048xf32, #tpu.memory_space<vmem>>, vector<16xf32>,
          %parallel_loop3A_560 = arith.mulf %parallel_loop3A_559, %gather3A : vector<16xf32>
          %parallel_loop3A_561 = arith.addf %parallel_loop3A_560, %gather3A_71 : vector<16xf32>
          %parallel_loop3A_562 = arith.constant 16 : i32
          %parallel_loop3A_563 = arith.muli %parallel_loop3A_562, %parallel_loop3A_555 : i32
          %parallel_loop3A_564 = arith.constant 0 : i32
          %parallel_loop3A_565 = tpu.memref_slice %arg11[%parallel_loop3A_564] : memref<4096xf32, #tpu.memory_space<vmem>> -> memref<2048xf32, #tpu.memory_space<vmem>>
          %parallel_loop3A_566 = arith.index_cast %parallel_loop3A_563 : i32 to index
          %parallel_loop3A_567 = tpu.vector_load %parallel_loop3A_565[%parallel_loop3A_566] {strides = array<i32>} : memref<2048xf32, #tpu.memory_space<vmem>>, vector<16xf32>,
          tpu.vector_store %parallel_loop3A_565[%parallel_loop3A_566], %parallel_loop3A_561 {strides = array<i32>} : memref<2048xf32, #tpu.memory_space<vmem>>, vector<16xf32>,
        } {sc.loop_unroll_factor = 8 : i64, sc.parallel_access}
        %dma_start3A_85 = arith.constant 0 : i32
        %dma_start3A_86 = tpu.memref_slice %arg11[%dma_start3A_85] : memref<4096xf32, #tpu.memory_space<vmem>> -> memref<2048xf32, #tpu.memory_space<vmem>>
        %dma_start3A_87 = arith.constant 0 : i32
        %dma_start3A_88 = tpu.memref_slice %arg8[%add3A_16, %dma_start3A_87] : memref<2560x16384xf32, #tpu.memory_space<hbm>> -> memref<1x2048xf32, #tpu.memory_space<hbm>>
        %dma_start3A_89 = tpu.memref_squeeze %dma_start3A_88 : memref<1x2048xf32, #tpu.memory_space<hbm>> -> memref<2048xf32, #tpu.memory_space<hbm>>
        %dma_start3A_90 = arith.constant 0 : i32
        %dma_start3A_91 = tpu.memref_slice %arg8[%add3A_16, %dma_start3A_90] : memref<2560x16384xf32, #tpu.memory_space<hbm>> -> memref<1x2048xf32, #tpu.memory_space<hbm>>
        %dma_start3A_92 = tpu.memref_squeeze %dma_start3A_91 : memref<1x2048xf32, #tpu.memory_space<hbm>> -> memref<2048xf32, #tpu.memory_space<hbm>>
        %dma_start3A_93 = arith.constant 0 : i32
        %dma_start3A_94 = tpu.memref_slice %arg11[%dma_start3A_93] : memref<4096xf32, #tpu.memory_space<vmem>> -> memref<2048xf32, #tpu.memory_space<vmem>>
        tpu.enqueue_dma source(%dma_start3A_94 : memref<2048xf32, #tpu.memory_space<vmem>>) target(%dma_start3A_92 : memref<2048xf32, #tpu.memory_space<hbm>>) target_semaphore(%arg18 : memref<!tpu.dma_semaphore, #tpu.memory_space<semaphore_mem>>)
        %sub3A_95 = arith.constant 64 : i32
        %sub3A_96 = arith.subi %add3A_16, %sub3A_95 : i32
        %jit3A_97 = arith.constant 64 : i32
        %div3A_98 = arith.divsi %sub3A_96, %jit3A_97 : i32
        %sign3A_99 = arith.constant 0 : i32
        %sign3A_100 = arith.cmpi sgt, %sub3A_96, %sign3A_99 : i32
        %sign3A_101 = arith.extui %sign3A_100 : i1 to i32
        %sign3A_102 = arith.constant 0 : i32
        %sign3A_103 = arith.cmpi slt, %sub3A_96, %sign3A_102 : i32
        %sign3A_104 = arith.extui %sign3A_103 : i1 to i32
        %sign3A_105 = arith.subi %sign3A_101, %sign3A_104 : i32
        %sign3A_106 = arith.constant 0 : i32
        %sign3A_107 = arith.cmpi sgt, %jit3A_97, %sign3A_106 : i32
        %sign3A_108 = arith.extui %sign3A_107 : i1 to i32
        %sign3A_109 = arith.constant 0 : i32
        %sign3A_110 = arith.cmpi slt, %jit3A_97, %sign3A_109 : i32
        %sign3A_111 = arith.extui %sign3A_110 : i1 to i32
        %sign3A_112 = arith.subi %sign3A_108, %sign3A_111 : i32
        %ne3A_113 = arith.cmpi ne, %sign3A_105, %sign3A_112 : i32
        %rem3A_114 = arith.remsi %sub3A_96, %jit3A_97 : i32
        %ne3A_115 = arith.constant 0 : i32
        %ne3A_116 = arith.cmpi ne, %rem3A_114, %ne3A_115 : i32
        %and3A_117 = arith.andi %ne3A_113, %ne3A_116 : i1
        %sub3A_118 = arith.constant 1 : i32
        %sub3A_119 = arith.subi %div3A_98, %sub3A_118 : i32
        %select_n3A_120 = arith.select %and3A_117, %sub3A_119, %div3A_98 : i32
        %broadcast_in_dim3A_121 = vector.broadcast %sub3A_96 : i32 to vector<16xi32>
        %gather3A_122 = tpu.vector_load_idx %arg15[%broadcast_in_dim3A_121] : memref<832xf32, #tpu.memory_space<vmem>>[vector<16xi32>], vector<16xf32>,
        %broadcast_in_dim3A_123 = vector.broadcast %sub3A_96 : i32 to vector<16xi32>
        %gather3A_124 = tpu.vector_load_idx %arg16[%broadcast_in_dim3A_123] : memref<832xf32, #tpu.memory_space<vmem>>[vector<16xi32>], vector<16xf32>,
        %dma_wait3A_125 = arith.constant 2048 : i32
        %dma_wait3A_126 = tpu.memref_slice %arg2[%select_n3A_120, %dma_wait3A_125] : memref<13x16384xf32, #tpu.memory_space<hbm>> -> memref<1x2048xf32, #tpu.memory_space<hbm>>
        %dma_wait3A_127 = tpu.memref_squeeze %dma_wait3A_126 : memref<1x2048xf32, #tpu.memory_space<hbm>> -> memref<2048xf32, #tpu.memory_space<hbm>>
        %dma_wait3A_128 = arith.constant 2048 : i32
        %dma_wait3A_129 = tpu.memref_slice %arg2[%select_n3A_120, %dma_wait3A_128] : memref<13x16384xf32, #tpu.memory_space<hbm>> -> memref<1x2048xf32, #tpu.memory_space<hbm>>
        %dma_wait3A_130 = tpu.memref_squeeze %dma_wait3A_129 : memref<1x2048xf32, #tpu.memory_space<hbm>> -> memref<2048xf32, #tpu.memory_space<hbm>>
        tpu.wait_dma2 semaphore(%arg20 : memref<!tpu.dma_semaphore, #tpu.memory_space<semaphore_mem>>) src(%dma_wait3A_130 : memref<2048xf32, #tpu.memory_space<hbm>>) dst(%arg14 : memref<2048xf32, #tpu.memory_space<vmem>>)
        %dma_start3A_131 = arith.constant 4096 : i32
        %dma_start3A_132 = tpu.memref_slice %arg2[%select_n3A_120, %dma_start3A_131] : memref<13x16384xf32, #tpu.memory_space<hbm>> -> memref<1x2048xf32, #tpu.memory_space<hbm>>
        %dma_start3A_133 = tpu.memref_squeeze %dma_start3A_132 : memref<1x2048xf32, #tpu.memory_space<hbm>> -> memref<2048xf32, #tpu.memory_space<hbm>>
        %dma_start3A_134 = arith.constant 4096 : i32
        %dma_start3A_135 = tpu.memref_slice %arg2[%select_n3A_120, %dma_start3A_134] : memref<13x16384xf32, #tpu.memory_space<hbm>> -> memref<1x2048xf32, #tpu.memory_space<hbm>>
        %dma_start3A_136 = tpu.memref_squeeze %dma_start3A_135 : memref<1x2048xf32, #tpu.memory_space<hbm>> -> memref<2048xf32, #tpu.memory_space<hbm>>
        tpu.enqueue_dma source(%dma_start3A_136 : memref<2048xf32, #tpu.memory_space<hbm>>) target(%arg13 : memref<2048xf32, #tpu.memory_space<vmem>>) target_semaphore(%arg20 : memref<!tpu.dma_semaphore, #tpu.memory_space<semaphore_mem>>)
        %parallel_loop3A_137 = arith.constant 0 : i32
        %parallel_loop3A_138 = arith.constant 128 : i32
        %parallel_loop3A_139 = arith.constant 1 : i32
        scf.for %parallel_loop3A_555 = %parallel_loop3A_137 to %parallel_loop3A_138 step %parallel_loop3A_139  : i32 {
          %parallel_loop3A_556 = arith.constant 16 : i32
          %parallel_loop3A_557 = arith.muli %parallel_loop3A_556, %parallel_loop3A_555 : i32
          %parallel_loop3A_558 = arith.index_cast %parallel_loop3A_557 : i32 to index
          %parallel_loop3A_559 = tpu.vector_load %arg14[%parallel_loop3A_558] {strides = array<i32>} : memref<2048xf32, #tpu.memory_space<vmem>>, vector<16xf32>,
          %parallel_loop3A_560 = arith.mulf %parallel_loop3A_559, %gather3A_122 : vector<16xf32>
          %parallel_loop3A_561 = arith.addf %parallel_loop3A_560, %gather3A_124 : vector<16xf32>
          %parallel_loop3A_562 = arith.constant 16 : i32
          %parallel_loop3A_563 = arith.muli %parallel_loop3A_562, %parallel_loop3A_555 : i32
          %parallel_loop3A_564 = arith.constant 0 : i32
          %parallel_loop3A_565 = tpu.memref_slice %arg12[%parallel_loop3A_564] : memref<4096xf32, #tpu.memory_space<vmem>> -> memref<2048xf32, #tpu.memory_space<vmem>>
          %parallel_loop3A_566 = arith.index_cast %parallel_loop3A_563 : i32 to index
          %parallel_loop3A_567 = tpu.vector_load %parallel_loop3A_565[%parallel_loop3A_566] {strides = array<i32>} : memref<2048xf32, #tpu.memory_space<vmem>>, vector<16xf32>,
          tpu.vector_store %parallel_loop3A_565[%parallel_loop3A_566], %parallel_loop3A_561 {strides = array<i32>} : memref<2048xf32, #tpu.memory_space<vmem>>, vector<16xf32>,
        } {sc.loop_unroll_factor = 8 : i64, sc.parallel_access}
        %dma_start3A_140 = arith.constant 0 : i32
        %dma_start3A_141 = tpu.memref_slice %arg12[%dma_start3A_140] : memref<4096xf32, #tpu.memory_space<vmem>> -> memref<2048xf32, #tpu.memory_space<vmem>>
        %dma_start3A_142 = arith.constant 2048 : i32
        %dma_start3A_143 = tpu.memref_slice %arg8[%add3A_16, %dma_start3A_142] : memref<2560x16384xf32, #tpu.memory_space<hbm>> -> memref<1x2048xf32, #tpu.memory_space<hbm>>
        %dma_start3A_144 = tpu.memref_squeeze %dma_start3A_143 : memref<1x2048xf32, #tpu.memory_space<hbm>> -> memref<2048xf32, #tpu.memory_space<hbm>>
        %dma_start3A_145 = arith.constant 2048 : i32
        %dma_start3A_146 = tpu.memref_slice %arg8[%add3A_16, %dma_start3A_145] : memref<2560x16384xf32, #tpu.memory_space<hbm>> -> memref<1x2048xf32, #tpu.memory_space<hbm>>
        %dma_start3A_147 = tpu.memref_squeeze %dma_start3A_146 : memref<1x2048xf32, #tpu.memory_space<hbm>> -> memref<2048xf32, #tpu.memory_space<hbm>>
        %dma_start3A_148 = arith.constant 0 : i32
        %dma_start3A_149 = tpu.memref_slice %arg12[%dma_start3A_148] : memref<4096xf32, #tpu.memory_space<vmem>> -> memref<2048xf32, #tpu.memory_space<vmem>>
        tpu.enqueue_dma source(%dma_start3A_149 : memref<2048xf32, #tpu.memory_space<vmem>>) target(%dma_start3A_147 : memref<2048xf32, #tpu.memory_space<hbm>>) target_semaphore(%arg18 : memref<!tpu.dma_semaphore, #tpu.memory_space<semaphore_mem>>)
        %dma_wait3A_150 = arith.constant 0 : i32
        %dma_wait3A_151 = tpu.memref_slice %arg11[%dma_wait3A_150] : memref<4096xf32, #tpu.memory_space<vmem>> -> memref<2048xf32, #tpu.memory_space<vmem>>
        %dma_wait3A_152 = arith.constant 0 : i32
        %dma_wait3A_153 = tpu.memref_slice %arg8[%add3A_16, %dma_wait3A_152] : memref<2560x16384xf32, #tpu.memory_space<hbm>> -> memref<1x2048xf32, #tpu.memory_space<hbm>>
        %dma_wait3A_154 = tpu.memref_squeeze %dma_wait3A_153 : memref<1x2048xf32, #tpu.memory_space<hbm>> -> memref<2048xf32, #tpu.memory_space<hbm>>
        %dma_wait3A_155 = arith.constant 0 : i32
        %dma_wait3A_156 = tpu.memref_slice %arg8[%add3A_16, %dma_wait3A_155] : memref<2560x16384xf32, #tpu.memory_space<hbm>> -> memref<1x2048xf32, #tpu.memory_space<hbm>>
        %dma_wait3A_157 = tpu.memref_squeeze %dma_wait3A_156 : memref<1x2048xf32, #tpu.memory_space<hbm>> -> memref<2048xf32, #tpu.memory_space<hbm>>
        %dma_wait3A_158 = arith.constant 0 : i32
        %dma_wait3A_159 = tpu.memref_slice %arg11[%dma_wait3A_158] : memref<4096xf32, #tpu.memory_space<vmem>> -> memref<2048xf32, #tpu.memory_space<vmem>>
        tpu.wait_dma2 semaphore(%arg18 : memref<!tpu.dma_semaphore, #tpu.memory_space<semaphore_mem>>) src(%dma_wait3A_159 : memref<2048xf32, #tpu.memory_space<vmem>>) dst(%dma_wait3A_157 : memref<2048xf32, #tpu.memory_space<hbm>>)
        %sub3A_160 = arith.constant 64 : i32
        %sub3A_161 = arith.subi %add3A_16, %sub3A_160 : i32
        %jit3A_162 = arith.constant 64 : i32
        %div3A_163 = arith.divsi %sub3A_161, %jit3A_162 : i32
        %sign3A_164 = arith.constant 0 : i32
        %sign3A_165 = arith.cmpi sgt, %sub3A_161, %sign3A_164 : i32
        %sign3A_166 = arith.extui %sign3A_165 : i1 to i32
        %sign3A_167 = arith.constant 0 : i32
        %sign3A_168 = arith.cmpi slt, %sub3A_161, %sign3A_167 : i32
        %sign3A_169 = arith.extui %sign3A_168 : i1 to i32
        %sign3A_170 = arith.subi %sign3A_166, %sign3A_169 : i32
        %sign3A_171 = arith.constant 0 : i32
        %sign3A_172 = arith.cmpi sgt, %jit3A_162, %sign3A_171 : i32
        %sign3A_173 = arith.extui %sign3A_172 : i1 to i32
        %sign3A_174 = arith.constant 0 : i32
        %sign3A_175 = arith.cmpi slt, %jit3A_162, %sign3A_174 : i32
        %sign3A_176 = arith.extui %sign3A_175 : i1 to i32
        %sign3A_177 = arith.subi %sign3A_173, %sign3A_176 : i32
        %ne3A_178 = arith.cmpi ne, %sign3A_170, %sign3A_177 : i32
        %rem3A_179 = arith.remsi %sub3A_161, %jit3A_162 : i32
        %ne3A_180 = arith.constant 0 : i32
        %ne3A_181 = arith.cmpi ne, %rem3A_179, %ne3A_180 : i32
        %and3A_182 = arith.andi %ne3A_178, %ne3A_181 : i1
        %sub3A_183 = arith.constant 1 : i32
        %sub3A_184 = arith.subi %div3A_163, %sub3A_183 : i32
        %select_n3A_185 = arith.select %and3A_182, %sub3A_184, %div3A_163 : i32
        %broadcast_in_dim3A_186 = vector.broadcast %sub3A_161 : i32 to vector<16xi32>
        %gather3A_187 = tpu.vector_load_idx %arg15[%broadcast_in_dim3A_186] : memref<832xf32, #tpu.memory_space<vmem>>[vector<16xi32>], vector<16xf32>,
        %broadcast_in_dim3A_188 = vector.broadcast %sub3A_161 : i32 to vector<16xi32>
        %gather3A_189 = tpu.vector_load_idx %arg16[%broadcast_in_dim3A_188] : memref<832xf32, #tpu.memory_space<vmem>>[vector<16xi32>], vector<16xf32>,
        %dma_wait3A_190 = arith.constant 4096 : i32
        %dma_wait3A_191 = tpu.memref_slice %arg2[%select_n3A_185, %dma_wait3A_190] : memref<13x16384xf32, #tpu.memory_space<hbm>> -> memref<1x2048xf32, #tpu.memory_space<hbm>>
        %dma_wait3A_192 = tpu.memref_squeeze %dma_wait3A_191 : memref<1x2048xf32, #tpu.memory_space<hbm>> -> memref<2048xf32, #tpu.memory_space<hbm>>
        %dma_wait3A_193 = arith.constant 4096 : i32
        %dma_wait3A_194 = tpu.memref_slice %arg2[%select_n3A_185, %dma_wait3A_193] : memref<13x16384xf32, #tpu.memory_space<hbm>> -> memref<1x2048xf32, #tpu.memory_space<hbm>>
        %dma_wait3A_195 = tpu.memref_squeeze %dma_wait3A_194 : memref<1x2048xf32, #tpu.memory_space<hbm>> -> memref<2048xf32, #tpu.memory_space<hbm>>
        tpu.wait_dma2 semaphore(%arg20 : memref<!tpu.dma_semaphore, #tpu.memory_space<semaphore_mem>>) src(%dma_wait3A_195 : memref<2048xf32, #tpu.memory_space<hbm>>) dst(%arg13 : memref<2048xf32, #tpu.memory_space<vmem>>)
        %dma_start3A_196 = arith.constant 6144 : i32
        %dma_start3A_197 = tpu.memref_slice %arg2[%select_n3A_185, %dma_start3A_196] : memref<13x16384xf32, #tpu.memory_space<hbm>> -> memref<1x2048xf32, #tpu.memory_space<hbm>>
        %dma_start3A_198 = tpu.memref_squeeze %dma_start3A_197 : memref<1x2048xf32, #tpu.memory_space<hbm>> -> memref<2048xf32, #tpu.memory_space<hbm>>
        %dma_start3A_199 = arith.constant 6144 : i32
        %dma_start3A_200 = tpu.memref_slice %arg2[%select_n3A_185, %dma_start3A_199] : memref<13x16384xf32, #tpu.memory_space<hbm>> -> memref<1x2048xf32, #tpu.memory_space<hbm>>
        %dma_start3A_201 = tpu.memref_squeeze %dma_start3A_200 : memref<1x2048xf32, #tpu.memory_space<hbm>> -> memref<2048xf32, #tpu.memory_space<hbm>>
        tpu.enqueue_dma source(%dma_start3A_201 : memref<2048xf32, #tpu.memory_space<hbm>>) target(%arg14 : memref<2048xf32, #tpu.memory_space<vmem>>) target_semaphore(%arg20 : memref<!tpu.dma_semaphore, #tpu.memory_space<semaphore_mem>>)
        %parallel_loop3A_202 = arith.constant 0 : i32
        %parallel_loop3A_203 = arith.constant 128 : i32
        %parallel_loop3A_204 = arith.constant 1 : i32
        scf.for %parallel_loop3A_555 = %parallel_loop3A_202 to %parallel_loop3A_203 step %parallel_loop3A_204  : i32 {
          %parallel_loop3A_556 = arith.constant 16 : i32
          %parallel_loop3A_557 = arith.muli %parallel_loop3A_556, %parallel_loop3A_555 : i32
          %parallel_loop3A_558 = arith.index_cast %parallel_loop3A_557 : i32 to index
          %parallel_loop3A_559 = tpu.vector_load %arg13[%parallel_loop3A_558] {strides = array<i32>} : memref<2048xf32, #tpu.memory_space<vmem>>, vector<16xf32>,
          %parallel_loop3A_560 = arith.mulf %parallel_loop3A_559, %gather3A_187 : vector<16xf32>
          %parallel_loop3A_561 = arith.addf %parallel_loop3A_560, %gather3A_189 : vector<16xf32>
          %parallel_loop3A_562 = arith.constant 16 : i32
          %parallel_loop3A_563 = arith.muli %parallel_loop3A_562, %parallel_loop3A_555 : i32
          %parallel_loop3A_564 = arith.constant 0 : i32
          %parallel_loop3A_565 = tpu.memref_slice %arg11[%parallel_loop3A_564] : memref<4096xf32, #tpu.memory_space<vmem>> -> memref<2048xf32, #tpu.memory_space<vmem>>
          %parallel_loop3A_566 = arith.index_cast %parallel_loop3A_563 : i32 to index
          %parallel_loop3A_567 = tpu.vector_load %parallel_loop3A_565[%parallel_loop3A_566] {strides = array<i32>} : memref<2048xf32, #tpu.memory_space<vmem>>, vector<16xf32>,
          tpu.vector_store %parallel_loop3A_565[%parallel_loop3A_566], %parallel_loop3A_561 {strides = array<i32>} : memref<2048xf32, #tpu.memory_space<vmem>>, vector<16xf32>,
        } {sc.loop_unroll_factor = 8 : i64, sc.parallel_access}
        %dma_start3A_205 = arith.constant 0 : i32
        %dma_start3A_206 = tpu.memref_slice %arg11[%dma_start3A_205] : memref<4096xf32, #tpu.memory_space<vmem>> -> memref<2048xf32, #tpu.memory_space<vmem>>
        %dma_start3A_207 = arith.constant 4096 : i32
        %dma_start3A_208 = tpu.memref_slice %arg8[%add3A_16, %dma_start3A_207] : memref<2560x16384xf32, #tpu.memory_space<hbm>> -> memref<1x2048xf32, #tpu.memory_space<hbm>>
        %dma_start3A_209 = tpu.memref_squeeze %dma_start3A_208 : memref<1x2048xf32, #tpu.memory_space<hbm>> -> memref<2048xf32, #tpu.memory_space<hbm>>
        %dma_start3A_210 = arith.constant 4096 : i32
        %dma_start3A_211 = tpu.memref_slice %arg8[%add3A_16, %dma_start3A_210] : memref<2560x16384xf32, #tpu.memory_space<hbm>> -> memref<1x2048xf32, #tpu.memory_space<hbm>>
        %dma_start3A_212 = tpu.memref_squeeze %dma_start3A_211 : memref<1x2048xf32, #tpu.memory_space<hbm>> -> memref<2048xf32, #tpu.memory_space<hbm>>
        %dma_start3A_213 = arith.constant 0 : i32
        %dma_start3A_214 = tpu.memref_slice %arg11[%dma_start3A_213] : memref<4096xf32, #tpu.memory_space<vmem>> -> memref<2048xf32, #tpu.memory_space<vmem>>
        tpu.enqueue_dma source(%dma_start3A_214 : memref<2048xf32, #tpu.memory_space<vmem>>) target(%dma_start3A_212 : memref<2048xf32, #tpu.memory_space<hbm>>) target_semaphore(%arg18 : memref<!tpu.dma_semaphore, #tpu.memory_space<semaphore_mem>>)
        %dma_wait3A_215 = arith.constant 0 : i32
        %dma_wait3A_216 = tpu.memref_slice %arg12[%dma_wait3A_215] : memref<4096xf32, #tpu.memory_space<vmem>> -> memref<2048xf32, #tpu.memory_space<vmem>>
        %dma_wait3A_217 = arith.constant 2048 : i32
        %dma_wait3A_218 = tpu.memref_slice %arg8[%add3A_16, %dma_wait3A_217] : memref<2560x16384xf32, #tpu.memory_space<hbm>> -> memref<1x2048xf32, #tpu.memory_space<hbm>>
        %dma_wait3A_219 = tpu.memref_squeeze %dma_wait3A_218 : memref<1x2048xf32, #tpu.memory_space<hbm>> -> memref<2048xf32, #tpu.memory_space<hbm>>
        %dma_wait3A_220 = arith.constant 2048 : i32
        %dma_wait3A_221 = tpu.memref_slice %arg8[%add3A_16, %dma_wait3A_220] : memref<2560x16384xf32, #tpu.memory_space<hbm>> -> memref<1x2048xf32, #tpu.memory_space<hbm>>
        %dma_wait3A_222 = tpu.memref_squeeze %dma_wait3A_221 : memref<1x2048xf32, #tpu.memory_space<hbm>> -> memref<2048xf32, #tpu.memory_space<hbm>>
        %dma_wait3A_223 = arith.constant 0 : i32
        %dma_wait3A_224 = tpu.memref_slice %arg12[%dma_wait3A_223] : memref<4096xf32, #tpu.memory_space<vmem>> -> memref<2048xf32, #tpu.memory_space<vmem>>
        tpu.wait_dma2 semaphore(%arg18 : memref<!tpu.dma_semaphore, #tpu.memory_space<semaphore_mem>>) src(%dma_wait3A_224 : memref<2048xf32, #tpu.memory_space<vmem>>) dst(%dma_wait3A_222 : memref<2048xf32, #tpu.memory_space<hbm>>)
        %sub3A_225 = arith.constant 64 : i32
        %sub3A_226 = arith.subi %add3A_16, %sub3A_225 : i32
        %jit3A_227 = arith.constant 64 : i32
        %div3A_228 = arith.divsi %sub3A_226, %jit3A_227 : i32
        %sign3A_229 = arith.constant 0 : i32
        %sign3A_230 = arith.cmpi sgt, %sub3A_226, %sign3A_229 : i32
        %sign3A_231 = arith.extui %sign3A_230 : i1 to i32
        %sign3A_232 = arith.constant 0 : i32
        %sign3A_233 = arith.cmpi slt, %sub3A_226, %sign3A_232 : i32
        %sign3A_234 = arith.extui %sign3A_233 : i1 to i32
        %sign3A_235 = arith.subi %sign3A_231, %sign3A_234 : i32
        %sign3A_236 = arith.constant 0 : i32
        %sign3A_237 = arith.cmpi sgt, %jit3A_227, %sign3A_236 : i32
        %sign3A_238 = arith.extui %sign3A_237 : i1 to i32
        %sign3A_239 = arith.constant 0 : i32
        %sign3A_240 = arith.cmpi slt, %jit3A_227, %sign3A_239 : i32
        %sign3A_241 = arith.extui %sign3A_240 : i1 to i32
        %sign3A_242 = arith.subi %sign3A_238, %sign3A_241 : i32
        %ne3A_243 = arith.cmpi ne, %sign3A_235, %sign3A_242 : i32
        %rem3A_244 = arith.remsi %sub3A_226, %jit3A_227 : i32
        %ne3A_245 = arith.constant 0 : i32
        %ne3A_246 = arith.cmpi ne, %rem3A_244, %ne3A_245 : i32
        %and3A_247 = arith.andi %ne3A_243, %ne3A_246 : i1
        %sub3A_248 = arith.constant 1 : i32
        %sub3A_249 = arith.subi %div3A_228, %sub3A_248 : i32
        %select_n3A_250 = arith.select %and3A_247, %sub3A_249, %div3A_228 : i32
        %broadcast_in_dim3A_251 = vector.broadcast %sub3A_226 : i32 to vector<16xi32>
        %gather3A_252 = tpu.vector_load_idx %arg15[%broadcast_in_dim3A_251] : memref<832xf32, #tpu.memory_space<vmem>>[vector<16xi32>], vector<16xf32>,
        %broadcast_in_dim3A_253 = vector.broadcast %sub3A_226 : i32 to vector<16xi32>
        %gather3A_254 = tpu.vector_load_idx %arg16[%broadcast_in_dim3A_253] : memref<832xf32, #tpu.memory_space<vmem>>[vector<16xi32>], vector<16xf32>,
        %dma_wait3A_255 = arith.constant 6144 : i32
        %dma_wait3A_256 = tpu.memref_slice %arg2[%select_n3A_250, %dma_wait3A_255] : memref<13x16384xf32, #tpu.memory_space<hbm>> -> memref<1x2048xf32, #tpu.memory_space<hbm>>
        %dma_wait3A_257 = tpu.memref_squeeze %dma_wait3A_256 : memref<1x2048xf32, #tpu.memory_space<hbm>> -> memref<2048xf32, #tpu.memory_space<hbm>>
        %dma_wait3A_258 = arith.constant 6144 : i32
        %dma_wait3A_259 = tpu.memref_slice %arg2[%select_n3A_250, %dma_wait3A_258] : memref<13x16384xf32, #tpu.memory_space<hbm>> -> memref<1x2048xf32, #tpu.memory_space<hbm>>
        %dma_wait3A_260 = tpu.memref_squeeze %dma_wait3A_259 : memref<1x2048xf32, #tpu.memory_space<hbm>> -> memref<2048xf32, #tpu.memory_space<hbm>>
        tpu.wait_dma2 semaphore(%arg20 : memref<!tpu.dma_semaphore, #tpu.memory_space<semaphore_mem>>) src(%dma_wait3A_260 : memref<2048xf32, #tpu.memory_space<hbm>>) dst(%arg14 : memref<2048xf32, #tpu.memory_space<vmem>>)
        %dma_start3A_261 = arith.constant 8192 : i32
        %dma_start3A_262 = tpu.memref_slice %arg2[%select_n3A_250, %dma_start3A_261] : memref<13x16384xf32, #tpu.memory_space<hbm>> -> memref<1x2048xf32, #tpu.memory_space<hbm>>
        %dma_start3A_263 = tpu.memref_squeeze %dma_start3A_262 : memref<1x2048xf32, #tpu.memory_space<hbm>> -> memref<2048xf32, #tpu.memory_space<hbm>>
        %dma_start3A_264 = arith.constant 8192 : i32
        %dma_start3A_265 = tpu.memref_slice %arg2[%select_n3A_250, %dma_start3A_264] : memref<13x16384xf32, #tpu.memory_space<hbm>> -> memref<1x2048xf32, #tpu.memory_space<hbm>>
        %dma_start3A_266 = tpu.memref_squeeze %dma_start3A_265 : memref<1x2048xf32, #tpu.memory_space<hbm>> -> memref<2048xf32, #tpu.memory_space<hbm>>
        tpu.enqueue_dma source(%dma_start3A_266 : memref<2048xf32, #tpu.memory_space<hbm>>) target(%arg13 : memref<2048xf32, #tpu.memory_space<vmem>>) target_semaphore(%arg20 : memref<!tpu.dma_semaphore, #tpu.memory_space<semaphore_mem>>)
        %parallel_loop3A_267 = arith.constant 0 : i32
        %parallel_loop3A_268 = arith.constant 128 : i32
        %parallel_loop3A_269 = arith.constant 1 : i32
        scf.for %parallel_loop3A_555 = %parallel_loop3A_267 to %parallel_loop3A_268 step %parallel_loop3A_269  : i32 {
          %parallel_loop3A_556 = arith.constant 16 : i32
          %parallel_loop3A_557 = arith.muli %parallel_loop3A_556, %parallel_loop3A_555 : i32
          %parallel_loop3A_558 = arith.index_cast %parallel_loop3A_557 : i32 to index
          %parallel_loop3A_559 = tpu.vector_load %arg14[%parallel_loop3A_558] {strides = array<i32>} : memref<2048xf32, #tpu.memory_space<vmem>>, vector<16xf32>,
          %parallel_loop3A_560 = arith.mulf %parallel_loop3A_559, %gather3A_252 : vector<16xf32>
          %parallel_loop3A_561 = arith.addf %parallel_loop3A_560, %gather3A_254 : vector<16xf32>
          %parallel_loop3A_562 = arith.constant 16 : i32
          %parallel_loop3A_563 = arith.muli %parallel_loop3A_562, %parallel_loop3A_555 : i32
          %parallel_loop3A_564 = arith.constant 0 : i32
          %parallel_loop3A_565 = tpu.memref_slice %arg12[%parallel_loop3A_564] : memref<4096xf32, #tpu.memory_space<vmem>> -> memref<2048xf32, #tpu.memory_space<vmem>>
          %parallel_loop3A_566 = arith.index_cast %parallel_loop3A_563 : i32 to index
          %parallel_loop3A_567 = tpu.vector_load %parallel_loop3A_565[%parallel_loop3A_566] {strides = array<i32>} : memref<2048xf32, #tpu.memory_space<vmem>>, vector<16xf32>,
          tpu.vector_store %parallel_loop3A_565[%parallel_loop3A_566], %parallel_loop3A_561 {strides = array<i32>} : memref<2048xf32, #tpu.memory_space<vmem>>, vector<16xf32>,
        } {sc.loop_unroll_factor = 8 : i64, sc.parallel_access}
        %dma_start3A_270 = arith.constant 0 : i32
        %dma_start3A_271 = tpu.memref_slice %arg12[%dma_start3A_270] : memref<4096xf32, #tpu.memory_space<vmem>> -> memref<2048xf32, #tpu.memory_space<vmem>>
        %dma_start3A_272 = arith.constant 6144 : i32
        %dma_start3A_273 = tpu.memref_slice %arg8[%add3A_16, %dma_start3A_272] : memref<2560x16384xf32, #tpu.memory_space<hbm>> -> memref<1x2048xf32, #tpu.memory_space<hbm>>
        %dma_start3A_274 = tpu.memref_squeeze %dma_start3A_273 : memref<1x2048xf32, #tpu.memory_space<hbm>> -> memref<2048xf32, #tpu.memory_space<hbm>>
        %dma_start3A_275 = arith.constant 6144 : i32
        %dma_start3A_276 = tpu.memref_slice %arg8[%add3A_16, %dma_start3A_275] : memref<2560x16384xf32, #tpu.memory_space<hbm>> -> memref<1x2048xf32, #tpu.memory_space<hbm>>
        %dma_start3A_277 = tpu.memref_squeeze %dma_start3A_276 : memref<1x2048xf32, #tpu.memory_space<hbm>> -> memref<2048xf32, #tpu.memory_space<hbm>>
        %dma_start3A_278 = arith.constant 0 : i32
        %dma_start3A_279 = tpu.memref_slice %arg12[%dma_start3A_278] : memref<4096xf32, #tpu.memory_space<vmem>> -> memref<2048xf32, #tpu.memory_space<vmem>>
        tpu.enqueue_dma source(%dma_start3A_279 : memref<2048xf32, #tpu.memory_space<vmem>>) target(%dma_start3A_277 : memref<2048xf32, #tpu.memory_space<hbm>>) target_semaphore(%arg18 : memref<!tpu.dma_semaphore, #tpu.memory_space<semaphore_mem>>)
        %dma_wait3A_280 = arith.constant 0 : i32
        %dma_wait3A_281 = tpu.memref_slice %arg11[%dma_wait3A_280] : memref<4096xf32, #tpu.memory_space<vmem>> -> memref<2048xf32, #tpu.memory_space<vmem>>
        %dma_wait3A_282 = arith.constant 4096 : i32
        %dma_wait3A_283 = tpu.memref_slice %arg8[%add3A_16, %dma_wait3A_282] : memref<2560x16384xf32, #tpu.memory_space<hbm>> -> memref<1x2048xf32, #tpu.memory_space<hbm>>
        %dma_wait3A_284 = tpu.memref_squeeze %dma_wait3A_283 : memref<1x2048xf32, #tpu.memory_space<hbm>> -> memref<2048xf32, #tpu.memory_space<hbm>>
        %dma_wait3A_285 = arith.constant 4096 : i32
        %dma_wait3A_286 = tpu.memref_slice %arg8[%add3A_16, %dma_wait3A_285] : memref<2560x16384xf32, #tpu.memory_space<hbm>> -> memref<1x2048xf32, #tpu.memory_space<hbm>>
        %dma_wait3A_287 = tpu.memref_squeeze %dma_wait3A_286 : memref<1x2048xf32, #tpu.memory_space<hbm>> -> memref<2048xf32, #tpu.memory_space<hbm>>
        %dma_wait3A_288 = arith.constant 0 : i32
        %dma_wait3A_289 = tpu.memref_slice %arg11[%dma_wait3A_288] : memref<4096xf32, #tpu.memory_space<vmem>> -> memref<2048xf32, #tpu.memory_space<vmem>>
        tpu.wait_dma2 semaphore(%arg18 : memref<!tpu.dma_semaphore, #tpu.memory_space<semaphore_mem>>) src(%dma_wait3A_289 : memref<2048xf32, #tpu.memory_space<vmem>>) dst(%dma_wait3A_287 : memref<2048xf32, #tpu.memory_space<hbm>>)
        %sub3A_290 = arith.constant 64 : i32
        %sub3A_291 = arith.subi %add3A_16, %sub3A_290 : i32
        %jit3A_292 = arith.constant 64 : i32
        %div3A_293 = arith.divsi %sub3A_291, %jit3A_292 : i32
        %sign3A_294 = arith.constant 0 : i32
        %sign3A_295 = arith.cmpi sgt, %sub3A_291, %sign3A_294 : i32
        %sign3A_296 = arith.extui %sign3A_295 : i1 to i32
        %sign3A_297 = arith.constant 0 : i32
        %sign3A_298 = arith.cmpi slt, %sub3A_291, %sign3A_297 : i32
        %sign3A_299 = arith.extui %sign3A_298 : i1 to i32
        %sign3A_300 = arith.subi %sign3A_296, %sign3A_299 : i32
        %sign3A_301 = arith.constant 0 : i32
        %sign3A_302 = arith.cmpi sgt, %jit3A_292, %sign3A_301 : i32
        %sign3A_303 = arith.extui %sign3A_302 : i1 to i32
        %sign3A_304 = arith.constant 0 : i32
        %sign3A_305 = arith.cmpi slt, %jit3A_292, %sign3A_304 : i32
        %sign3A_306 = arith.extui %sign3A_305 : i1 to i32
        %sign3A_307 = arith.subi %sign3A_303, %sign3A_306 : i32
        %ne3A_308 = arith.cmpi ne, %sign3A_300, %sign3A_307 : i32
        %rem3A_309 = arith.remsi %sub3A_291, %jit3A_292 : i32
        %ne3A_310 = arith.constant 0 : i32
        %ne3A_311 = arith.cmpi ne, %rem3A_309, %ne3A_310 : i32
        %and3A_312 = arith.andi %ne3A_308, %ne3A_311 : i1
        %sub3A_313 = arith.constant 1 : i32
        %sub3A_314 = arith.subi %div3A_293, %sub3A_313 : i32
        %select_n3A_315 = arith.select %and3A_312, %sub3A_314, %div3A_293 : i32
        %broadcast_in_dim3A_316 = vector.broadcast %sub3A_291 : i32 to vector<16xi32>
        %gather3A_317 = tpu.vector_load_idx %arg15[%broadcast_in_dim3A_316] : memref<832xf32, #tpu.memory_space<vmem>>[vector<16xi32>], vector<16xf32>,
        %broadcast_in_dim3A_318 = vector.broadcast %sub3A_291 : i32 to vector<16xi32>
        %gather3A_319 = tpu.vector_load_idx %arg16[%broadcast_in_dim3A_318] : memref<832xf32, #tpu.memory_space<vmem>>[vector<16xi32>], vector<16xf32>,
        %dma_wait3A_320 = arith.constant 8192 : i32
        %dma_wait3A_321 = tpu.memref_slice %arg2[%select_n3A_315, %dma_wait3A_320] : memref<13x16384xf32, #tpu.memory_space<hbm>> -> memref<1x2048xf32, #tpu.memory_space<hbm>>
        %dma_wait3A_322 = tpu.memref_squeeze %dma_wait3A_321 : memref<1x2048xf32, #tpu.memory_space<hbm>> -> memref<2048xf32, #tpu.memory_space<hbm>>
        %dma_wait3A_323 = arith.constant 8192 : i32
        %dma_wait3A_324 = tpu.memref_slice %arg2[%select_n3A_315, %dma_wait3A_323] : memref<13x16384xf32, #tpu.memory_space<hbm>> -> memref<1x2048xf32, #tpu.memory_space<hbm>>
        %dma_wait3A_325 = tpu.memref_squeeze %dma_wait3A_324 : memref<1x2048xf32, #tpu.memory_space<hbm>> -> memref<2048xf32, #tpu.memory_space<hbm>>
        tpu.wait_dma2 semaphore(%arg20 : memref<!tpu.dma_semaphore, #tpu.memory_space<semaphore_mem>>) src(%dma_wait3A_325 : memref<2048xf32, #tpu.memory_space<hbm>>) dst(%arg13 : memref<2048xf32, #tpu.memory_space<vmem>>)
        %dma_start3A_326 = arith.constant 10240 : i32
        %dma_start3A_327 = tpu.memref_slice %arg2[%select_n3A_315, %dma_start3A_326] : memref<13x16384xf32, #tpu.memory_space<hbm>> -> memref<1x2048xf32, #tpu.memory_space<hbm>>
        %dma_start3A_328 = tpu.memref_squeeze %dma_start3A_327 : memref<1x2048xf32, #tpu.memory_space<hbm>> -> memref<2048xf32, #tpu.memory_space<hbm>>
        %dma_start3A_329 = arith.constant 10240 : i32
        %dma_start3A_330 = tpu.memref_slice %arg2[%select_n3A_315, %dma_start3A_329] : memref<13x16384xf32, #tpu.memory_space<hbm>> -> memref<1x2048xf32, #tpu.memory_space<hbm>>
        %dma_start3A_331 = tpu.memref_squeeze %dma_start3A_330 : memref<1x2048xf32, #tpu.memory_space<hbm>> -> memref<2048xf32, #tpu.memory_space<hbm>>
        tpu.enqueue_dma source(%dma_start3A_331 : memref<2048xf32, #tpu.memory_space<hbm>>) target(%arg14 : memref<2048xf32, #tpu.memory_space<vmem>>) target_semaphore(%arg20 : memref<!tpu.dma_semaphore, #tpu.memory_space<semaphore_mem>>)
        %parallel_loop3A_332 = arith.constant 0 : i32
        %parallel_loop3A_333 = arith.constant 128 : i32
        %parallel_loop3A_334 = arith.constant 1 : i32
        scf.for %parallel_loop3A_555 = %parallel_loop3A_332 to %parallel_loop3A_333 step %parallel_loop3A_334  : i32 {
          %parallel_loop3A_556 = arith.constant 16 : i32
          %parallel_loop3A_557 = arith.muli %parallel_loop3A_556, %parallel_loop3A_555 : i32
          %parallel_loop3A_558 = arith.index_cast %parallel_loop3A_557 : i32 to index
          %parallel_loop3A_559 = tpu.vector_load %arg13[%parallel_loop3A_558] {strides = array<i32>} : memref<2048xf32, #tpu.memory_space<vmem>>, vector<16xf32>,
          %parallel_loop3A_560 = arith.mulf %parallel_loop3A_559, %gather3A_317 : vector<16xf32>
          %parallel_loop3A_561 = arith.addf %parallel_loop3A_560, %gather3A_319 : vector<16xf32>
          %parallel_loop3A_562 = arith.constant 16 : i32
          %parallel_loop3A_563 = arith.muli %parallel_loop3A_562, %parallel_loop3A_555 : i32
          %parallel_loop3A_564 = arith.constant 0 : i32
          %parallel_loop3A_565 = tpu.memref_slice %arg11[%parallel_loop3A_564] : memref<4096xf32, #tpu.memory_space<vmem>> -> memref<2048xf32, #tpu.memory_space<vmem>>
          %parallel_loop3A_566 = arith.index_cast %parallel_loop3A_563 : i32 to index
          %parallel_loop3A_567 = tpu.vector_load %parallel_loop3A_565[%parallel_loop3A_566] {strides = array<i32>} : memref<2048xf32, #tpu.memory_space<vmem>>, vector<16xf32>,
          tpu.vector_store %parallel_loop3A_565[%parallel_loop3A_566], %parallel_loop3A_561 {strides = array<i32>} : memref<2048xf32, #tpu.memory_space<vmem>>, vector<16xf32>,
        } {sc.loop_unroll_factor = 8 : i64, sc.parallel_access}
        %dma_start3A_335 = arith.constant 0 : i32
        %dma_start3A_336 = tpu.memref_slice %arg11[%dma_start3A_335] : memref<4096xf32, #tpu.memory_space<vmem>> -> memref<2048xf32, #tpu.memory_space<vmem>>
        %dma_start3A_337 = arith.constant 8192 : i32
        %dma_start3A_338 = tpu.memref_slice %arg8[%add3A_16, %dma_start3A_337] : memref<2560x16384xf32, #tpu.memory_space<hbm>> -> memref<1x2048xf32, #tpu.memory_space<hbm>>
        %dma_start3A_339 = tpu.memref_squeeze %dma_start3A_338 : memref<1x2048xf32, #tpu.memory_space<hbm>> -> memref<2048xf32, #tpu.memory_space<hbm>>
        %dma_start3A_340 = arith.constant 8192 : i32
        %dma_start3A_341 = tpu.memref_slice %arg8[%add3A_16, %dma_start3A_340] : memref<2560x16384xf32, #tpu.memory_space<hbm>> -> memref<1x2048xf32, #tpu.memory_space<hbm>>
        %dma_start3A_342 = tpu.memref_squeeze %dma_start3A_341 : memref<1x2048xf32, #tpu.memory_space<hbm>> -> memref<2048xf32, #tpu.memory_space<hbm>>
        %dma_start3A_343 = arith.constant 0 : i32
        %dma_start3A_344 = tpu.memref_slice %arg11[%dma_start3A_343] : memref<4096xf32, #tpu.memory_space<vmem>> -> memref<2048xf32, #tpu.memory_space<vmem>>
        tpu.enqueue_dma source(%dma_start3A_344 : memref<2048xf32, #tpu.memory_space<vmem>>) target(%dma_start3A_342 : memref<2048xf32, #tpu.memory_space<hbm>>) target_semaphore(%arg18 : memref<!tpu.dma_semaphore, #tpu.memory_space<semaphore_mem>>)
        %dma_wait3A_345 = arith.constant 0 : i32
        %dma_wait3A_346 = tpu.memref_slice %arg12[%dma_wait3A_345] : memref<4096xf32, #tpu.memory_space<vmem>> -> memref<2048xf32, #tpu.memory_space<vmem>>
        %dma_wait3A_347 = arith.constant 6144 : i32
        %dma_wait3A_348 = tpu.memref_slice %arg8[%add3A_16, %dma_wait3A_347] : memref<2560x16384xf32, #tpu.memory_space<hbm>> -> memref<1x2048xf32, #tpu.memory_space<hbm>>
        %dma_wait3A_349 = tpu.memref_squeeze %dma_wait3A_348 : memref<1x2048xf32, #tpu.memory_space<hbm>> -> memref<2048xf32, #tpu.memory_space<hbm>>
        %dma_wait3A_350 = arith.constant 6144 : i32
        %dma_wait3A_351 = tpu.memref_slice %arg8[%add3A_16, %dma_wait3A_350] : memref<2560x16384xf32, #tpu.memory_space<hbm>> -> memref<1x2048xf32, #tpu.memory_space<hbm>>
        %dma_wait3A_352 = tpu.memref_squeeze %dma_wait3A_351 : memref<1x2048xf32, #tpu.memory_space<hbm>> -> memref<2048xf32, #tpu.memory_space<hbm>>
        %dma_wait3A_353 = arith.constant 0 : i32
        %dma_wait3A_354 = tpu.memref_slice %arg12[%dma_wait3A_353] : memref<4096xf32, #tpu.memory_space<vmem>> -> memref<2048xf32, #tpu.memory_space<vmem>>
        tpu.wait_dma2 semaphore(%arg18 : memref<!tpu.dma_semaphore, #tpu.memory_space<semaphore_mem>>) src(%dma_wait3A_354 : memref<2048xf32, #tpu.memory_space<vmem>>) dst(%dma_wait3A_352 : memref<2048xf32, #tpu.memory_space<hbm>>)
        %sub3A_355 = arith.constant 64 : i32
        %sub3A_356 = arith.subi %add3A_16, %sub3A_355 : i32
        %jit3A_357 = arith.constant 64 : i32
        %div3A_358 = arith.divsi %sub3A_356, %jit3A_357 : i32
        %sign3A_359 = arith.constant 0 : i32
        %sign3A_360 = arith.cmpi sgt, %sub3A_356, %sign3A_359 : i32
        %sign3A_361 = arith.extui %sign3A_360 : i1 to i32
        %sign3A_362 = arith.constant 0 : i32
        %sign3A_363 = arith.cmpi slt, %sub3A_356, %sign3A_362 : i32
        %sign3A_364 = arith.extui %sign3A_363 : i1 to i32
        %sign3A_365 = arith.subi %sign3A_361, %sign3A_364 : i32
        %sign3A_366 = arith.constant 0 : i32
        %sign3A_367 = arith.cmpi sgt, %jit3A_357, %sign3A_366 : i32
        %sign3A_368 = arith.extui %sign3A_367 : i1 to i32
        %sign3A_369 = arith.constant 0 : i32
        %sign3A_370 = arith.cmpi slt, %jit3A_357, %sign3A_369 : i32
        %sign3A_371 = arith.extui %sign3A_370 : i1 to i32
        %sign3A_372 = arith.subi %sign3A_368, %sign3A_371 : i32
        %ne3A_373 = arith.cmpi ne, %sign3A_365, %sign3A_372 : i32
        %rem3A_374 = arith.remsi %sub3A_356, %jit3A_357 : i32
        %ne3A_375 = arith.constant 0 : i32
        %ne3A_376 = arith.cmpi ne, %rem3A_374, %ne3A_375 : i32
        %and3A_377 = arith.andi %ne3A_373, %ne3A_376 : i1
        %sub3A_378 = arith.constant 1 : i32
        %sub3A_379 = arith.subi %div3A_358, %sub3A_378 : i32
        %select_n3A_380 = arith.select %and3A_377, %sub3A_379, %div3A_358 : i32
        %broadcast_in_dim3A_381 = vector.broadcast %sub3A_356 : i32 to vector<16xi32>
        %gather3A_382 = tpu.vector_load_idx %arg15[%broadcast_in_dim3A_381] : memref<832xf32, #tpu.memory_space<vmem>>[vector<16xi32>], vector<16xf32>,
        %broadcast_in_dim3A_383 = vector.broadcast %sub3A_356 : i32 to vector<16xi32>
        %gather3A_384 = tpu.vector_load_idx %arg16[%broadcast_in_dim3A_383] : memref<832xf32, #tpu.memory_space<vmem>>[vector<16xi32>], vector<16xf32>,
        %dma_wait3A_385 = arith.constant 10240 : i32
        %dma_wait3A_386 = tpu.memref_slice %arg2[%select_n3A_380, %dma_wait3A_385] : memref<13x16384xf32, #tpu.memory_space<hbm>> -> memref<1x2048xf32, #tpu.memory_space<hbm>>
        %dma_wait3A_387 = tpu.memref_squeeze %dma_wait3A_386 : memref<1x2048xf32, #tpu.memory_space<hbm>> -> memref<2048xf32, #tpu.memory_space<hbm>>
        %dma_wait3A_388 = arith.constant 10240 : i32
        %dma_wait3A_389 = tpu.memref_slice %arg2[%select_n3A_380, %dma_wait3A_388] : memref<13x16384xf32, #tpu.memory_space<hbm>> -> memref<1x2048xf32, #tpu.memory_space<hbm>>
        %dma_wait3A_390 = tpu.memref_squeeze %dma_wait3A_389 : memref<1x2048xf32, #tpu.memory_space<hbm>> -> memref<2048xf32, #tpu.memory_space<hbm>>
        tpu.wait_dma2 semaphore(%arg20 : memref<!tpu.dma_semaphore, #tpu.memory_space<semaphore_mem>>) src(%dma_wait3A_390 : memref<2048xf32, #tpu.memory_space<hbm>>) dst(%arg14 : memref<2048xf32, #tpu.memory_space<vmem>>)
        %dma_start3A_391 = arith.constant 12288 : i32
        %dma_start3A_392 = tpu.memref_slice %arg2[%select_n3A_380, %dma_start3A_391] : memref<13x16384xf32, #tpu.memory_space<hbm>> -> memref<1x2048xf32, #tpu.memory_space<hbm>>
        %dma_start3A_393 = tpu.memref_squeeze %dma_start3A_392 : memref<1x2048xf32, #tpu.memory_space<hbm>> -> memref<2048xf32, #tpu.memory_space<hbm>>
        %dma_start3A_394 = arith.constant 12288 : i32
        %dma_start3A_395 = tpu.memref_slice %arg2[%select_n3A_380, %dma_start3A_394] : memref<13x16384xf32, #tpu.memory_space<hbm>> -> memref<1x2048xf32, #tpu.memory_space<hbm>>
        %dma_start3A_396 = tpu.memref_squeeze %dma_start3A_395 : memref<1x2048xf32, #tpu.memory_space<hbm>> -> memref<2048xf32, #tpu.memory_space<hbm>>
        tpu.enqueue_dma source(%dma_start3A_396 : memref<2048xf32, #tpu.memory_space<hbm>>) target(%arg13 : memref<2048xf32, #tpu.memory_space<vmem>>) target_semaphore(%arg20 : memref<!tpu.dma_semaphore, #tpu.memory_space<semaphore_mem>>)
        %parallel_loop3A_397 = arith.constant 0 : i32
        %parallel_loop3A_398 = arith.constant 128 : i32
        %parallel_loop3A_399 = arith.constant 1 : i32
        scf.for %parallel_loop3A_555 = %parallel_loop3A_397 to %parallel_loop3A_398 step %parallel_loop3A_399  : i32 {
          %parallel_loop3A_556 = arith.constant 16 : i32
          %parallel_loop3A_557 = arith.muli %parallel_loop3A_556, %parallel_loop3A_555 : i32
          %parallel_loop3A_558 = arith.index_cast %parallel_loop3A_557 : i32 to index
          %parallel_loop3A_559 = tpu.vector_load %arg14[%parallel_loop3A_558] {strides = array<i32>} : memref<2048xf32, #tpu.memory_space<vmem>>, vector<16xf32>,
          %parallel_loop3A_560 = arith.mulf %parallel_loop3A_559, %gather3A_382 : vector<16xf32>
          %parallel_loop3A_561 = arith.addf %parallel_loop3A_560, %gather3A_384 : vector<16xf32>
          %parallel_loop3A_562 = arith.constant 16 : i32
          %parallel_loop3A_563 = arith.muli %parallel_loop3A_562, %parallel_loop3A_555 : i32
          %parallel_loop3A_564 = arith.constant 0 : i32
          %parallel_loop3A_565 = tpu.memref_slice %arg12[%parallel_loop3A_564] : memref<4096xf32, #tpu.memory_space<vmem>> -> memref<2048xf32, #tpu.memory_space<vmem>>
          %parallel_loop3A_566 = arith.index_cast %parallel_loop3A_563 : i32 to index
          %parallel_loop3A_567 = tpu.vector_load %parallel_loop3A_565[%parallel_loop3A_566] {strides = array<i32>} : memref<2048xf32, #tpu.memory_space<vmem>>, vector<16xf32>,
          tpu.vector_store %parallel_loop3A_565[%parallel_loop3A_566], %parallel_loop3A_561 {strides = array<i32>} : memref<2048xf32, #tpu.memory_space<vmem>>, vector<16xf32>,
        } {sc.loop_unroll_factor = 8 : i64, sc.parallel_access}
        %dma_start3A_400 = arith.constant 0 : i32
        %dma_start3A_401 = tpu.memref_slice %arg12[%dma_start3A_400] : memref<4096xf32, #tpu.memory_space<vmem>> -> memref<2048xf32, #tpu.memory_space<vmem>>
        %dma_start3A_402 = arith.constant 10240 : i32
        %dma_start3A_403 = tpu.memref_slice %arg8[%add3A_16, %dma_start3A_402] : memref<2560x16384xf32, #tpu.memory_space<hbm>> -> memref<1x2048xf32, #tpu.memory_space<hbm>>
        %dma_start3A_404 = tpu.memref_squeeze %dma_start3A_403 : memref<1x2048xf32, #tpu.memory_space<hbm>> -> memref<2048xf32, #tpu.memory_space<hbm>>
        %dma_start3A_405 = arith.constant 10240 : i32
        %dma_start3A_406 = tpu.memref_slice %arg8[%add3A_16, %dma_start3A_405] : memref<2560x16384xf32, #tpu.memory_space<hbm>> -> memref<1x2048xf32, #tpu.memory_space<hbm>>
        %dma_start3A_407 = tpu.memref_squeeze %dma_start3A_406 : memref<1x2048xf32, #tpu.memory_space<hbm>> -> memref<2048xf32, #tpu.memory_space<hbm>>
        %dma_start3A_408 = arith.constant 0 : i32
        %dma_start3A_409 = tpu.memref_slice %arg12[%dma_start3A_408] : memref<4096xf32, #tpu.memory_space<vmem>> -> memref<2048xf32, #tpu.memory_space<vmem>>
        tpu.enqueue_dma source(%dma_start3A_409 : memref<2048xf32, #tpu.memory_space<vmem>>) target(%dma_start3A_407 : memref<2048xf32, #tpu.memory_space<hbm>>) target_semaphore(%arg18 : memref<!tpu.dma_semaphore, #tpu.memory_space<semaphore_mem>>)
        %dma_wait3A_410 = arith.constant 0 : i32
        %dma_wait3A_411 = tpu.memref_slice %arg11[%dma_wait3A_410] : memref<4096xf32, #tpu.memory_space<vmem>> -> memref<2048xf32, #tpu.memory_space<vmem>>
        %dma_wait3A_412 = arith.constant 8192 : i32
        %dma_wait3A_413 = tpu.memref_slice %arg8[%add3A_16, %dma_wait3A_412] : memref<2560x16384xf32, #tpu.memory_space<hbm>> -> memref<1x2048xf32, #tpu.memory_space<hbm>>
        %dma_wait3A_414 = tpu.memref_squeeze %dma_wait3A_413 : memref<1x2048xf32, #tpu.memory_space<hbm>> -> memref<2048xf32, #tpu.memory_space<hbm>>
        %dma_wait3A_415 = arith.constant 8192 : i32
        %dma_wait3A_416 = tpu.memref_slice %arg8[%add3A_16, %dma_wait3A_415] : memref<2560x16384xf32, #tpu.memory_space<hbm>> -> memref<1x2048xf32, #tpu.memory_space<hbm>>
        %dma_wait3A_417 = tpu.memref_squeeze %dma_wait3A_416 : memref<1x2048xf32, #tpu.memory_space<hbm>> -> memref<2048xf32, #tpu.memory_space<hbm>>
        %dma_wait3A_418 = arith.constant 0 : i32
        %dma_wait3A_419 = tpu.memref_slice %arg11[%dma_wait3A_418] : memref<4096xf32, #tpu.memory_space<vmem>> -> memref<2048xf32, #tpu.memory_space<vmem>>
        tpu.wait_dma2 semaphore(%arg18 : memref<!tpu.dma_semaphore, #tpu.memory_space<semaphore_mem>>) src(%dma_wait3A_419 : memref<2048xf32, #tpu.memory_space<vmem>>) dst(%dma_wait3A_417 : memref<2048xf32, #tpu.memory_space<hbm>>)
        %sub3A_420 = arith.constant 64 : i32
        %sub3A_421 = arith.subi %add3A_16, %sub3A_420 : i32
        %jit3A_422 = arith.constant 64 : i32
        %div3A_423 = arith.divsi %sub3A_421, %jit3A_422 : i32
        %sign3A_424 = arith.constant 0 : i32
        %sign3A_425 = arith.cmpi sgt, %sub3A_421, %sign3A_424 : i32
        %sign3A_426 = arith.extui %sign3A_425 : i1 to i32
        %sign3A_427 = arith.constant 0 : i32
        %sign3A_428 = arith.cmpi slt, %sub3A_421, %sign3A_427 : i32
        %sign3A_429 = arith.extui %sign3A_428 : i1 to i32
        %sign3A_430 = arith.subi %sign3A_426, %sign3A_429 : i32
        %sign3A_431 = arith.constant 0 : i32
        %sign3A_432 = arith.cmpi sgt, %jit3A_422, %sign3A_431 : i32
        %sign3A_433 = arith.extui %sign3A_432 : i1 to i32
        %sign3A_434 = arith.constant 0 : i32
        %sign3A_435 = arith.cmpi slt, %jit3A_422, %sign3A_434 : i32
        %sign3A_436 = arith.extui %sign3A_435 : i1 to i32
        %sign3A_437 = arith.subi %sign3A_433, %sign3A_436 : i32
        %ne3A_438 = arith.cmpi ne, %sign3A_430, %sign3A_437 : i32
        %rem3A_439 = arith.remsi %sub3A_421, %jit3A_422 : i32
        %ne3A_440 = arith.constant 0 : i32
        %ne3A_441 = arith.cmpi ne, %rem3A_439, %ne3A_440 : i32
        %and3A_442 = arith.andi %ne3A_438, %ne3A_441 : i1
        %sub3A_443 = arith.constant 1 : i32
        %sub3A_444 = arith.subi %div3A_423, %sub3A_443 : i32
        %select_n3A_445 = arith.select %and3A_442, %sub3A_444, %div3A_423 : i32
        %broadcast_in_dim3A_446 = vector.broadcast %sub3A_421 : i32 to vector<16xi32>
        %gather3A_447 = tpu.vector_load_idx %arg15[%broadcast_in_dim3A_446] : memref<832xf32, #tpu.memory_space<vmem>>[vector<16xi32>], vector<16xf32>,
        %broadcast_in_dim3A_448 = vector.broadcast %sub3A_421 : i32 to vector<16xi32>
        %gather3A_449 = tpu.vector_load_idx %arg16[%broadcast_in_dim3A_448] : memref<832xf32, #tpu.memory_space<vmem>>[vector<16xi32>], vector<16xf32>,
        %dma_wait3A_450 = arith.constant 12288 : i32
        %dma_wait3A_451 = tpu.memref_slice %arg2[%select_n3A_445, %dma_wait3A_450] : memref<13x16384xf32, #tpu.memory_space<hbm>> -> memref<1x2048xf32, #tpu.memory_space<hbm>>
        %dma_wait3A_452 = tpu.memref_squeeze %dma_wait3A_451 : memref<1x2048xf32, #tpu.memory_space<hbm>> -> memref<2048xf32, #tpu.memory_space<hbm>>
        %dma_wait3A_453 = arith.constant 12288 : i32
        %dma_wait3A_454 = tpu.memref_slice %arg2[%select_n3A_445, %dma_wait3A_453] : memref<13x16384xf32, #tpu.memory_space<hbm>> -> memref<1x2048xf32, #tpu.memory_space<hbm>>
        %dma_wait3A_455 = tpu.memref_squeeze %dma_wait3A_454 : memref<1x2048xf32, #tpu.memory_space<hbm>> -> memref<2048xf32, #tpu.memory_space<hbm>>
        tpu.wait_dma2 semaphore(%arg20 : memref<!tpu.dma_semaphore, #tpu.memory_space<semaphore_mem>>) src(%dma_wait3A_455 : memref<2048xf32, #tpu.memory_space<hbm>>) dst(%arg13 : memref<2048xf32, #tpu.memory_space<vmem>>)
        %dma_start3A_456 = arith.constant 14336 : i32
        %dma_start3A_457 = tpu.memref_slice %arg2[%select_n3A_445, %dma_start3A_456] : memref<13x16384xf32, #tpu.memory_space<hbm>> -> memref<1x2048xf32, #tpu.memory_space<hbm>>
        %dma_start3A_458 = tpu.memref_squeeze %dma_start3A_457 : memref<1x2048xf32, #tpu.memory_space<hbm>> -> memref<2048xf32, #tpu.memory_space<hbm>>
        %dma_start3A_459 = arith.constant 14336 : i32
        %dma_start3A_460 = tpu.memref_slice %arg2[%select_n3A_445, %dma_start3A_459] : memref<13x16384xf32, #tpu.memory_space<hbm>> -> memref<1x2048xf32, #tpu.memory_space<hbm>>
        %dma_start3A_461 = tpu.memref_squeeze %dma_start3A_460 : memref<1x2048xf32, #tpu.memory_space<hbm>> -> memref<2048xf32, #tpu.memory_space<hbm>>
        tpu.enqueue_dma source(%dma_start3A_461 : memref<2048xf32, #tpu.memory_space<hbm>>) target(%arg14 : memref<2048xf32, #tpu.memory_space<vmem>>) target_semaphore(%arg20 : memref<!tpu.dma_semaphore, #tpu.memory_space<semaphore_mem>>)
        %parallel_loop3A_462 = arith.constant 0 : i32
        %parallel_loop3A_463 = arith.constant 128 : i32
        %parallel_loop3A_464 = arith.constant 1 : i32
        scf.for %parallel_loop3A_555 = %parallel_loop3A_462 to %parallel_loop3A_463 step %parallel_loop3A_464  : i32 {
          %parallel_loop3A_556 = arith.constant 16 : i32
          %parallel_loop3A_557 = arith.muli %parallel_loop3A_556, %parallel_loop3A_555 : i32
          %parallel_loop3A_558 = arith.index_cast %parallel_loop3A_557 : i32 to index
          %parallel_loop3A_559 = tpu.vector_load %arg13[%parallel_loop3A_558] {strides = array<i32>} : memref<2048xf32, #tpu.memory_space<vmem>>, vector<16xf32>,
          %parallel_loop3A_560 = arith.mulf %parallel_loop3A_559, %gather3A_447 : vector<16xf32>
          %parallel_loop3A_561 = arith.addf %parallel_loop3A_560, %gather3A_449 : vector<16xf32>
          %parallel_loop3A_562 = arith.constant 16 : i32
          %parallel_loop3A_563 = arith.muli %parallel_loop3A_562, %parallel_loop3A_555 : i32
          %parallel_loop3A_564 = arith.constant 0 : i32
          %parallel_loop3A_565 = tpu.memref_slice %arg11[%parallel_loop3A_564] : memref<4096xf32, #tpu.memory_space<vmem>> -> memref<2048xf32, #tpu.memory_space<vmem>>
          %parallel_loop3A_566 = arith.index_cast %parallel_loop3A_563 : i32 to index
          %parallel_loop3A_567 = tpu.vector_load %parallel_loop3A_565[%parallel_loop3A_566] {strides = array<i32>} : memref<2048xf32, #tpu.memory_space<vmem>>, vector<16xf32>,
          tpu.vector_store %parallel_loop3A_565[%parallel_loop3A_566], %parallel_loop3A_561 {strides = array<i32>} : memref<2048xf32, #tpu.memory_space<vmem>>, vector<16xf32>,
        } {sc.loop_unroll_factor = 8 : i64, sc.parallel_access}
        %dma_start3A_465 = arith.constant 0 : i32
        %dma_start3A_466 = tpu.memref_slice %arg11[%dma_start3A_465] : memref<4096xf32, #tpu.memory_space<vmem>> -> memref<2048xf32, #tpu.memory_space<vmem>>
        %dma_start3A_467 = arith.constant 12288 : i32
        %dma_start3A_468 = tpu.memref_slice %arg8[%add3A_16, %dma_start3A_467] : memref<2560x16384xf32, #tpu.memory_space<hbm>> -> memref<1x2048xf32, #tpu.memory_space<hbm>>
        %dma_start3A_469 = tpu.memref_squeeze %dma_start3A_468 : memref<1x2048xf32, #tpu.memory_space<hbm>> -> memref<2048xf32, #tpu.memory_space<hbm>>
        %dma_start3A_470 = arith.constant 12288 : i32
        %dma_start3A_471 = tpu.memref_slice %arg8[%add3A_16, %dma_start3A_470] : memref<2560x16384xf32, #tpu.memory_space<hbm>> -> memref<1x2048xf32, #tpu.memory_space<hbm>>
        %dma_start3A_472 = tpu.memref_squeeze %dma_start3A_471 : memref<1x2048xf32, #tpu.memory_space<hbm>> -> memref<2048xf32, #tpu.memory_space<hbm>>
        %dma_start3A_473 = arith.constant 0 : i32
        %dma_start3A_474 = tpu.memref_slice %arg11[%dma_start3A_473] : memref<4096xf32, #tpu.memory_space<vmem>> -> memref<2048xf32, #tpu.memory_space<vmem>>
        tpu.enqueue_dma source(%dma_start3A_474 : memref<2048xf32, #tpu.memory_space<vmem>>) target(%dma_start3A_472 : memref<2048xf32, #tpu.memory_space<hbm>>) target_semaphore(%arg18 : memref<!tpu.dma_semaphore, #tpu.memory_space<semaphore_mem>>)
        %dma_wait3A_475 = arith.constant 0 : i32
        %dma_wait3A_476 = tpu.memref_slice %arg12[%dma_wait3A_475] : memref<4096xf32, #tpu.memory_space<vmem>> -> memref<2048xf32, #tpu.memory_space<vmem>>
        %dma_wait3A_477 = arith.constant 10240 : i32
        %dma_wait3A_478 = tpu.memref_slice %arg8[%add3A_16, %dma_wait3A_477] : memref<2560x16384xf32, #tpu.memory_space<hbm>> -> memref<1x2048xf32, #tpu.memory_space<hbm>>
        %dma_wait3A_479 = tpu.memref_squeeze %dma_wait3A_478 : memref<1x2048xf32, #tpu.memory_space<hbm>> -> memref<2048xf32, #tpu.memory_space<hbm>>
        %dma_wait3A_480 = arith.constant 10240 : i32
        %dma_wait3A_481 = tpu.memref_slice %arg8[%add3A_16, %dma_wait3A_480] : memref<2560x16384xf32, #tpu.memory_space<hbm>> -> memref<1x2048xf32, #tpu.memory_space<hbm>>
        %dma_wait3A_482 = tpu.memref_squeeze %dma_wait3A_481 : memref<1x2048xf32, #tpu.memory_space<hbm>> -> memref<2048xf32, #tpu.memory_space<hbm>>
        %dma_wait3A_483 = arith.constant 0 : i32
        %dma_wait3A_484 = tpu.memref_slice %arg12[%dma_wait3A_483] : memref<4096xf32, #tpu.memory_space<vmem>> -> memref<2048xf32, #tpu.memory_space<vmem>>
        tpu.wait_dma2 semaphore(%arg18 : memref<!tpu.dma_semaphore, #tpu.memory_space<semaphore_mem>>) src(%dma_wait3A_484 : memref<2048xf32, #tpu.memory_space<vmem>>) dst(%dma_wait3A_482 : memref<2048xf32, #tpu.memory_space<hbm>>)
        %sub3A_485 = arith.constant 64 : i32
        %sub3A_486 = arith.subi %add3A_16, %sub3A_485 : i32
        %jit3A_487 = arith.constant 64 : i32
        %div3A_488 = arith.divsi %sub3A_486, %jit3A_487 : i32
        %sign3A_489 = arith.constant 0 : i32
        %sign3A_490 = arith.cmpi sgt, %sub3A_486, %sign3A_489 : i32
        %sign3A_491 = arith.extui %sign3A_490 : i1 to i32
        %sign3A_492 = arith.constant 0 : i32
        %sign3A_493 = arith.cmpi slt, %sub3A_486, %sign3A_492 : i32
        %sign3A_494 = arith.extui %sign3A_493 : i1 to i32
        %sign3A_495 = arith.subi %sign3A_491, %sign3A_494 : i32
        %sign3A_496 = arith.constant 0 : i32
        %sign3A_497 = arith.cmpi sgt, %jit3A_487, %sign3A_496 : i32
        %sign3A_498 = arith.extui %sign3A_497 : i1 to i32
        %sign3A_499 = arith.constant 0 : i32
        %sign3A_500 = arith.cmpi slt, %jit3A_487, %sign3A_499 : i32
        %sign3A_501 = arith.extui %sign3A_500 : i1 to i32
        %sign3A_502 = arith.subi %sign3A_498, %sign3A_501 : i32
        %ne3A_503 = arith.cmpi ne, %sign3A_495, %sign3A_502 : i32
        %rem3A_504 = arith.remsi %sub3A_486, %jit3A_487 : i32
        %ne3A_505 = arith.constant 0 : i32
        %ne3A_506 = arith.cmpi ne, %rem3A_504, %ne3A_505 : i32
        %and3A_507 = arith.andi %ne3A_503, %ne3A_506 : i1
        %sub3A_508 = arith.constant 1 : i32
        %sub3A_509 = arith.subi %div3A_488, %sub3A_508 : i32
        %select_n3A_510 = arith.select %and3A_507, %sub3A_509, %div3A_488 : i32
        %broadcast_in_dim3A_511 = vector.broadcast %sub3A_486 : i32 to vector<16xi32>
        %gather3A_512 = tpu.vector_load_idx %arg15[%broadcast_in_dim3A_511] : memref<832xf32, #tpu.memory_space<vmem>>[vector<16xi32>], vector<16xf32>,
        %broadcast_in_dim3A_513 = vector.broadcast %sub3A_486 : i32 to vector<16xi32>
        %gather3A_514 = tpu.vector_load_idx %arg16[%broadcast_in_dim3A_513] : memref<832xf32, #tpu.memory_space<vmem>>[vector<16xi32>], vector<16xf32>,
        %dma_wait3A_515 = arith.constant 14336 : i32
        %dma_wait3A_516 = tpu.memref_slice %arg2[%select_n3A_510, %dma_wait3A_515] : memref<13x16384xf32, #tpu.memory_space<hbm>> -> memref<1x2048xf32, #tpu.memory_space<hbm>>
        %dma_wait3A_517 = tpu.memref_squeeze %dma_wait3A_516 : memref<1x2048xf32, #tpu.memory_space<hbm>> -> memref<2048xf32, #tpu.memory_space<hbm>>
        %dma_wait3A_518 = arith.constant 14336 : i32
        %dma_wait3A_519 = tpu.memref_slice %arg2[%select_n3A_510, %dma_wait3A_518] : memref<13x16384xf32, #tpu.memory_space<hbm>> -> memref<1x2048xf32, #tpu.memory_space<hbm>>
        %dma_wait3A_520 = tpu.memref_squeeze %dma_wait3A_519 : memref<1x2048xf32, #tpu.memory_space<hbm>> -> memref<2048xf32, #tpu.memory_space<hbm>>
        tpu.wait_dma2 semaphore(%arg20 : memref<!tpu.dma_semaphore, #tpu.memory_space<semaphore_mem>>) src(%dma_wait3A_520 : memref<2048xf32, #tpu.memory_space<hbm>>) dst(%arg14 : memref<2048xf32, #tpu.memory_space<vmem>>)
        %parallel_loop3A_521 = arith.constant 0 : i32
        %parallel_loop3A_522 = arith.constant 128 : i32
        %parallel_loop3A_523 = arith.constant 1 : i32
        scf.for %parallel_loop3A_555 = %parallel_loop3A_521 to %parallel_loop3A_522 step %parallel_loop3A_523  : i32 {
          %parallel_loop3A_556 = arith.constant 16 : i32
          %parallel_loop3A_557 = arith.muli %parallel_loop3A_556, %parallel_loop3A_555 : i32
          %parallel_loop3A_558 = arith.index_cast %parallel_loop3A_557 : i32 to index
          %parallel_loop3A_559 = tpu.vector_load %arg14[%parallel_loop3A_558] {strides = array<i32>} : memref<2048xf32, #tpu.memory_space<vmem>>, vector<16xf32>,
          %parallel_loop3A_560 = arith.mulf %parallel_loop3A_559, %gather3A_512 : vector<16xf32>
          %parallel_loop3A_561 = arith.addf %parallel_loop3A_560, %gather3A_514 : vector<16xf32>
          %parallel_loop3A_562 = arith.constant 16 : i32
          %parallel_loop3A_563 = arith.muli %parallel_loop3A_562, %parallel_loop3A_555 : i32
          %parallel_loop3A_564 = arith.constant 0 : i32
          %parallel_loop3A_565 = tpu.memref_slice %arg12[%parallel_loop3A_564] : memref<4096xf32, #tpu.memory_space<vmem>> -> memref<2048xf32, #tpu.memory_space<vmem>>
          %parallel_loop3A_566 = arith.index_cast %parallel_loop3A_563 : i32 to index
          %parallel_loop3A_567 = tpu.vector_load %parallel_loop3A_565[%parallel_loop3A_566] {strides = array<i32>} : memref<2048xf32, #tpu.memory_space<vmem>>, vector<16xf32>,
          tpu.vector_store %parallel_loop3A_565[%parallel_loop3A_566], %parallel_loop3A_561 {strides = array<i32>} : memref<2048xf32, #tpu.memory_space<vmem>>, vector<16xf32>,
        } {sc.loop_unroll_factor = 8 : i64, sc.parallel_access}
        %dma_start3A_524 = arith.constant 0 : i32
        %dma_start3A_525 = tpu.memref_slice %arg12[%dma_start3A_524] : memref<4096xf32, #tpu.memory_space<vmem>> -> memref<2048xf32, #tpu.memory_space<vmem>>
        %dma_start3A_526 = arith.constant 14336 : i32
        %dma_start3A_527 = tpu.memref_slice %arg8[%add3A_16, %dma_start3A_526] : memref<2560x16384xf32, #tpu.memory_space<hbm>> -> memref<1x2048xf32, #tpu.memory_space<hbm>>
        %dma_start3A_528 = tpu.memref_squeeze %dma_start3A_527 : memref<1x2048xf32, #tpu.memory_space<hbm>> -> memref<2048xf32, #tpu.memory_space<hbm>>
        %dma_start3A_529 = arith.constant 14336 : i32
        %dma_start3A_530 = tpu.memref_slice %arg8[%add3A_16, %dma_start3A_529] : memref<2560x16384xf32, #tpu.memory_space<hbm>> -> memref<1x2048xf32, #tpu.memory_space<hbm>>
        %dma_start3A_531 = tpu.memref_squeeze %dma_start3A_530 : memref<1x2048xf32, #tpu.memory_space<hbm>> -> memref<2048xf32, #tpu.memory_space<hbm>>
        %dma_start3A_532 = arith.constant 0 : i32
        %dma_start3A_533 = tpu.memref_slice %arg12[%dma_start3A_532] : memref<4096xf32, #tpu.memory_space<vmem>> -> memref<2048xf32, #tpu.memory_space<vmem>>
        tpu.enqueue_dma source(%dma_start3A_533 : memref<2048xf32, #tpu.memory_space<vmem>>) target(%dma_start3A_531 : memref<2048xf32, #tpu.memory_space<hbm>>) target_semaphore(%arg18 : memref<!tpu.dma_semaphore, #tpu.memory_space<semaphore_mem>>)
        %dma_wait3A_534 = arith.constant 0 : i32
        %dma_wait3A_535 = tpu.memref_slice %arg11[%dma_wait3A_534] : memref<4096xf32, #tpu.memory_space<vmem>> -> memref<2048xf32, #tpu.memory_space<vmem>>
        %dma_wait3A_536 = arith.constant 12288 : i32
        %dma_wait3A_537 = tpu.memref_slice %arg8[%add3A_16, %dma_wait3A_536] : memref<2560x16384xf32, #tpu.memory_space<hbm>> -> memref<1x2048xf32, #tpu.memory_space<hbm>>
        %dma_wait3A_538 = tpu.memref_squeeze %dma_wait3A_537 : memref<1x2048xf32, #tpu.memory_space<hbm>> -> memref<2048xf32, #tpu.memory_space<hbm>>
        %dma_wait3A_539 = arith.constant 12288 : i32
        %dma_wait3A_540 = tpu.memref_slice %arg8[%add3A_16, %dma_wait3A_539] : memref<2560x16384xf32, #tpu.memory_space<hbm>> -> memref<1x2048xf32, #tpu.memory_space<hbm>>
        %dma_wait3A_541 = tpu.memref_squeeze %dma_wait3A_540 : memref<1x2048xf32, #tpu.memory_space<hbm>> -> memref<2048xf32, #tpu.memory_space<hbm>>
        %dma_wait3A_542 = arith.constant 0 : i32
        %dma_wait3A_543 = tpu.memref_slice %arg11[%dma_wait3A_542] : memref<4096xf32, #tpu.memory_space<vmem>> -> memref<2048xf32, #tpu.memory_space<vmem>>
        tpu.wait_dma2 semaphore(%arg18 : memref<!tpu.dma_semaphore, #tpu.memory_space<semaphore_mem>>) src(%dma_wait3A_543 : memref<2048xf32, #tpu.memory_space<vmem>>) dst(%dma_wait3A_541 : memref<2048xf32, #tpu.memory_space<hbm>>)
        %dma_wait3A_544 = arith.constant 0 : i32
        %dma_wait3A_545 = tpu.memref_slice %arg12[%dma_wait3A_544] : memref<4096xf32, #tpu.memory_space<vmem>> -> memref<2048xf32, #tpu.memory_space<vmem>>
        %dma_wait3A_546 = arith.constant 14336 : i32
        %dma_wait3A_547 = tpu.memref_slice %arg8[%add3A_16, %dma_wait3A_546] : memref<2560x16384xf32, #tpu.memory_space<hbm>> -> memref<1x2048xf32, #tpu.memory_space<hbm>>
        %dma_wait3A_548 = tpu.memref_squeeze %dma_wait3A_547 : memref<1x2048xf32, #tpu.memory_space<hbm>> -> memref<2048xf32, #tpu.memory_space<hbm>>
        %dma_wait3A_549 = arith.constant 14336 : i32
        %dma_wait3A_550 = tpu.memref_slice %arg8[%add3A_16, %dma_wait3A_549] : memref<2560x16384xf32, #tpu.memory_space<hbm>> -> memref<1x2048xf32, #tpu.memory_space<hbm>>
        %dma_wait3A_551 = tpu.memref_squeeze %dma_wait3A_550 : memref<1x2048xf32, #tpu.memory_space<hbm>> -> memref<2048xf32, #tpu.memory_space<hbm>>
        %dma_wait3A_552 = arith.constant 0 : i32
        %dma_wait3A_553 = tpu.memref_slice %arg12[%dma_wait3A_552] : memref<4096xf32, #tpu.memory_space<vmem>> -> memref<2048xf32, #tpu.memory_space<vmem>>
        tpu.wait_dma2 semaphore(%arg18 : memref<!tpu.dma_semaphore, #tpu.memory_space<semaphore_mem>>) src(%dma_wait3A_553 : memref<2048xf32, #tpu.memory_space<vmem>>) dst(%dma_wait3A_551 : memref<2048xf32, #tpu.memory_space<hbm>>)
        %cond3A_554 = arith.constant 0 : i32
        scf.yield %cond3A_554 : i32
      }
    }
    %scan3A_5 = arith.constant 28 : i32
    %scan3A_6 = arith.constant -1 : i32
    %scan3A_7 = arith.constant 0 : i32
    %scan3A_8 = arith.constant 52 : i32
    %scan3A_9 = arith.addi %scan3A_7, %scan3A_8 : i32
    %scan3A_10 = arith.constant 1 : i32
    %scan3A_11 = scf.for %scan3A_13 = %scan3A_7 to %scan3A_9 step %scan3A_10 iter_args(%scan3A_14 = %scan3A_6) -> (i32)  : i32 {
      %mul3A_15 = arith.constant 52 : i32
      %mul3A_16 = arith.muli %add3A, %mul3A_15 : i32
      %add3A_17 = arith.addi %mul3A_16, %scan3A_13 : i32
      %jit3A = arith.constant 64 : i32
      %div3A = arith.divsi %add3A_17, %jit3A : i32
      %sign3A = arith.constant 0 : i32
      %sign3A_18 = arith.cmpi sgt, %add3A_17, %sign3A : i32
      %sign3A_19 = arith.extui %sign3A_18 : i1 to i32
      %sign3A_20 = arith.constant 0 : i32
      %sign3A_21 = arith.cmpi slt, %add3A_17, %sign3A_20 : i32
      %sign3A_22 = arith.extui %sign3A_21 : i1 to i32
      %sign3A_23 = arith.subi %sign3A_19, %sign3A_22 : i32
      %sign3A_24 = arith.constant 0 : i32
      %sign3A_25 = arith.cmpi sgt, %jit3A, %sign3A_24 : i32
      %sign3A_26 = arith.extui %sign3A_25 : i1 to i32
      %sign3A_27 = arith.constant 0 : i32
      %sign3A_28 = arith.cmpi slt, %jit3A, %sign3A_27 : i32
      %sign3A_29 = arith.extui %sign3A_28 : i1 to i32
      %sign3A_30 = arith.subi %sign3A_26, %sign3A_29 : i32
      %ne3A = arith.cmpi ne, %sign3A_23, %sign3A_30 : i32
      %rem3A = arith.remsi %add3A_17, %jit3A : i32
      %ne3A_31 = arith.constant 0 : i32
      %ne3A_32 = arith.cmpi ne, %rem3A, %ne3A_31 : i32
      %and3A = arith.andi %ne3A, %ne3A_32 : i1
      %sub3A = arith.constant 1 : i32
      %sub3A_33 = arith.subi %div3A, %sub3A : i32
      %select_n3A = arith.select %and3A, %sub3A_33, %div3A : i32
      %mul3A_34 = arith.constant 64 : i32
      %mul3A_35 = arith.muli %select_n3A, %mul3A_34 : i32
      %sub3A_36 = arith.subi %add3A_17, %mul3A_35 : i32
      %add3A_37 = arith.constant 896 : i32
      %add3A_38 = arith.addi %add3A_37, %add3A_17 : i32
      %dma_start3A = arith.constant 0 : i32
      %dma_start3A_39 = tpu.memref_slice %arg7[%select_n3A, %sub3A_36, %dma_start3A] : memref<26x64x100000xf32, #tpu.memory_space<hbm>> -> memref<1x1x100000xf32, #tpu.memory_space<hbm>>
      %dma_start3A_40 = tpu.memref_squeeze %dma_start3A_39 : memref<1x1x100000xf32, #tpu.memory_space<hbm>> -> memref<100000xf32, #tpu.memory_space<hbm>>
      %dma_start3A_41 = arith.constant 0 : i32
      %dma_start3A_42 = tpu.memref_slice %arg7[%select_n3A, %sub3A_36, %dma_start3A_41] : memref<26x64x100000xf32, #tpu.memory_space<hbm>> -> memref<1x1x100000xf32, #tpu.memory_space<hbm>>
      %dma_start3A_43 = tpu.memref_squeeze %dma_start3A_42 : memref<1x1x100000xf32, #tpu.memory_space<hbm>> -> memref<100000xf32, #tpu.memory_space<hbm>>
      tpu.enqueue_dma source(%dma_start3A_43 : memref<100000xf32, #tpu.memory_space<hbm>>) target(%arg9 : memref<100000xf32, #tpu.memory_space<vmem>>) target_semaphore(%arg19 : memref<!tpu.dma_semaphore, #tpu.memory_space<semaphore_mem>>)
      %ne3A_44 = arith.cmpi ne, %select_n3A, %scan3A_14 : i32
      %convert_element_type3A = arith.extui %ne3A_44 : i1 to i32
      %cond3A = arith.constant 0 : i32
      %cond3A_45 = arith.constant 0 : i32
      %cond3A_46 = arith.cmpi ne, %convert_element_type3A, %cond3A_45 : i32
      %cond3A_47 = scf.if %cond3A_46 -> (i32) {
        "tpu.region"() ({
          %run_scoped3A = tpu.sem_alloc : memref<!tpu.dma_semaphore, #tpu.memory_space<semaphore_mem>>
          %dma_start3A_112 = arith.constant 0 : i32
          %dma_start3A_113 = tpu.memref_slice %arg3[%select_n3A, %dma_start3A_112] : memref<26x16384xi32, #tpu.memory_space<hbm>> -> memref<1x16384xi32, #tpu.memory_space<hbm>>
          %dma_start3A_114 = tpu.memref_squeeze %dma_start3A_113 : memref<1x16384xi32, #tpu.memory_space<hbm>> -> memref<16384xi32, #tpu.memory_space<hbm>>
          %dma_start3A_115 = arith.constant 0 : i32
          %dma_start3A_116 = tpu.memref_slice %arg3[%select_n3A, %dma_start3A_115] : memref<26x16384xi32, #tpu.memory_space<hbm>> -> memref<1x16384xi32, #tpu.memory_space<hbm>>
          %dma_start3A_117 = tpu.memref_squeeze %dma_start3A_116 : memref<1x16384xi32, #tpu.memory_space<hbm>> -> memref<16384xi32, #tpu.memory_space<hbm>>
          tpu.enqueue_dma source(%dma_start3A_117 : memref<16384xi32, #tpu.memory_space<hbm>>) target(%arg10 : memref<16384xi32, #tpu.memory_space<vmem>>) target_semaphore(%run_scoped3A : memref<!tpu.dma_semaphore, #tpu.memory_space<semaphore_mem>>)
          %dma_wait3A_118 = arith.constant 0 : i32
          %dma_wait3A_119 = tpu.memref_slice %arg3[%select_n3A, %dma_wait3A_118] : memref<26x16384xi32, #tpu.memory_space<hbm>> -> memref<1x16384xi32, #tpu.memory_space<hbm>>
          %dma_wait3A_120 = tpu.memref_squeeze %dma_wait3A_119 : memref<1x16384xi32, #tpu.memory_space<hbm>> -> memref<16384xi32, #tpu.memory_space<hbm>>
          %dma_wait3A_121 = arith.constant 0 : i32
          %dma_wait3A_122 = tpu.memref_slice %arg3[%select_n3A, %dma_wait3A_121] : memref<26x16384xi32, #tpu.memory_space<hbm>> -> memref<1x16384xi32, #tpu.memory_space<hbm>>
          %dma_wait3A_123 = tpu.memref_squeeze %dma_wait3A_122 : memref<1x16384xi32, #tpu.memory_space<hbm>> -> memref<16384xi32, #tpu.memory_space<hbm>>
          tpu.wait_dma2 semaphore(%run_scoped3A : memref<!tpu.dma_semaphore, #tpu.memory_space<semaphore_mem>>) src(%dma_wait3A_123 : memref<16384xi32, #tpu.memory_space<hbm>>) dst(%arg10 : memref<16384xi32, #tpu.memory_space<vmem>>)
          tpu.yield
        }) : () -> ()
        scf.yield %select_n3A : i32
      } else {
        scf.yield %scan3A_14 : i32
      }
      %dma_wait3A = arith.constant 0 : i32
      %dma_wait3A_48 = tpu.memref_slice %arg7[%select_n3A, %sub3A_36, %dma_wait3A] : memref<26x64x100000xf32, #tpu.memory_space<hbm>> -> memref<1x1x100000xf32, #tpu.memory_space<hbm>>
      %dma_wait3A_49 = tpu.memref_squeeze %dma_wait3A_48 : memref<1x1x100000xf32, #tpu.memory_space<hbm>> -> memref<100000xf32, #tpu.memory_space<hbm>>
      %dma_wait3A_50 = arith.constant 0 : i32
      %dma_wait3A_51 = tpu.memref_slice %arg7[%select_n3A, %sub3A_36, %dma_wait3A_50] : memref<26x64x100000xf32, #tpu.memory_space<hbm>> -> memref<1x1x100000xf32, #tpu.memory_space<hbm>>
      %dma_wait3A_52 = tpu.memref_squeeze %dma_wait3A_51 : memref<1x1x100000xf32, #tpu.memory_space<hbm>> -> memref<100000xf32, #tpu.memory_space<hbm>>
      tpu.wait_dma2 semaphore(%arg19 : memref<!tpu.dma_semaphore, #tpu.memory_space<semaphore_mem>>) src(%dma_wait3A_52 : memref<100000xf32, #tpu.memory_space<hbm>>) dst(%arg9 : memref<100000xf32, #tpu.memory_space<vmem>>)
      %parallel_loop3A = arith.constant 0 : i32
      %parallel_loop3A_53 = arith.constant 256 : i32
      %parallel_loop3A_54 = arith.constant 1 : i32
      scf.for %parallel_loop3A_112 = %parallel_loop3A to %parallel_loop3A_53 step %parallel_loop3A_54  : i32 {
        %parallel_loop3A_113 = arith.constant 16 : i32
        %parallel_loop3A_114 = arith.muli %parallel_loop3A_113, %parallel_loop3A_112 : i32
        %parallel_loop3A_115 = arith.constant 0 : i32
        %parallel_loop3A_116 = arith.addi %parallel_loop3A_115, %parallel_loop3A_114 : i32
        %parallel_loop3A_117 = arith.index_cast %parallel_loop3A_116 : i32 to index
        %parallel_loop3A_118 = tpu.vector_load %arg10[%parallel_loop3A_117] {strides = array<i32>} : memref<16384xi32, #tpu.memory_space<vmem>>, vector<16xi32>,
        %parallel_loop3A_119 = tpu.vector_load_idx %arg9[%parallel_loop3A_118] : memref<100000xf32, #tpu.memory_space<vmem>>[vector<16xi32>], vector<16xf32>,
        %parallel_loop3A_120 = arith.constant 16 : i32
        %parallel_loop3A_121 = arith.muli %parallel_loop3A_120, %parallel_loop3A_112 : i32
        %parallel_loop3A_122 = arith.index_cast %parallel_loop3A_121 : i32 to index
        %parallel_loop3A_123 = tpu.vector_load %arg11[%parallel_loop3A_122] {strides = array<i32>} : memref<4096xf32, #tpu.memory_space<vmem>>, vector<16xf32>,
        tpu.vector_store %arg11[%parallel_loop3A_122], %parallel_loop3A_119 {strides = array<i32>} : memref<4096xf32, #tpu.memory_space<vmem>>, vector<16xf32>,
      } {sc.loop_unroll_factor = 8 : i64, sc.parallel_access}
      %dma_start3A_55 = arith.constant 0 : i32
      %dma_start3A_56 = tpu.memref_slice %arg8[%add3A_38, %dma_start3A_55] : memref<2560x16384xf32, #tpu.memory_space<hbm>> -> memref<1x4096xf32, #tpu.memory_space<hbm>>
      %dma_start3A_57 = tpu.memref_squeeze %dma_start3A_56 : memref<1x4096xf32, #tpu.memory_space<hbm>> -> memref<4096xf32, #tpu.memory_space<hbm>>
      %dma_start3A_58 = arith.constant 0 : i32
      %dma_start3A_59 = tpu.memref_slice %arg8[%add3A_38, %dma_start3A_58] : memref<2560x16384xf32, #tpu.memory_space<hbm>> -> memref<1x4096xf32, #tpu.memory_space<hbm>>
      %dma_start3A_60 = tpu.memref_squeeze %dma_start3A_59 : memref<1x4096xf32, #tpu.memory_space<hbm>> -> memref<4096xf32, #tpu.memory_space<hbm>>
      tpu.enqueue_dma source(%arg11 : memref<4096xf32, #tpu.memory_space<vmem>>) target(%dma_start3A_60 : memref<4096xf32, #tpu.memory_space<hbm>>) target_semaphore(%arg18 : memref<!tpu.dma_semaphore, #tpu.memory_space<semaphore_mem>>)
      %parallel_loop3A_61 = arith.constant 0 : i32
      %parallel_loop3A_62 = arith.constant 256 : i32
      %parallel_loop3A_63 = arith.constant 1 : i32
      scf.for %parallel_loop3A_112 = %parallel_loop3A_61 to %parallel_loop3A_62 step %parallel_loop3A_63  : i32 {
        %parallel_loop3A_113 = arith.constant 16 : i32
        %parallel_loop3A_114 = arith.muli %parallel_loop3A_113, %parallel_loop3A_112 : i32
        %parallel_loop3A_115 = arith.constant 4096 : i32
        %parallel_loop3A_116 = arith.addi %parallel_loop3A_115, %parallel_loop3A_114 : i32
        %parallel_loop3A_117 = arith.index_cast %parallel_loop3A_116 : i32 to index
        %parallel_loop3A_118 = tpu.vector_load %arg10[%parallel_loop3A_117] {strides = array<i32>} : memref<16384xi32, #tpu.memory_space<vmem>>, vector<16xi32>,
        %parallel_loop3A_119 = tpu.vector_load_idx %arg9[%parallel_loop3A_118] : memref<100000xf32, #tpu.memory_space<vmem>>[vector<16xi32>], vector<16xf32>,
        %parallel_loop3A_120 = arith.constant 16 : i32
        %parallel_loop3A_121 = arith.muli %parallel_loop3A_120, %parallel_loop3A_112 : i32
        %parallel_loop3A_122 = arith.index_cast %parallel_loop3A_121 : i32 to index
        %parallel_loop3A_123 = tpu.vector_load %arg12[%parallel_loop3A_122] {strides = array<i32>} : memref<4096xf32, #tpu.memory_space<vmem>>, vector<16xf32>,
        tpu.vector_store %arg12[%parallel_loop3A_122], %parallel_loop3A_119 {strides = array<i32>} : memref<4096xf32, #tpu.memory_space<vmem>>, vector<16xf32>,
      } {sc.loop_unroll_factor = 8 : i64, sc.parallel_access}
      %dma_start3A_64 = arith.constant 4096 : i32
      %dma_start3A_65 = tpu.memref_slice %arg8[%add3A_38, %dma_start3A_64] : memref<2560x16384xf32, #tpu.memory_space<hbm>> -> memref<1x4096xf32, #tpu.memory_space<hbm>>
      %dma_start3A_66 = tpu.memref_squeeze %dma_start3A_65 : memref<1x4096xf32, #tpu.memory_space<hbm>> -> memref<4096xf32, #tpu.memory_space<hbm>>
      %dma_start3A_67 = arith.constant 4096 : i32
      %dma_start3A_68 = tpu.memref_slice %arg8[%add3A_38, %dma_start3A_67] : memref<2560x16384xf32, #tpu.memory_space<hbm>> -> memref<1x4096xf32, #tpu.memory_space<hbm>>
      %dma_start3A_69 = tpu.memref_squeeze %dma_start3A_68 : memref<1x4096xf32, #tpu.memory_space<hbm>> -> memref<4096xf32, #tpu.memory_space<hbm>>
      tpu.enqueue_dma source(%arg12 : memref<4096xf32, #tpu.memory_space<vmem>>) target(%dma_start3A_69 : memref<4096xf32, #tpu.memory_space<hbm>>) target_semaphore(%arg18 : memref<!tpu.dma_semaphore, #tpu.memory_space<semaphore_mem>>)
      %dma_wait3A_70 = arith.constant 0 : i32
      %dma_wait3A_71 = tpu.memref_slice %arg8[%add3A_38, %dma_wait3A_70] : memref<2560x16384xf32, #tpu.memory_space<hbm>> -> memref<1x4096xf32, #tpu.memory_space<hbm>>
      %dma_wait3A_72 = tpu.memref_squeeze %dma_wait3A_71 : memref<1x4096xf32, #tpu.memory_space<hbm>> -> memref<4096xf32, #tpu.memory_space<hbm>>
      %dma_wait3A_73 = arith.constant 0 : i32
      %dma_wait3A_74 = tpu.memref_slice %arg8[%add3A_38, %dma_wait3A_73] : memref<2560x16384xf32, #tpu.memory_space<hbm>> -> memref<1x4096xf32, #tpu.memory_space<hbm>>
      %dma_wait3A_75 = tpu.memref_squeeze %dma_wait3A_74 : memref<1x4096xf32, #tpu.memory_space<hbm>> -> memref<4096xf32, #tpu.memory_space<hbm>>
      tpu.wait_dma2 semaphore(%arg18 : memref<!tpu.dma_semaphore, #tpu.memory_space<semaphore_mem>>) src(%arg11 : memref<4096xf32, #tpu.memory_space<vmem>>) dst(%dma_wait3A_75 : memref<4096xf32, #tpu.memory_space<hbm>>)
      %parallel_loop3A_76 = arith.constant 0 : i32
      %parallel_loop3A_77 = arith.constant 256 : i32
      %parallel_loop3A_78 = arith.constant 1 : i32
      scf.for %parallel_loop3A_112 = %parallel_loop3A_76 to %parallel_loop3A_77 step %parallel_loop3A_78  : i32 {
        %parallel_loop3A_113 = arith.constant 16 : i32
        %parallel_loop3A_114 = arith.muli %parallel_loop3A_113, %parallel_loop3A_112 : i32
        %parallel_loop3A_115 = arith.constant 8192 : i32
        %parallel_loop3A_116 = arith.addi %parallel_loop3A_115, %parallel_loop3A_114 : i32
        %parallel_loop3A_117 = arith.index_cast %parallel_loop3A_116 : i32 to index
        %parallel_loop3A_118 = tpu.vector_load %arg10[%parallel_loop3A_117] {strides = array<i32>} : memref<16384xi32, #tpu.memory_space<vmem>>, vector<16xi32>,
        %parallel_loop3A_119 = tpu.vector_load_idx %arg9[%parallel_loop3A_118] : memref<100000xf32, #tpu.memory_space<vmem>>[vector<16xi32>], vector<16xf32>,
        %parallel_loop3A_120 = arith.constant 16 : i32
        %parallel_loop3A_121 = arith.muli %parallel_loop3A_120, %parallel_loop3A_112 : i32
        %parallel_loop3A_122 = arith.index_cast %parallel_loop3A_121 : i32 to index
        %parallel_loop3A_123 = tpu.vector_load %arg11[%parallel_loop3A_122] {strides = array<i32>} : memref<4096xf32, #tpu.memory_space<vmem>>, vector<16xf32>,
        tpu.vector_store %arg11[%parallel_loop3A_122], %parallel_loop3A_119 {strides = array<i32>} : memref<4096xf32, #tpu.memory_space<vmem>>, vector<16xf32>,
      } {sc.loop_unroll_factor = 8 : i64, sc.parallel_access}
      %dma_start3A_79 = arith.constant 8192 : i32
      %dma_start3A_80 = tpu.memref_slice %arg8[%add3A_38, %dma_start3A_79] : memref<2560x16384xf32, #tpu.memory_space<hbm>> -> memref<1x4096xf32, #tpu.memory_space<hbm>>
      %dma_start3A_81 = tpu.memref_squeeze %dma_start3A_80 : memref<1x4096xf32, #tpu.memory_space<hbm>> -> memref<4096xf32, #tpu.memory_space<hbm>>
      %dma_start3A_82 = arith.constant 8192 : i32
      %dma_start3A_83 = tpu.memref_slice %arg8[%add3A_38, %dma_start3A_82] : memref<2560x16384xf32, #tpu.memory_space<hbm>> -> memref<1x4096xf32, #tpu.memory_space<hbm>>
      %dma_start3A_84 = tpu.memref_squeeze %dma_start3A_83 : memref<1x4096xf32, #tpu.memory_space<hbm>> -> memref<4096xf32, #tpu.memory_space<hbm>>
      tpu.enqueue_dma source(%arg11 : memref<4096xf32, #tpu.memory_space<vmem>>) target(%dma_start3A_84 : memref<4096xf32, #tpu.memory_space<hbm>>) target_semaphore(%arg18 : memref<!tpu.dma_semaphore, #tpu.memory_space<semaphore_mem>>)
      %dma_wait3A_85 = arith.constant 4096 : i32
      %dma_wait3A_86 = tpu.memref_slice %arg8[%add3A_38, %dma_wait3A_85] : memref<2560x16384xf32, #tpu.memory_space<hbm>> -> memref<1x4096xf32, #tpu.memory_space<hbm>>
      %dma_wait3A_87 = tpu.memref_squeeze %dma_wait3A_86 : memref<1x4096xf32, #tpu.memory_space<hbm>> -> memref<4096xf32, #tpu.memory_space<hbm>>
      %dma_wait3A_88 = arith.constant 4096 : i32
      %dma_wait3A_89 = tpu.memref_slice %arg8[%add3A_38, %dma_wait3A_88] : memref<2560x16384xf32, #tpu.memory_space<hbm>> -> memref<1x4096xf32, #tpu.memory_space<hbm>>
      %dma_wait3A_90 = tpu.memref_squeeze %dma_wait3A_89 : memref<1x4096xf32, #tpu.memory_space<hbm>> -> memref<4096xf32, #tpu.memory_space<hbm>>
      tpu.wait_dma2 semaphore(%arg18 : memref<!tpu.dma_semaphore, #tpu.memory_space<semaphore_mem>>) src(%arg12 : memref<4096xf32, #tpu.memory_space<vmem>>) dst(%dma_wait3A_90 : memref<4096xf32, #tpu.memory_space<hbm>>)
      %parallel_loop3A_91 = arith.constant 0 : i32
      %parallel_loop3A_92 = arith.constant 256 : i32
      %parallel_loop3A_93 = arith.constant 1 : i32
      scf.for %parallel_loop3A_112 = %parallel_loop3A_91 to %parallel_loop3A_92 step %parallel_loop3A_93  : i32 {
        %parallel_loop3A_113 = arith.constant 16 : i32
        %parallel_loop3A_114 = arith.muli %parallel_loop3A_113, %parallel_loop3A_112 : i32
        %parallel_loop3A_115 = arith.constant 12288 : i32
        %parallel_loop3A_116 = arith.addi %parallel_loop3A_115, %parallel_loop3A_114 : i32
        %parallel_loop3A_117 = arith.index_cast %parallel_loop3A_116 : i32 to index
        %parallel_loop3A_118 = tpu.vector_load %arg10[%parallel_loop3A_117] {strides = array<i32>} : memref<16384xi32, #tpu.memory_space<vmem>>, vector<16xi32>,
        %parallel_loop3A_119 = tpu.vector_load_idx %arg9[%parallel_loop3A_118] : memref<100000xf32, #tpu.memory_space<vmem>>[vector<16xi32>], vector<16xf32>,
        %parallel_loop3A_120 = arith.constant 16 : i32
        %parallel_loop3A_121 = arith.muli %parallel_loop3A_120, %parallel_loop3A_112 : i32
        %parallel_loop3A_122 = arith.index_cast %parallel_loop3A_121 : i32 to index
        %parallel_loop3A_123 = tpu.vector_load %arg12[%parallel_loop3A_122] {strides = array<i32>} : memref<4096xf32, #tpu.memory_space<vmem>>, vector<16xf32>,
        tpu.vector_store %arg12[%parallel_loop3A_122], %parallel_loop3A_119 {strides = array<i32>} : memref<4096xf32, #tpu.memory_space<vmem>>, vector<16xf32>,
      } {sc.loop_unroll_factor = 8 : i64, sc.parallel_access}
      %dma_start3A_94 = arith.constant 12288 : i32
      %dma_start3A_95 = tpu.memref_slice %arg8[%add3A_38, %dma_start3A_94] : memref<2560x16384xf32, #tpu.memory_space<hbm>> -> memref<1x4096xf32, #tpu.memory_space<hbm>>
      %dma_start3A_96 = tpu.memref_squeeze %dma_start3A_95 : memref<1x4096xf32, #tpu.memory_space<hbm>> -> memref<4096xf32, #tpu.memory_space<hbm>>
      %dma_start3A_97 = arith.constant 12288 : i32
      %dma_start3A_98 = tpu.memref_slice %arg8[%add3A_38, %dma_start3A_97] : memref<2560x16384xf32, #tpu.memory_space<hbm>> -> memref<1x4096xf32, #tpu.memory_space<hbm>>
      %dma_start3A_99 = tpu.memref_squeeze %dma_start3A_98 : memref<1x4096xf32, #tpu.memory_space<hbm>> -> memref<4096xf32, #tpu.memory_space<hbm>>
      tpu.enqueue_dma source(%arg12 : memref<4096xf32, #tpu.memory_space<vmem>>) target(%dma_start3A_99 : memref<4096xf32, #tpu.memory_space<hbm>>) target_semaphore(%arg18 : memref<!tpu.dma_semaphore, #tpu.memory_space<semaphore_mem>>)
      %dma_wait3A_100 = arith.constant 8192 : i32
      %dma_wait3A_101 = tpu.memref_slice %arg8[%add3A_38, %dma_wait3A_100] : memref<2560x16384xf32, #tpu.memory_space<hbm>> -> memref<1x4096xf32, #tpu.memory_space<hbm>>
      %dma_wait3A_102 = tpu.memref_squeeze %dma_wait3A_101 : memref<1x4096xf32, #tpu.memory_space<hbm>> -> memref<4096xf32, #tpu.memory_space<hbm>>
      %dma_wait3A_103 = arith.constant 8192 : i32
      %dma_wait3A_104 = tpu.memref_slice %arg8[%add3A_38, %dma_wait3A_103] : memref<2560x16384xf32, #tpu.memory_space<hbm>> -> memref<1x4096xf32, #tpu.memory_space<hbm>>
      %dma_wait3A_105 = tpu.memref_squeeze %dma_wait3A_104 : memref<1x4096xf32, #tpu.memory_space<hbm>> -> memref<4096xf32, #tpu.memory_space<hbm>>
      tpu.wait_dma2 semaphore(%arg18 : memref<!tpu.dma_semaphore, #tpu.memory_space<semaphore_mem>>) src(%arg11 : memref<4096xf32, #tpu.memory_space<vmem>>) dst(%dma_wait3A_105 : memref<4096xf32, #tpu.memory_space<hbm>>)
      %dma_wait3A_106 = arith.constant 12288 : i32
      %dma_wait3A_107 = tpu.memref_slice %arg8[%add3A_38, %dma_wait3A_106] : memref<2560x16384xf32, #tpu.memory_space<hbm>> -> memref<1x4096xf32, #tpu.memory_space<hbm>>
      %dma_wait3A_108 = tpu.memref_squeeze %dma_wait3A_107 : memref<1x4096xf32, #tpu.memory_space<hbm>> -> memref<4096xf32, #tpu.memory_space<hbm>>
      %dma_wait3A_109 = arith.constant 12288 : i32
      %dma_wait3A_110 = tpu.memref_slice %arg8[%add3A_38, %dma_wait3A_109] : memref<2560x16384xf32, #tpu.memory_space<hbm>> -> memref<1x4096xf32, #tpu.memory_space<hbm>>
      %dma_wait3A_111 = tpu.memref_squeeze %dma_wait3A_110 : memref<1x4096xf32, #tpu.memory_space<hbm>> -> memref<4096xf32, #tpu.memory_space<hbm>>
      tpu.wait_dma2 semaphore(%arg18 : memref<!tpu.dma_semaphore, #tpu.memory_space<semaphore_mem>>) src(%arg12 : memref<4096xf32, #tpu.memory_space<vmem>>) dst(%dma_wait3A_111 : memref<4096xf32, #tpu.memory_space<hbm>>)
      scf.yield %cond3A_47 : i32
    }
    %scan3A_12 = arith.constant 52 : i32
    return
  }
}

</mosaic_0001>

<sc_bundles>
// kernel: _tokenizer.3.cloned.1.call-start
scs
__scs_entry_jumppad:
0x0: {  	(pc) =	sbr.rel $0x88, $3  }
0x1: {  	(tag) =	ssettag $0x0;
	lr =	simm.s32 $0x1  }
0x2: {  	[smem:$0x3F9B] =	sst lr;
	_ =	strace $0xD0000000  }
0x3: {  	_ = 	snop  }
0x4: {  	_ = 	snop  }
0x5: {  	_ = 	snop  }
0x6: {  	_ = 	snop  }
0x7: {  	_ = 	snop  }
__scs_overlays_trampoline_lowered:
0x8: {  	[smem:$0x3FAA] =	sst s0  }
0x9: {  	[smem:$0x3FAB] =	sst s1  }
0xa: {  	[smem:$0x3FAC] =	sst s2  }
0xb: {  	[smem:$0x3FAD] =	sst s3  }
0xc: {  	[smem:$0x3FAE] =	sst s4  }
0xd: {  	[smem:$0x3FAF] =	sst s5  }
0xe: {  	[smem:$0x3FB0] =	sst s6  }
0xf: {  	[smem:$0x3FB1] =	sst s7  }
0x10: {  	[smem:$0x3FB2] =	sst s8  }
0x11: {  	[smem:$0x3FB3] =	sst s9;
	s0 =	simm.s32 @!p0 $0x0  }
0x12: {  	s1 =	sld [smem:$0x3F99];
	s0 =	simm.s32 @p0 $0x1  }
0x13: {  	[smem:$0x3FB4] =	sst s0;
	s0 =	simm.s32 @!p1 $0x0  }
0x14: {  	s2 =	sld [smem:$0x3F98];
	s0 =	simm.s32 @p1 $0x1  }
0x15: {  	[smem:$0x3FB5] =	sst s0;
	s0 =	simm.s32 @!p2 $0x0  }
0x16: {  	s3 =	sld [smem:$0x3FDB];
	s0 =	simm.s32 @p2 $0x1  }
0x17: {  	s4 =	simm.s32 $0x1BF5;
	[smem:$0x3FB7] =	sst s0  }
0x18: {  	s0 =	sld [smem:$0x3F9A];
	_ =	swait.ge [sflag:s4], $0x0  }
0x19: {  	s7 =	sld [smem:$0x3F9B]  }
0x1a: {  	s8 =	sadd.s32 $0xFFFFE003, lr  }
0x1b: {  	s9 =	sadd.s32 $0xFFFFFEF7, lr;
	s5 =	simm.s32 $0xFFFFFFFF;
	p2 =	slt.u32 s8, $0xFFFFF086  }
0x1c: {  	p1 =	slt.u32 s9, $0xF7A;
	s5 =	simm.s32 @!p2 $0x0  }
0x1d: {  	s5 =	simm.s32 @p1 $0x1;
	p0 =	seq.s32 s7, s2  }
0x1e: {  	s7 =	smul.u32 @!p0 $0xF7A, s2;
	p2 =	seq.s32 @!p0 s5, $0x0  }
0x1f: {  	s9 =	smul.u32 $0xF7A, s1;
	s8 =	simm.s32 @!p0 $0x1BF5;
	p2 =	por !p2, p0  }
0x20: {  	[sflag:s8] =	ssyncset.s32 @!p0 $0xFFFFF086;
	s6 =	sadd.s32 @!p0 s3, s7;
	s7 =	simm.s32 @!p0 $0x108  }
0x21: {  	s3 =	sadd.s32 s3, s9;
	s6 =	sadd.s32 @!p0 $0x88, s6;
	s7 =	simm.s32 @p2 $0x1082  }
0x22: {  	[simem:s7], [sflag:s8] =	dma.local @!p0 [hbm:s6], $0xF7A  }
0x23: {  	s9 =	sor.u32 $0xD0000000, s2;
	s6 =	simm.s32 $0x108;
	_ =	swait.ge @!p0 [sflag:s8], $0x0  }
0x24: {  	s3 =	sadd.s32 $0x88, s3;
	s6 =	simm.s32 @!p1 $0x1082;
	[sflag:s4] =	ssyncset.s32 $0xFFFFF086  }
0x25: {  	[simem:s6], [sflag:s4] =	dma.local [hbm:s3], $0xF7A  }
0x26: {  	[smem:$0x3F9B] =	sst s1;
	(tag) =	ssettag s2;
	_ =	strace s9  }
0x27: {  	s1 =	sld [smem:$0x3FAB]  }
0x28: {  	s2 =	sld [smem:$0x3FAC]  }
0x29: {  	s4 =	sld [smem:$0x3FAE]  }
0x2a: {  	p0 =	seq.s32 s5, $0x0;
	s5 =	sld [smem:$0x3FAF]  }
0x2b: {  	s6 =	sld [smem:$0x3FB0]  }
0x2c: {  	s7 =	sld [smem:$0x3FB1]  }
0x2d: {  	s3 =	simm.s32 $0x108;
	s8 =	sld [smem:$0x3FB2]  }
0x2e: {  	s3 =	simm.s32 @!p0 $0x1082;
	s9 =	sld [smem:$0x3FB3]  }
0x2f: {  	lr =	sadd.s32 s0, s3;
	s0 =	sld [smem:$0x3FAA]  }
0x30: {  	s3 =	sld [smem:$0x3FAD]  }
0x31: {  	[smem:$0x3FB6] =	sst s10  }
0x32: {  	s10 =	sld [smem:$0x3FB4];
	_ =	sdelay $0x3  }
0x33: {  	p0 =	seq.s32 s10, $0x1;
	s10 =	sld [smem:$0x3FB6];
	_ =	sdelay $0x3  }
0x34: {  	[smem:$0x3FB6] =	sst s10  }
0x35: {  	s10 =	sld [smem:$0x3FB5];
	_ =	sdelay $0x3  }
0x36: {  	p1 =	seq.s32 s10, $0x1;
	s10 =	sld [smem:$0x3FB6];
	_ =	sdelay $0x3  }
0x37: {  	[smem:$0x3FB6] =	sst s10  }
0x38: {  	s10 =	sld [smem:$0x3FB7]  }
0x39: {  	_ = 	snop;
	(pc) =	sbr.ind lr, $3  }
0x3a: {  	_ = 	snop  }
0x3b: {  	_ = 	snop  }
0x3c: {  	p2 =	seq.s32 s10, $0x1;
	s10 =	sld [smem:$0x3FB6]  }
0x3d: {  	_ =	shalt  }
0x3e: {  	_ =	shalt  }
0x3f: {  	_ =	shalt  }
0x40: {  	_ =	shalt  }
0x41: {  	_ =	shalt  }
0x42: {  	_ =	shalt  }
0x43: {  	_ =	shalt  }
0x44: {  	_ =	shalt  }
0x45: {  	_ =	shalt  }
0x46: {  	_ =	shalt  }
0x47: {  	_ =	shalt  }
0x48: {  	_ =	shalt  }
0x49: {  	_ =	shalt  }
0x4a: {  	_ =	shalt  }
0x4b: {  	_ =	shalt  }
0x4c: {  	_ =	shalt  }
0x4d: {  	_ =	shalt  }
0x4e: {  	_ =	shalt  }
0x4f: {  	_ =	shalt  }
0x50: {  	_ =	shalt  }
0x51: {  	_ =	shalt  }
0x52: {  	_ =	shalt  }
0x53: {  	_ =	shalt  }
0x54: {  	_ =	shalt  }
0x55: {  	_ =	shalt  }
0x56: {  	_ =	shalt  }
0x57: {  	_ =	shalt  }
0x58: {  	_ =	shalt  }
0x59: {  	_ =	shalt  }
0x5a: {  	_ =	shalt  }
0x5b: {  	_ =	shalt  }
0x5c: {  	_ =	shalt  }
0x5d: {  	_ =	shalt  }
0x5e: {  	_ =	shalt  }
0x5f: {  	_ =	shalt  }
0x60: {  	_ =	shalt  }
0x61: {  	_ =	shalt  }
0x62: {  	_ =	shalt  }
0x63: {  	_ =	shalt  }
0x64: {  	_ =	shalt  }
0x65: {  	_ =	shalt  }
0x66: {  	_ =	shalt  }
0x67: {  	_ =	shalt  }
0x68: {  	_ =	shalt  }
0x69: {  	_ =	shalt  }
0x6a: {  	_ =	shalt  }
0x6b: {  	_ =	shalt  }
0x6c: {  	_ =	shalt  }
0x6d: {  	_ =	shalt  }
0x6e: {  	_ =	shalt  }
0x6f: {  	_ =	shalt  }
0x70: {  	_ =	shalt  }
0x71: {  	_ =	shalt  }
0x72: {  	_ =	shalt  }
0x73: {  	_ =	shalt  }
0x74: {  	_ =	shalt  }
0x75: {  	_ =	shalt  }
0x76: {  	_ =	shalt  }
0x77: {  	_ =	shalt  }
0x78: {  	_ =	shalt  }
0x79: {  	_ =	shalt  }
0x7a: {  	_ =	shalt  }
0x7b: {  	_ =	shalt  }
0x7c: {  	_ =	shalt  }
0x7d: {  	_ =	shalt  }
0x7e: {  	_ =	shalt  }
0x7f: {  	_ =	shalt  }
0x80: {  	_ =	shalt  }
0x81: {  	_ =	shalt  }
0x82: {  	_ =	shalt  }
0x83: {  	_ =	shalt  }
0x84: {  	_ =	shalt  }
0x85: {  	_ =	shalt  }
0x86: {  	_ =	shalt  }
0x87: {  	_ =	shalt  }
.Lfunc_end0:
.L_simem_size_0:
called_computation_lowered:
.L_overlay_start_0:
0x88: {  	s2 =	sld [smem:$0x3FD9]  }
0x89: {  	s3 =	sld [smem:$0x3FFE];
	_ =	sdelay $0x1  }
0x8a: {  	s1 =	srdreg.scid  }
0x8b: {  	s0 =	sand.u32 $0x1, s1  }
0x8c: {  	s18 =	sshll.u32 s0, $0xA;
	s2 =	sadd.s32 s3, s2  }
0x8d: {  	s2 =	sadd.s32 s2, s18  }
0x8e: {  	[smem:$0x3FC2] =	sst s2  }
0x8f: {  	_ = 	snop  }
0x90: {  	s2 =	sld [smem:$0x3FC9]  }
0x91: {  	s19 =	sld [smem:$0x3FC8]  }
0x92: {  	s4 =	sld [smem:$0x3FC7]  }
0x93: {  	s5 =	sld [smem:$0x3FC6]  }
0x94: {  	s6 =	sld [smem:$0x3FC5]  }
0x95: {  	s7 =	sld [smem:$0x3FC4]  }
0x96: {  	s8 =	sld [smem:$0x3FD0];
	(tm) =	ssettm $0x1  }
0x97: {  	s9 =	sld [smem:$0x3FFB];
	_ =	sdelay $0x3  }
0x98: {  	_ =	strace s9  }
0x99: {  	s9 =	sld [smem:$0x3FFC];
	_ =	sdelay $0x3  }
0x9a: {  	_ =	strace s9  }
0x9b: {  	s9 =	sld [smem:$0x3FFD];
	_ =	sdelay $0x3  }
0x9c: {  	_ =	strace s9  }
0x9d: {  	_ =	strace $0x8FFFFFFF  }
0x9e: {  	s20 =	sld [smem:$0x3FDB];
	_ =	sdelay $0x1  }
0x9f: {  	s10 =	simm.s32 $_scs_section_size  }
0xa0: {  	s11 =	simm.s32 $_size__tile_overlayer_lowered;
	s12 =	simm.s32 $_tile_overlayer_lowered  }
0xa1: {  	s23 =	simm.s32 $0x1BFF;
	s22 =	sshll.u32 s12, $0x1;
	s9 =	sadd.s32 s10, s20  }
0xa2: {  	s13 =	simm.s32 $0x0;
	s21 =	sshll.u32 s11, $0x1;
	s11 =	sadd.s32 s22, s9  }
0xa3: {  	[timem:s13], [sflag:s23] =	dma.local [hbm:s11], s21  }
0xa4: {  	_ =	swait.ge [sflag:s23], s21  }
0xa5: {  	s10 =	ssub.s32 $0x0, s21;
	[sflag:s23] =	ssyncset.done $0x0  }
0xa6: {  	[sflag:s23] =	ssyncadd.s32 s10;
	_ =	sdelay $0x1  }
0xa7: {  	s24 =	simm.s32 $0x1B8B  }
0xa8: {  	_ =	swait.ge [sflag:s24], $0x1  }
0xa9: {  	[sflag:s24] =	ssyncset.done $0x0  }
0xaa: {  	s25 =	simm.s32 $0x1B8E;
	[sflag:s24] =	ssyncadd.s32 $0xFFFFFFFF  }
0xab: {  	s26 =	simm.s32 $execute0_lowered;
	[smem:$0x3FD2] =	sst s25  }
0xac: {  	s10 =	sshll.u32 s26, $0x1;
	_ =	strace $0x80000046;
	[dreg:$0x1] =	wrdreg $0xFFFFFFFF  }
0xad: {  	s28 =	simm.s32 $_size_execute0_lowered;
	s9 =	sadd.s32 s9, s10;
	[dreg:$0x0] =	wrdreg $0x0  }
0xae: {  	s10 =	sshll.u32 s28, $0x1;
	[dreg:$0x2] =	wrdreg s9  }
0xaf: {  	[dreg:$0x3] =	wrdreg s10  }
0xb0: {  	[dreg:$0x4] =	wrdreg $0xC0  }
0xb1: {  	_ =	task [dreg:s13], $0x5FFFF  }
0xb2: {  	[dreg:$0x1] =	wrdreg $0xFFFFFFFF  }
0xb3: {  	[dreg:$0x0] =	wrdreg $0x60  }
0xb4: {  	[dreg:$0x2] =	wrdreg s2  }
0xb5: {  	[dreg:$0x3] =	wrdreg s19  }
0xb6: {  	[dreg:$0x4] =	wrdreg s4  }
0xb7: {  	[dreg:$0x5] =	wrdreg s5  }
0xb8: {  	[dreg:$0x6] =	wrdreg s6  }
0xb9: {  	[dreg:$0x7] =	wrdreg s7  }
0xba: {  	[dreg:$0x8] =	wrdreg s8  }
0xbb: {  	[dreg:$0x9] =	wrdreg $0x9  }
0xbc: {  	_ =	task.clear_ibuf [dreg:s13], $0xAFFFF;
	_ =	strace $0x90000046  }
0xbd: {  	s29 =	simm.s32 $0x9;
	_ =	strace $0x80000048  }
0xbe: {  	_ =	swait.ge [sflag:s29], $0x1  }
0xbf: {  	[sflag:s29] =	ssyncadd.s32 $0xFFFFFFFF  }
0xc0: {  	_ =	strace $0x90000048  }
0xc1: {  	_ =	sfence  }
0xc2: {  	s30 =	sld [smem:$0x0];
	_ =	sdelay $0x2  }
0xc3: {  	s31 =	sshll.u32 s1, $0xD;
	s1 =	sshrl.u32 s1, $0x2  }
0xc4: {  	s3 =	sand.u32 $0x4000, s31;
	s1 =	sadd.s32 s1, s30  }
0xc5: {  	s0 =	sor.u32 s3, s0;
	s1 =	sshll.u32 s1, $0x11  }
0xc6: {  	s0 =	sor.u32 s1, s0  }
0xc7: {  	s0 =	sadd.s32 $0x8F2B, s0  }
0xc8: {  	[sflag:s0] =	ssyncadd.remote.s32 $0x1  }
0xc9: {  	_ =	sfence.sel $0xFFFF  }
0xca: {  	[dreg:$0x0] =	wrdreg $0xFFFFFFFF;
	(pc) =	sbr.abs _section_cstart, $3  }
0xcb: {  	[dreg:$0x1] =	wrdreg $0xFFFFFFFF  }
0xcc: {  	_ =	task.clear_ibuf [dreg:s13], $0x2FFFF;
	_ =	strace $0x9FFFFFFF  }
0xcd: {  	(tm) =	ssettm $0x7FFFFFFF  }
tec
execute0_lowered:
.L_overlay_start_1:
0x0: {  	(tag) =	ssettag $0x1  }
0x1: {  	s21 =	rddreg [dreg:$0x0]  }
0x2: {  	s16 =	rddreg [dreg:$0x1]  }
0x3: {  	s18 =	rddreg [dreg:$0x5]  }
0x4: {  	s8 =	rddreg [dreg:$0x6]  }
0x5: {  	s0 =	srdreg.scid;
	s1 =	stileid.u32;
	s9 =	simm.s32 $0x0  }
0x6: {  	s29 =	simm.s32 $0x1FA80;
	s30 =	simm.s32 $0x1FE00;
	s31 =	simm.s32 $0x80  }
0x7: {  	s6 =	simm.s32 $0x1C700;
	[smem:$0x7FF] =	sst s9;
	s13 =	sadd.s32 $0x800, s21  }
0x8: {  	s14 =	sadd.s32 $0x1000, s21;
	_ =	strace $0x80000047;
	[dreg:$0x8] =	wrdreg s13  }
0x9: {  	s3 =	simm.s32 $0x1D700;
	s15 =	sadd.s32 $0x800, s8;
	[dreg:$0x9] =	wrdreg s14  }
0xa: {  	s4 =	simm.s32 $0x1;
	s17 =	sadd.s32 $0x1800, s21;
	[dreg:$0xa] =	wrdreg s15  }
0xb: {  	s5 =	simm.s32 $0x2;
	s19 =	sadd.s32 $0x1000, s8;
	[dreg:$0xb] =	wrdreg s17  }
0xc: {  	s28 =	simm.s32 $0x3;
	s22 =	sadd.s32 $0x2000, s21;
	[dreg:$0xc] =	wrdreg s19  }
0xd: {  	s7 =	simm.s32 $0x0;
	s23 =	sadd.s32 $0x1800, s8;
	[dreg:$0xd] =	wrdreg s22  }
0xe: {  	s0 =	sand.u32 $0x1, s0;
	s24 =	sadd.s32 $0x2800, s21;
	[dreg:$0xe] =	wrdreg s23  }
0xf: {  	s1 =	sshll.u32 s1, $0x1;
	s25 =	sadd.s32 $0x2000, s8;
	[dreg:$0xf] =	wrdreg s24  }
0x10: {  	s26 =	sadd.s32 $0x3000, s21;
	s2 =	ssub.s32 $0x2, s0;
	[dreg:$0x10] =	wrdreg s25  }
0x11: {  	s20 =	sor.u32 s0, s1;
	[dreg:$0x11] =	wrdreg s26;
	s22 =	sadd.s32 $0x2800, s8  }
0x12: {  	s23 =	sadd.s32 $0x3000, s8;
	s26 =	simm.s32 $0x1F700;
	s12 =	sshrl.u32 s2, $0x1  }
0x13: {  	s25 =	simm.s32 $0x1E700;
	s1 =	sshll.u32 s20, $0x7;
	s0 =	ssub.s32 s2, s12  }
0x14: {  	s24 =	smul.u32 $0x34, s20;
	s12 =	sand.u32 $0x380, s1;
	s0 =	smax.u32 s0, $0x1  }
0x15: {  	s1 =	simm.s32 $0x400;
	s2 =	simm.s32 $0x1EF00;
	[dreg:$0x12] =	wrdreg s0  }
.LBB2_1:
0x16: {  	[dreg:$0x13] =	wrdreg s7  }
0x17: {  	s0 =	rddreg [dreg:$0x2];
	s15 =	simm.s32 $0x4  }
0x18: {  	[tilespmem:s26], [sflag:$0x4] =	stream.linear.gather [hbm4b:s0+s9], $0x380, $0x38;
	[tilespmem:$0x1FE80] =	vst v63  }
0x19: {  	_ =	swait.ge [sflag:s15], $0x380  }
0x1a: {  	[sflag:s15] =	ssyncset.done $0x0  }
0x1b: {  	[sflag:s15] =	ssyncadd.s32 $0xFFFFFC80  }
0x1c: {  	s17 =	rddreg [dreg:$0x3]  }
0x1d: {  	[tilespmem:s29], [sflag:$0x4] =	stream.linear.gather [hbm4b:s17+s9], $0x380, $0x38;
	[tilespmem:$0x1FE80] =	vst v63  }
0x1e: {  	_ =	swait.ge [sflag:s15], $0x380  }
0x1f: {  	[sflag:s15] =	ssyncset.done $0x0  }
0x20: {  	[sflag:s15] =	ssyncadd.s32 $0xFFFFFC80  }
.Ltmp0:
0x21: {  	s19 =	rddreg [dreg:$0x4];
	(pc) =	sbr.rel .LBB2_2-.Ltmp0, $4  }
0x22: {  	[tilespmem:s30], [sflag:$0x4] =	stream.linear.gather [hbm4b:s19+s9], $0x80, $0x38;
	[tilespmem:$0x1FE80] =	vst v63  }
0x23: {  	_ =	swait.ge [sflag:s15], $0x80  }
0x24: {  	[sflag:s15] =	ssyncset.done $0x0  }
0x25: {  	s7 =	simm.s32 $0x0;
	[sflag:s15] =	ssyncadd.s32 $0xFFFFFF80  }
.LBB2_37:
0x26: {  	s0 =	sor.u32 s12, s0  }
0x27: {  	s0 =	sshrl.u32 s0, $0x3  }
0x28: {  	s0 =	sor.u32 $0x3800, s0  }
0x29: {  	s7 =	sadd.s32 $0x1, s7;
	s0 =	sadd.s32 s8, s0  }
0x2a: {  	[hbm4b:s0+s31] =	stream.strided.scatter [tilespmem:s3], [sflag:$0x1], $0x800, s1, s31, $0x38;
	[tilespmem:$0x1FE80] =	vst v63  }
0x2b: {  	p0 =	sne.s32 s7, $0x1C;
	_ =	swait.ge [sflag:s4], $0x800  }
.Ltmp1:
0x2c: {  	[sflag:s4] =	ssyncset.done $0x0;
	(pc) =	sbr.rel @!p0 .LBB2_38-.Ltmp1, $4  }
0x2d: {  	[sflag:s4] =	ssyncadd.s32 $0xFFFFF800  }
0x2e: {  	_ =	swait.ge [sflag:s4], $0x800  }
0x2f: {  	[sflag:s4] =	ssyncset.done $0x0  }
0x30: {  	[sflag:s4] =	ssyncadd.s32 $0xFFFFF800  }
.LBB2_2:
0x31: {  	p0 =	sgt.u32 s7, $0x1  }
.Ltmp2:
0x32: {  	_ = 	snop;
	(pc) =	sbr.rel @p0 .LBB2_20-.Ltmp2, $3  }
0x33: {  	_ =	sdelay $0x1  }
0x34: {  	s0 =	sshll.u32 s7, $0x5  }
0x35: {  	s0 =	sor.u32 s20, s0  }
0x36: {  	v0 =	vmov s0;
	_ =	sdelay $0x4  }
0x37: {  	v1 =	vld.idx.msk [tilespmem:v0+s30+$0x0], $0xffff;
	_ =	sdelay $0x3  }
0x38: {  	s10 =	simm.s32 $0x1C740  }
0x39: {  	[tilespmem:s10+$0xFFFFFFC0] =	vst v1  }
0x3a: {  	[tilespmem:s10+$0x30] =	vst v1  }
0x3b: {  	[tilespmem:s10+$0x20] =	vst v1  }
0x3c: {  	[tilespmem:s10+$0x10] =	vst v1  }
0x3d: {  	[tilespmem:s10+$0x0] =	vst v1  }
0x3e: {  	[tilespmem:s10+$0xFFFFFFF0] =	vst v1  }
0x3f: {  	s11 =	simm.s32 $0x0;
	[tilespmem:s10+$0xFFFFFFE0] =	vst v1  }
.LBB2_4:
0x40: {  	s11 =	sadd.s32 $0x8, s11;
	[tilespmem:s10+$0xFFFFFFD0] =	vst v1;
	s10 =	sadd.s32 $0x80, s10  }
0x41: {  	[tilespmem:s10+$0xFFFFFFC0] =	vst v1;
	p0 =	slt.u32 s11, $0x78  }
0x42: {  	[tilespmem:s10+$0x30] =	vst v1  }
.Ltmp3:
0x43: {  	[tilespmem:s10+$0x20] =	vst v1;
	(pc) =	sbr.rel @p0 .LBB2_4-.Ltmp3, $4  }
0x44: {  	[tilespmem:s10+$0x10] =	vst v1  }
0x45: {  	[tilespmem:s10+$0x0] =	vst v1  }
0x46: {  	[tilespmem:s10+$0xFFFFFFF0] =	vst v1  }
0x47: {  	[tilespmem:s10+$0xFFFFFFE0] =	vst v1  }
0x48: {  	s0 =	sshll.u32 s0, $0xE  }
0x49: {  	s11 =	sand.u32 $0xE0000, s0  }
0x4a: {  	s11 =	sor.u32 s12, s11  }
0x4b: {  	s11 =	sshrl.u32 s11, $0x3  }
0x4c: {  	[tilespmem:s10+$0xFFFFFFD0] =	vst v1;
	s19 =	sadd.s32 s8, s11  }
0x4d: {  	[hbm4b:s19+s31] =	stream.strided.scatter [tilespmem:s6], [sflag:$0x1], $0x800, s1, s31, $0x38;
	[tilespmem:$0x1FE80] =	vst v63  }
0x4e: {  	v1 =	vld.idx.msk [tilespmem:v0+s30+$0x0], $0xffff;
	_ =	sdelay $0x3  }
0x4f: {  	s10 =	simm.s32 $0x1D740  }
0x50: {  	[tilespmem:s10+$0xFFFFFFC0] =	vst v1  }
0x51: {  	[tilespmem:s10+$0x30] =	vst v1  }
0x52: {  	[tilespmem:s10+$0x20] =	vst v1  }
0x53: {  	[tilespmem:s10+$0x10] =	vst v1  }
0x54: {  	[tilespmem:s10+$0x0] =	vst v1  }
0x55: {  	[tilespmem:s10+$0xFFFFFFF0] =	vst v1  }
0x56: {  	s13 =	simm.s32 $0x0;
	[tilespmem:s10+$0xFFFFFFE0] =	vst v1  }
.LBB2_6:
0x57: {  	s13 =	sadd.s32 $0x8, s13;
	[tilespmem:s10+$0xFFFFFFD0] =	vst v1;
	s10 =	sadd.s32 $0x80, s10  }
0x58: {  	[tilespmem:s10+$0xFFFFFFC0] =	vst v1;
	p0 =	slt.u32 s13, $0x78  }
0x59: {  	[tilespmem:s10+$0x30] =	vst v1  }
.Ltmp4:
0x5a: {  	[tilespmem:s10+$0x20] =	vst v1;
	(pc) =	sbr.rel @p0 .LBB2_6-.Ltmp4, $4  }
0x5b: {  	[tilespmem:s10+$0x10] =	vst v1  }
0x5c: {  	[tilespmem:s10+$0x0] =	vst v1  }
0x5d: {  	[tilespmem:s10+$0xFFFFFFF0] =	vst v1  }
0x5e: {  	[tilespmem:s10+$0xFFFFFFE0] =	vst v1  }
0x5f: {  	[tilespmem:s10+$0xFFFFFFD0] =	vst v1  }
0x60: {  	s10 =	rddreg [dreg:$0xa]  }
0x61: {  	s10 =	sadd.s32 s11, s10  }
0x62: {  	[hbm4b:s10+s31] =	stream.strided.scatter [tilespmem:s3], [sflag:$0x1], $0x800, s1, s31, $0x38;
	[tilespmem:$0x1FE80] =	vst v63  }
0x63: {  	_ =	swait.ge [sflag:s4], $0x800  }
0x64: {  	[sflag:s4] =	ssyncset.done $0x0  }
0x65: {  	[sflag:s4] =	ssyncadd.s32 $0xFFFFF800  }
0x66: {  	v1 =	vld.idx.msk [tilespmem:v0+s30+$0x0], $0xffff;
	_ =	sdelay $0x3  }
0x67: {  	s10 =	simm.s32 $0x1C740  }
0x68: {  	[tilespmem:s10+$0xFFFFFFC0] =	vst v1  }
0x69: {  	[tilespmem:s10+$0x30] =	vst v1  }
0x6a: {  	[tilespmem:s10+$0x20] =	vst v1  }
0x6b: {  	[tilespmem:s10+$0x10] =	vst v1  }
0x6c: {  	[tilespmem:s10+$0x0] =	vst v1  }
0x6d: {  	[tilespmem:s10+$0xFFFFFFF0] =	vst v1  }
0x6e: {  	s13 =	simm.s32 $0x0;
	[tilespmem:s10+$0xFFFFFFE0] =	vst v1  }
.LBB2_8:
0x6f: {  	s13 =	sadd.s32 $0x8, s13;
	[tilespmem:s10+$0xFFFFFFD0] =	vst v1;
	s10 =	sadd.s32 $0x80, s10  }
0x70: {  	[tilespmem:s10+$0xFFFFFFC0] =	vst v1;
	p0 =	slt.u32 s13, $0x78  }
0x71: {  	[tilespmem:s10+$0x30] =	vst v1  }
.Ltmp5:
0x72: {  	[tilespmem:s10+$0x20] =	vst v1;
	(pc) =	sbr.rel @p0 .LBB2_8-.Ltmp5, $4  }
0x73: {  	[tilespmem:s10+$0x10] =	vst v1  }
0x74: {  	[tilespmem:s10+$0x0] =	vst v1  }
0x75: {  	[tilespmem:s10+$0xFFFFFFF0] =	vst v1  }
0x76: {  	[tilespmem:s10+$0xFFFFFFE0] =	vst v1  }
0x77: {  	[tilespmem:s10+$0xFFFFFFD0] =	vst v1  }
0x78: {  	s10 =	rddreg [dreg:$0xc]  }
0x79: {  	s10 =	sadd.s32 s11, s10  }
0x7a: {  	[hbm4b:s10+s31] =	stream.strided.scatter [tilespmem:s6], [sflag:$0x1], $0x800, s1, s31, $0x38;
	[tilespmem:$0x1FE80] =	vst v63  }
0x7b: {  	_ =	swait.ge [sflag:s4], $0x800  }
0x7c: {  	[sflag:s4] =	ssyncset.done $0x0  }
0x7d: {  	[sflag:s4] =	ssyncadd.s32 $0xFFFFF800  }
0x7e: {  	v1 =	vld.idx.msk [tilespmem:v0+s30+$0x0], $0xffff;
	_ =	sdelay $0x3  }
0x7f: {  	s10 =	simm.s32 $0x1D740  }
0x80: {  	[tilespmem:s10+$0xFFFFFFC0] =	vst v1  }
0x81: {  	[tilespmem:s10+$0x30] =	vst v1  }
0x82: {  	[tilespmem:s10+$0x20] =	vst v1  }
0x83: {  	[tilespmem:s10+$0x10] =	vst v1  }
0x84: {  	[tilespmem:s10+$0x0] =	vst v1  }
0x85: {  	[tilespmem:s10+$0xFFFFFFF0] =	vst v1  }
0x86: {  	s13 =	simm.s32 $0x0;
	[tilespmem:s10+$0xFFFFFFE0] =	vst v1  }
.LBB2_10:
0x87: {  	s13 =	sadd.s32 $0x8, s13;
	[tilespmem:s10+$0xFFFFFFD0] =	vst v1;
	s10 =	sadd.s32 $0x80, s10  }
0x88: {  	[tilespmem:s10+$0xFFFFFFC0] =	vst v1;
	p0 =	slt.u32 s13, $0x78  }
0x89: {  	[tilespmem:s10+$0x30] =	vst v1  }
.Ltmp6:
0x8a: {  	[tilespmem:s10+$0x20] =	vst v1;
	(pc) =	sbr.rel @p0 .LBB2_10-.Ltmp6, $4  }
0x8b: {  	[tilespmem:s10+$0x10] =	vst v1  }
0x8c: {  	[tilespmem:s10+$0x0] =	vst v1  }
0x8d: {  	[tilespmem:s10+$0xFFFFFFF0] =	vst v1  }
0x8e: {  	[tilespmem:s10+$0xFFFFFFE0] =	vst v1  }
0x8f: {  	[tilespmem:s10+$0xFFFFFFD0] =	vst v1  }
0x90: {  	s10 =	rddreg [dreg:$0xe]  }
0x91: {  	s10 =	sadd.s32 s11, s10  }
0x92: {  	[hbm4b:s10+s31] =	stream.strided.scatter [tilespmem:s3], [sflag:$0x1], $0x800, s1, s31, $0x38;
	[tilespmem:$0x1FE80] =	vst v63  }
0x93: {  	_ =	swait.ge [sflag:s4], $0x800  }
0x94: {  	[sflag:s4] =	ssyncset.done $0x0  }
0x95: {  	[sflag:s4] =	ssyncadd.s32 $0xFFFFF800  }
0x96: {  	v1 =	vld.idx.msk [tilespmem:v0+s30+$0x0], $0xffff;
	_ =	sdelay $0x3  }
0x97: {  	s10 =	simm.s32 $0x1C740  }
0x98: {  	[tilespmem:s10+$0xFFFFFFC0] =	vst v1  }
0x99: {  	[tilespmem:s10+$0x30] =	vst v1  }
0x9a: {  	[tilespmem:s10+$0x20] =	vst v1  }
0x9b: {  	[tilespmem:s10+$0x10] =	vst v1  }
0x9c: {  	[tilespmem:s10+$0x0] =	vst v1  }
0x9d: {  	[tilespmem:s10+$0xFFFFFFF0] =	vst v1  }
0x9e: {  	s13 =	simm.s32 $0x0;
	[tilespmem:s10+$0xFFFFFFE0] =	vst v1  }
.LBB2_12:
0x9f: {  	s13 =	sadd.s32 $0x8, s13;
	[tilespmem:s10+$0xFFFFFFD0] =	vst v1;
	s10 =	sadd.s32 $0x80, s10  }
0xa0: {  	[tilespmem:s10+$0xFFFFFFC0] =	vst v1;
	p0 =	slt.u32 s13, $0x78  }
0xa1: {  	[tilespmem:s10+$0x30] =	vst v1  }
.Ltmp7:
0xa2: {  	[tilespmem:s10+$0x20] =	vst v1;
	(pc) =	sbr.rel @p0 .LBB2_12-.Ltmp7, $4  }
0xa3: {  	[tilespmem:s10+$0x10] =	vst v1  }
0xa4: {  	[tilespmem:s10+$0x0] =	vst v1  }
0xa5: {  	[tilespmem:s10+$0xFFFFFFF0] =	vst v1  }
0xa6: {  	[tilespmem:s10+$0xFFFFFFE0] =	vst v1  }
0xa7: {  	[tilespmem:s10+$0xFFFFFFD0] =	vst v1  }
0xa8: {  	s10 =	rddreg [dreg:$0x10]  }
0xa9: {  	s10 =	sadd.s32 s11, s10  }
0xaa: {  	[hbm4b:s10+s31] =	stream.strided.scatter [tilespmem:s6], [sflag:$0x1], $0x800, s1, s31, $0x38;
	[tilespmem:$0x1FE80] =	vst v63  }
0xab: {  	_ =	swait.ge [sflag:s4], $0x800  }
0xac: {  	[sflag:s4] =	ssyncset.done $0x0  }
0xad: {  	[sflag:s4] =	ssyncadd.s32 $0xFFFFF800  }
0xae: {  	v1 =	vld.idx.msk [tilespmem:v0+s30+$0x0], $0xffff;
	_ =	sdelay $0x3  }
0xaf: {  	s10 =	simm.s32 $0x1D740  }
0xb0: {  	[tilespmem:s10+$0xFFFFFFC0] =	vst v1  }
0xb1: {  	[tilespmem:s10+$0x30] =	vst v1  }
0xb2: {  	[tilespmem:s10+$0x20] =	vst v1  }
0xb3: {  	[tilespmem:s10+$0x10] =	vst v1  }
0xb4: {  	[tilespmem:s10+$0x0] =	vst v1  }
0xb5: {  	[tilespmem:s10+$0xFFFFFFF0] =	vst v1  }
0xb6: {  	s13 =	simm.s32 $0x0;
	[tilespmem:s10+$0xFFFFFFE0] =	vst v1  }
.LBB2_14:
0xb7: {  	s13 =	sadd.s32 $0x8, s13;
	[tilespmem:s10+$0xFFFFFFD0] =	vst v1;
	s10 =	sadd.s32 $0x80, s10  }
0xb8: {  	[tilespmem:s10+$0xFFFFFFC0] =	vst v1;
	p0 =	slt.u32 s13, $0x78  }
0xb9: {  	[tilespmem:s10+$0x30] =	vst v1  }
.Ltmp8:
0xba: {  	[tilespmem:s10+$0x20] =	vst v1;
	(pc) =	sbr.rel @p0 .LBB2_14-.Ltmp8, $4  }
0xbb: {  	[tilespmem:s10+$0x10] =	vst v1  }
0xbc: {  	[tilespmem:s10+$0x0] =	vst v1  }
0xbd: {  	[tilespmem:s10+$0xFFFFFFF0] =	vst v1  }
0xbe: {  	[tilespmem:s10+$0xFFFFFFE0] =	vst v1  }
0xbf: {  	[tilespmem:s10+$0xFFFFFFD0] =	vst v1;
	s19 =	sadd.s32 s11, s22  }
0xc0: {  	[hbm4b:s19+s31] =	stream.strided.scatter [tilespmem:s3], [sflag:$0x1], $0x800, s1, s31, $0x38;
	[tilespmem:$0x1FE80] =	vst v63  }
0xc1: {  	_ =	swait.ge [sflag:s4], $0x800  }
0xc2: {  	[sflag:s4] =	ssyncset.done $0x0  }
0xc3: {  	[sflag:s4] =	ssyncadd.s32 $0xFFFFF800  }
0xc4: {  	v1 =	vld.idx.msk [tilespmem:v0+s30+$0x0], $0xffff;
	_ =	sdelay $0x3  }
0xc5: {  	s10 =	simm.s32 $0x1C740  }
0xc6: {  	[tilespmem:s10+$0xFFFFFFC0] =	vst v1  }
0xc7: {  	[tilespmem:s10+$0x30] =	vst v1  }
0xc8: {  	[tilespmem:s10+$0x20] =	vst v1  }
0xc9: {  	[tilespmem:s10+$0x10] =	vst v1  }
0xca: {  	[tilespmem:s10+$0x0] =	vst v1  }
0xcb: {  	[tilespmem:s10+$0xFFFFFFF0] =	vst v1  }
0xcc: {  	s13 =	simm.s32 $0x0;
	[tilespmem:s10+$0xFFFFFFE0] =	vst v1  }
.LBB2_16:
0xcd: {  	s13 =	sadd.s32 $0x8, s13;
	[tilespmem:s10+$0xFFFFFFD0] =	vst v1;
	s10 =	sadd.s32 $0x80, s10  }
0xce: {  	[tilespmem:s10+$0xFFFFFFC0] =	vst v1;
	p0 =	slt.u32 s13, $0x78  }
0xcf: {  	[tilespmem:s10+$0x30] =	vst v1  }
.Ltmp9:
0xd0: {  	[tilespmem:s10+$0x20] =	vst v1;
	(pc) =	sbr.rel @p0 .LBB2_16-.Ltmp9, $4  }
0xd1: {  	[tilespmem:s10+$0x10] =	vst v1  }
0xd2: {  	[tilespmem:s10+$0x0] =	vst v1  }
0xd3: {  	[tilespmem:s10+$0xFFFFFFF0] =	vst v1  }
0xd4: {  	[tilespmem:s10+$0xFFFFFFE0] =	vst v1  }
0xd5: {  	[tilespmem:s10+$0xFFFFFFD0] =	vst v1;
	s19 =	sadd.s32 s11, s23  }
0xd6: {  	[hbm4b:s19+s31] =	stream.strided.scatter [tilespmem:s6], [sflag:$0x1], $0x800, s1, s31, $0x38;
	[tilespmem:$0x1FE80] =	vst v63  }
0xd7: {  	_ =	swait.ge [sflag:s4], $0x800  }
0xd8: {  	[sflag:s4] =	ssyncset.done $0x0  }
0xd9: {  	[sflag:s4] =	ssyncadd.s32 $0xFFFFF800  }
0xda: {  	v0 =	vld.idx.msk [tilespmem:v0+s30+$0x0], $0xffff;
	_ =	sdelay $0x3  }
0xdb: {  	s10 =	simm.s32 $0x1D740  }
0xdc: {  	[tilespmem:s10+$0xFFFFFFC0] =	vst v0  }
0xdd: {  	[tilespmem:s10+$0x30] =	vst v0  }
0xde: {  	[tilespmem:s10+$0x20] =	vst v0  }
0xdf: {  	[tilespmem:s10+$0x10] =	vst v0  }
0xe0: {  	[tilespmem:s10+$0x0] =	vst v0  }
0xe1: {  	[tilespmem:s10+$0xFFFFFFF0] =	vst v0  }
0xe2: {  	s11 =	simm.s32 $0x0;
	[tilespmem:s10+$0xFFFFFFE0] =	vst v0  }
.LBB2_18:
0xe3: {  	s11 =	sadd.s32 $0x8, s11;
	[tilespmem:s10+$0xFFFFFFD0] =	vst v0;
	s10 =	sadd.s32 $0x80, s10  }
0xe4: {  	[tilespmem:s10+$0xFFFFFFC0] =	vst v0;
	p0 =	slt.u32 s11, $0x78  }
0xe5: {  	[tilespmem:s10+$0x30] =	vst v0  }
.Ltmp10:
0xe6: {  	[tilespmem:s10+$0x20] =	vst v0;
	(pc) =	sbr.rel @p0 .LBB2_18-.Ltmp10, $4  }
0xe7: {  	[tilespmem:s10+$0x10] =	vst v0  }
0xe8: {  	[tilespmem:s10+$0x0] =	vst v0  }
0xe9: {  	[tilespmem:s10+$0xFFFFFFF0] =	vst v0  }
0xea: {  	[tilespmem:s10+$0xFFFFFFE0] =	vst v0  }
.Ltmp11:
0xeb: {  	(pc) =	sbr.rel .LBB2_37-.Ltmp11, $2  }
0xec: {  	_ =	sdelay $0x2  }
0xed: {  	[tilespmem:s10+$0xFFFFFFD0] =	vst v0  }
.LBB2_20:
0xee: {  	s10 =	sadd.s32 $0xFFFFFFC0, s0  }
0xef: {  	s15 =	sshll.u32 s10, $0x8;
	s11 =	sshll.u32 s10, $0x1  }
0xf0: {  	v0 =	vmov s10;
	s13 =	sand.u32 $0xFFFE0000, s15;
	s11 =	sand.u32 $0x380, s11  }
0xf1: {  	s19 =	sor.u32 s11, s13  }
0xf2: {  	s17 =	sshrl.u32 s19, $0x3  }
0xf3: {  	s10 =	sadd.s32 s21, s17  }
0xf4: {  	[tilespmem:s25], [sflag:$0x3] =	stream.strided.gather [hbm4b:s10+s31], $0x800, s1, s31, $0x38;
	[tilespmem:$0x1FE80] =	vst v63  }
0xf5: {  	v2 =	vld.idx.msk [tilespmem:v0+s26+$0x0], $0xffff  }
0xf6: {  	v1 =	vld.idx.msk [tilespmem:v0+s29+$0x0], $0xffff;
	_ =	swait.ge [sflag:s28], $0x800  }
0xf7: {  	[sflag:s28] =	ssyncset.done $0x0;
	s13 =	rddreg [dreg:$0x8]  }
0xf8: {  	s19 =	simm.s32 $0x1E740;
	[sflag:s28] =	ssyncadd.s32 $0xFFFFF800;
	s10 =	sadd.s32 s17, s13  }
0xf9: {  	[tilespmem:s2], [sflag:$0x3] =	stream.strided.gather [hbm4b:s10+s31], $0x800, s1, s31, $0x38;
	[tilespmem:$0x1FE80] =	vst v63  }
0xfa: {  	v3 =	vld [tilespmem:s19+$0x30]  }
0xfb: {  	v4 =	vld [tilespmem:s19+$0xFFFFFFD0]  }
0xfc: {  	v5 =	vld [tilespmem:s19+$0xFFFFFFE0]  }
0xfd: {  	v6 =	vld [tilespmem:s19+$0xFFFFFFF0]  }
0xfe: {  	v7 =	vld [tilespmem:s19+$0x0];
	_ =	sdelay $0x1  }
0xff: {  	v8 =	vld [tilespmem:s19+$0x10];
	v3 =	vmul.f32 v3, v2  }
0x100: {  	v9 =	vld [tilespmem:s19+$0x20];
	v4 =	vmul.f32 v4, v2  }
0x101: {  	s14 =	smov.u32 s21;
	s21 =	simm.s32 $0x1E7C0;
	v10 =	vld [tilespmem:s19+$0xFFFFFFC0];
	v5 =	vmul.f32 v5, v2;
	v3 =	vadd.f32 v3, v1  }
0x102: {  	s13 =	simm.s32 $0x1C740;
	v11 =	vld [tilespmem:s21+$0x30];
	v6 =	vmul.f32 v6, v2;
	v7 =	vmul.f32 v7, v2;
	v4 =	vadd.f32 v4, v1  }
0x103: {  	v12 =	vld [tilespmem:s21+$0xFFFFFFD0];
	v13 =	vadd.f32 v5, v1;
	[tilespmem:s13+$0x30] =	vst v3  }
0x104: {  	v14 =	vld [tilespmem:s21+$0xFFFFFFE0];
	v7 =	vadd.f32 v7, v1;
	[tilespmem:s13+$0xFFFFFFD0] =	vst v4;
	v3 =	vadd.f32 v6, v1;
	v6 =	vmul.f32 v8, v2  }
0x105: {  	v5 =	vld [tilespmem:s21+$0xFFFFFFF0];
	[tilespmem:s13+$0xFFFFFFE0] =	vst v13;
	v8 =	vmul.f32 v9, v2  }
0x106: {  	v10 =	vmul.f32 v10, v2;
	v4 =	vld [tilespmem:s21+$0x0];
	[tilespmem:s13+$0x0] =	vst v7;
	v9 =	vadd.f32 v6, v1  }
0x107: {  	v63 =	vmul.f32 v11, v2;
	[tilespmem:s13+$0xFFFFFFF0] =	vst v3;
	v3 =	vld [tilespmem:s21+$0x10];
	v15 =	vadd.f32 v8, v1  }
0x108: {  	v11 =	vadd.f32 v10, v1;
	v8 =	vmul.f32 v12, v2;
	v6 =	vld [tilespmem:s21+$0x20];
	[tilespmem:s13+$0x10] =	vst v9  }
0x109: {  	s15 =	sand.u32 $0xFFFFC000, s15;
	s19 =	simm.s32 $0x8;
	v10 =	vmul.f32 v14, v2;
	v7 =	vld [tilespmem:s21+$0xFFFFFFC0];
	s21 =	simm.s32 $0x1E840;
	v9 =	vadd.f32 v63, v1;
	[tilespmem:s13+$0x20] =	vst v15  }
.LBB2_21:
0x10a: {  	v12 =	vld [tilespmem:s21+$0x30];
	s19 =	sadd.s32 $0x8, s19;
	v8 =	vadd.f32 v8, v1;
	v5 =	vmul.f32 v5, v2;
	[tilespmem:s13+$0xFFFFFFC0] =	vst v11;
	s13 =	sadd.s32 $0x80, s13  }
0x10b: {  	v11 =	vld [tilespmem:s21+$0xFFFFFFD0];
	p0 =	slt.u32 s19, $0x78;
	v10 =	vadd.f32 v10, v1;
	v4 =	vmul.f32 v4, v2;
	[tilespmem:s13+$0x30] =	vst v9  }
0x10c: {  	v9 =	vld [tilespmem:s21+$0xFFFFFFE0];
	[tilespmem:s13+$0xFFFFFFD0] =	vst v8;
	v8 =	vadd.f32 v5, v1;
	v3 =	vmul.f32 v3, v2  }
.Ltmp12:
0x10d: {  	v5 =	vld [tilespmem:s21+$0xFFFFFFF0];
	[tilespmem:s13+$0xFFFFFFE0] =	vst v10;
	v10 =	vadd.f32 v4, v1;
	v6 =	vmul.f32 v6, v2;
	(pc) =	sbr.rel @p0 .LBB2_21-.Ltmp12, $4  }
0x10e: {  	v4 =	vld [tilespmem:s21+$0x0];
	v7 =	vmul.f32 v7, v2;
	[tilespmem:s13+$0xFFFFFFF0] =	vst v8;
	v13 =	vadd.f32 v3, v1  }
0x10f: {  	v3 =	vld [tilespmem:s21+$0x10];
	v12 =	vmul.f32 v12, v2;
	[tilespmem:s13+$0x0] =	vst v10;
	v14 =	vadd.f32 v6, v1  }
0x110: {  	v8 =	vmul.f32 v11, v2;
	v6 =	vld [tilespmem:s21+$0x20];
	v11 =	vadd.f32 v7, v1;
	[tilespmem:s13+$0x10] =	vst v13  }
0x111: {  	v7 =	vld [tilespmem:s21+$0xFFFFFFC0];
	v10 =	vmul.f32 v9, v2;
	v9 =	vadd.f32 v12, v1;
	s21 =	sadd.s32 $0x80, s21;
	[tilespmem:s13+$0x20] =	vst v14  }
0x112: {  	v8 =	vadd.f32 v8, v1;
	v5 =	vmul.f32 v5, v2;
	[tilespmem:s13+$0xFFFFFFC0] =	vst v11;
	s10 =	sadd.s32 $0x80, s13  }
0x113: {  	v10 =	vadd.f32 v10, v1;
	v4 =	vmul.f32 v4, v2;
	[tilespmem:s10+$0x30] =	vst v9  }
0x114: {  	[tilespmem:s10+$0xFFFFFFD0] =	vst v8;
	v5 =	vadd.f32 v5, v1;
	v3 =	vmul.f32 v3, v2  }
0x115: {  	[tilespmem:s10+$0xFFFFFFE0] =	vst v10;
	v4 =	vadd.f32 v4, v1;
	v6 =	vmul.f32 v6, v2  }
0x116: {  	s0 =	sshll.u32 s0, $0xE;
	v2 =	vmul.f32 v7, v2;
	[tilespmem:s10+$0xFFFFFFF0] =	vst v5;
	v3 =	vadd.f32 v3, v1  }
0x117: {  	s19 =	sand.u32 $0xFE0000, s0;
	[tilespmem:s10+$0x0] =	vst v4;
	v4 =	vadd.f32 v6, v1  }
0x118: {  	s13 =	sor.u32 s12, s19;
	v1 =	vadd.f32 v2, v1;
	[tilespmem:s10+$0x10] =	vst v3  }
0x119: {  	s13 =	sshrl.u32 s13, $0x3;
	[tilespmem:s10+$0x20] =	vst v4  }
0x11a: {  	s21 =	sadd.s32 s8, s13;
	[tilespmem:s10+$0xFFFFFFC0] =	vst v1  }
0x11b: {  	[hbm4b:s21+s31] =	stream.strided.scatter [tilespmem:s6], [sflag:$0x1], $0x800, s1, s31, $0x38;
	[tilespmem:$0x1FE80] =	vst v63  }
0x11c: {  	v2 =	vld.idx.msk [tilespmem:v0+s26+$0x0], $0xffff  }
0x11d: {  	v1 =	vld.idx.msk [tilespmem:v0+s29+$0x0], $0xffff;
	_ =	swait.ge [sflag:s28], $0x800  }
0x11e: {  	[sflag:s28] =	ssyncset.done $0x0;
	s19 =	rddreg [dreg:$0x9]  }
0x11f: {  	s21 =	simm.s32 $0x1EF40;
	[sflag:s28] =	ssyncadd.s32 $0xFFFFF800;
	s10 =	sadd.s32 s17, s19  }
0x120: {  	[tilespmem:s25], [sflag:$0x3] =	stream.strided.gather [hbm4b:s10+s31], $0x800, s1, s31, $0x38;
	[tilespmem:$0x1FE80] =	vst v63  }
0x121: {  	v3 =	vld [tilespmem:s21+$0x30]  }
0x122: {  	v4 =	vld [tilespmem:s21+$0xFFFFFFD0]  }
0x123: {  	v5 =	vld [tilespmem:s21+$0xFFFFFFE0]  }
0x124: {  	v6 =	vld [tilespmem:s21+$0xFFFFFFF0]  }
0x125: {  	v7 =	vld [tilespmem:s21+$0x0];
	_ =	sdelay $0x1  }
0x126: {  	v8 =	vld [tilespmem:s21+$0x10];
	v3 =	vmul.f32 v3, v2  }
0x127: {  	v9 =	vld [tilespmem:s21+$0x20];
	v4 =	vmul.f32 v4, v2  }
0x128: {  	s10 =	simm.s32 $0x1EFC0;
	v10 =	vld [tilespmem:s21+$0xFFFFFFC0];
	v5 =	vmul.f32 v5, v2;
	v3 =	vadd.f32 v3, v1  }
0x129: {  	s19 =	simm.s32 $0x1D740;
	v11 =	vld [tilespmem:s10+$0x30];
	v6 =	vmul.f32 v6, v2;
	v7 =	vmul.f32 v7, v2;
	v4 =	vadd.f32 v4, v1  }
0x12a: {  	v12 =	vld [tilespmem:s10+$0xFFFFFFD0];
	v13 =	vadd.f32 v5, v1;
	[tilespmem:s19+$0x30] =	vst v3  }
0x12b: {  	v14 =	vld [tilespmem:s10+$0xFFFFFFE0];
	v7 =	vadd.f32 v7, v1;
	[tilespmem:s19+$0xFFFFFFD0] =	vst v4;
	v3 =	vadd.f32 v6, v1;
	v6 =	vmul.f32 v8, v2  }
0x12c: {  	v5 =	vld [tilespmem:s10+$0xFFFFFFF0];
	[tilespmem:s19+$0xFFFFFFE0] =	vst v13;
	v8 =	vmul.f32 v9, v2  }
0x12d: {  	v10 =	vmul.f32 v10, v2;
	v4 =	vld [tilespmem:s10+$0x0];
	[tilespmem:s19+$0x0] =	vst v7;
	v63 =	vadd.f32 v6, v1  }
0x12e: {  	v15 =	vmul.f32 v11, v2;
	[tilespmem:s19+$0xFFFFFFF0] =	vst v3;
	v3 =	vld [tilespmem:s10+$0x10];
	v16 =	vadd.f32 v8, v1  }
0x12f: {  	v11 =	vadd.f32 v10, v1;
	v9 =	vmul.f32 v12, v2;
	v6 =	vld [tilespmem:s10+$0x20];
	[tilespmem:s19+$0x10] =	vst v63  }
0x130: {  	s21 =	simm.s32 $0x8;
	v10 =	vmul.f32 v14, v2;
	v7 =	vld [tilespmem:s10+$0xFFFFFFC0];
	v8 =	vadd.f32 v15, v1;
	s10 =	simm.s32 $0x1F040;
	[tilespmem:s19+$0x20] =	vst v16  }
.LBB2_23:
0x131: {  	v12 =	vld [tilespmem:s10+$0x30];
	s21 =	sadd.s32 $0x8, s21;
	v9 =	vadd.f32 v9, v1;
	v5 =	vmul.f32 v5, v2;
	[tilespmem:s19+$0xFFFFFFC0] =	vst v11;
	s19 =	sadd.s32 $0x80, s19  }
0x132: {  	v11 =	vld [tilespmem:s10+$0xFFFFFFD0];
	p0 =	slt.u32 s21, $0x78;
	v10 =	vadd.f32 v10, v1;
	v4 =	vmul.f32 v4, v2;
	[tilespmem:s19+$0x30] =	vst v8  }
0x133: {  	v8 =	vld [tilespmem:s10+$0xFFFFFFE0];
	[tilespmem:s19+$0xFFFFFFD0] =	vst v9;
	v9 =	vadd.f32 v5, v1;
	v3 =	vmul.f32 v3, v2  }
.Ltmp13:
0x134: {  	v5 =	vld [tilespmem:s10+$0xFFFFFFF0];
	[tilespmem:s19+$0xFFFFFFE0] =	vst v10;
	v10 =	vadd.f32 v4, v1;
	v6 =	vmul.f32 v6, v2;
	(pc) =	sbr.rel @p0 .LBB2_23-.Ltmp13, $4  }
0x135: {  	v4 =	vld [tilespmem:s10+$0x0];
	v7 =	vmul.f32 v7, v2;
	[tilespmem:s19+$0xFFFFFFF0] =	vst v9;
	v13 =	vadd.f32 v3, v1  }
0x136: {  	v3 =	vld [tilespmem:s10+$0x10];
	v12 =	vmul.f32 v12, v2;
	[tilespmem:s19+$0x0] =	vst v10;
	v14 =	vadd.f32 v6, v1  }
0x137: {  	v9 =	vmul.f32 v11, v2;
	v6 =	vld [tilespmem:s10+$0x20];
	v11 =	vadd.f32 v7, v1;
	[tilespmem:s19+$0x10] =	vst v13  }
0x138: {  	v7 =	vld [tilespmem:s10+$0xFFFFFFC0];
	v10 =	vmul.f32 v8, v2;
	v8 =	vadd.f32 v12, v1;
	s10 =	sadd.s32 $0x80, s10;
	[tilespmem:s19+$0x20] =	vst v14  }
0x139: {  	v9 =	vadd.f32 v9, v1;
	v5 =	vmul.f32 v5, v2;
	[tilespmem:s19+$0xFFFFFFC0] =	vst v11;
	s10 =	sadd.s32 $0x80, s19  }
0x13a: {  	v10 =	vadd.f32 v10, v1;
	v4 =	vmul.f32 v4, v2;
	[tilespmem:s10+$0x30] =	vst v8  }
0x13b: {  	[tilespmem:s10+$0xFFFFFFD0] =	vst v9;
	v5 =	vadd.f32 v5, v1;
	v3 =	vmul.f32 v3, v2  }
0x13c: {  	[tilespmem:s10+$0xFFFFFFE0] =	vst v10;
	v4 =	vadd.f32 v4, v1;
	v6 =	vmul.f32 v6, v2  }
0x13d: {  	v2 =	vmul.f32 v7, v2;
	[tilespmem:s10+$0xFFFFFFF0] =	vst v5;
	v3 =	vadd.f32 v3, v1  }
0x13e: {  	[tilespmem:s10+$0x0] =	vst v4;
	v4 =	vadd.f32 v6, v1  }
0x13f: {  	v1 =	vadd.f32 v2, v1;
	[tilespmem:s10+$0x10] =	vst v3  }
0x140: {  	[tilespmem:s10+$0x20] =	vst v4  }
0x141: {  	[tilespmem:s10+$0xFFFFFFC0] =	vst v1  }
0x142: {  	s10 =	rddreg [dreg:$0xa]  }
0x143: {  	s10 =	sadd.s32 s13, s10  }
0x144: {  	[hbm4b:s10+s31] =	stream.strided.scatter [tilespmem:s3], [sflag:$0x1], $0x800, s1, s31, $0x38;
	[tilespmem:$0x1FE80] =	vst v63  }
0x145: {  	_ =	swait.ge [sflag:s4], $0x800  }
0x146: {  	[sflag:s4] =	ssyncset.done $0x0  }
0x147: {  	[sflag:s4] =	ssyncadd.s32 $0xFFFFF800  }
0x148: {  	v2 =	vld.idx.msk [tilespmem:v0+s26+$0x0], $0xffff  }
0x149: {  	v1 =	vld.idx.msk [tilespmem:v0+s29+$0x0], $0xffff;
	_ =	swait.ge [sflag:s28], $0x800  }
0x14a: {  	[sflag:s28] =	ssyncset.done $0x0;
	s19 =	rddreg [dreg:$0xb]  }
0x14b: {  	s21 =	simm.s32 $0x1E740;
	[sflag:s28] =	ssyncadd.s32 $0xFFFFF800;
	s10 =	sadd.s32 s17, s19  }
0x14c: {  	[tilespmem:s2], [sflag:$0x3] =	stream.strided.gather [hbm4b:s10+s31], $0x800, s1, s31, $0x38;
	[tilespmem:$0x1FE80] =	vst v63  }
0x14d: {  	v3 =	vld [tilespmem:s21+$0x30]  }
0x14e: {  	v4 =	vld [tilespmem:s21+$0xFFFFFFD0]  }
0x14f: {  	v5 =	vld [tilespmem:s21+$0xFFFFFFE0]  }
0x150: {  	v6 =	vld [tilespmem:s21+$0xFFFFFFF0]  }
0x151: {  	v7 =	vld [tilespmem:s21+$0x0];
	_ =	sdelay $0x1  }
0x152: {  	v8 =	vld [tilespmem:s21+$0x10];
	v3 =	vmul.f32 v3, v2  }
0x153: {  	v9 =	vld [tilespmem:s21+$0x20];
	v4 =	vmul.f32 v4, v2  }
0x154: {  	s10 =	simm.s32 $0x1E7C0;
	v10 =	vld [tilespmem:s21+$0xFFFFFFC0];
	v5 =	vmul.f32 v5, v2;
	v3 =	vadd.f32 v3, v1  }
0x155: {  	s19 =	simm.s32 $0x1C740;
	v11 =	vld [tilespmem:s10+$0x30];
	v6 =	vmul.f32 v6, v2;
	v7 =	vmul.f32 v7, v2;
	v4 =	vadd.f32 v4, v1  }
0x156: {  	v12 =	vld [tilespmem:s10+$0xFFFFFFD0];
	v13 =	vadd.f32 v5, v1;
	[tilespmem:s19+$0x30] =	vst v3  }
0x157: {  	v14 =	vld [tilespmem:s10+$0xFFFFFFE0];
	v7 =	vadd.f32 v7, v1;
	[tilespmem:s19+$0xFFFFFFD0] =	vst v4;
	v3 =	vadd.f32 v6, v1;
	v6 =	vmul.f32 v8, v2  }
0x158: {  	v5 =	vld [tilespmem:s10+$0xFFFFFFF0];
	[tilespmem:s19+$0xFFFFFFE0] =	vst v13;
	v8 =	vmul.f32 v9, v2  }
0x159: {  	v10 =	vmul.f32 v10, v2;
	v4 =	vld [tilespmem:s10+$0x0];
	[tilespmem:s19+$0x0] =	vst v7;
	v63 =	vadd.f32 v6, v1  }
0x15a: {  	v15 =	vmul.f32 v11, v2;
	[tilespmem:s19+$0xFFFFFFF0] =	vst v3;
	v3 =	vld [tilespmem:s10+$0x10];
	v16 =	vadd.f32 v8, v1  }
0x15b: {  	v11 =	vadd.f32 v10, v1;
	v9 =	vmul.f32 v12, v2;
	v6 =	vld [tilespmem:s10+$0x20];
	[tilespmem:s19+$0x10] =	vst v63  }
0x15c: {  	s21 =	simm.s32 $0x8;
	v10 =	vmul.f32 v14, v2;
	v7 =	vld [tilespmem:s10+$0xFFFFFFC0];
	v8 =	vadd.f32 v15, v1;
	s10 =	simm.s32 $0x1E840;
	[tilespmem:s19+$0x20] =	vst v16  }
.LBB2_25:
0x15d: {  	v12 =	vld [tilespmem:s10+$0x30];
	s21 =	sadd.s32 $0x8, s21;
	v9 =	vadd.f32 v9, v1;
	v5 =	vmul.f32 v5, v2;
	[tilespmem:s19+$0xFFFFFFC0] =	vst v11;
	s19 =	sadd.s32 $0x80, s19  }
0x15e: {  	v11 =	vld [tilespmem:s10+$0xFFFFFFD0];
	p0 =	slt.u32 s21, $0x78;
	v10 =	vadd.f32 v10, v1;
	v4 =	vmul.f32 v4, v2;
	[tilespmem:s19+$0x30] =	vst v8  }
0x15f: {  	v8 =	vld [tilespmem:s10+$0xFFFFFFE0];
	[tilespmem:s19+$0xFFFFFFD0] =	vst v9;
	v9 =	vadd.f32 v5, v1;
	v3 =	vmul.f32 v3, v2  }
.Ltmp14:
0x160: {  	v5 =	vld [tilespmem:s10+$0xFFFFFFF0];
	[tilespmem:s19+$0xFFFFFFE0] =	vst v10;
	v10 =	vadd.f32 v4, v1;
	v6 =	vmul.f32 v6, v2;
	(pc) =	sbr.rel @p0 .LBB2_25-.Ltmp14, $4  }
0x161: {  	v4 =	vld [tilespmem:s10+$0x0];
	v7 =	vmul.f32 v7, v2;
	[tilespmem:s19+$0xFFFFFFF0] =	vst v9;
	v13 =	vadd.f32 v3, v1  }
0x162: {  	v3 =	vld [tilespmem:s10+$0x10];
	v12 =	vmul.f32 v12, v2;
	[tilespmem:s19+$0x0] =	vst v10;
	v14 =	vadd.f32 v6, v1  }
0x163: {  	v9 =	vmul.f32 v11, v2;
	v6 =	vld [tilespmem:s10+$0x20];
	v11 =	vadd.f32 v7, v1;
	[tilespmem:s19+$0x10] =	vst v13  }
0x164: {  	v7 =	vld [tilespmem:s10+$0xFFFFFFC0];
	v10 =	vmul.f32 v8, v2;
	v8 =	vadd.f32 v12, v1;
	s10 =	sadd.s32 $0x80, s10;
	[tilespmem:s19+$0x20] =	vst v14  }
0x165: {  	v9 =	vadd.f32 v9, v1;
	v5 =	vmul.f32 v5, v2;
	[tilespmem:s19+$0xFFFFFFC0] =	vst v11;
	s10 =	sadd.s32 $0x80, s19  }
0x166: {  	v10 =	vadd.f32 v10, v1;
	v4 =	vmul.f32 v4, v2;
	[tilespmem:s10+$0x30] =	vst v8  }
0x167: {  	[tilespmem:s10+$0xFFFFFFD0] =	vst v9;
	v5 =	vadd.f32 v5, v1;
	v3 =	vmul.f32 v3, v2  }
0x168: {  	[tilespmem:s10+$0xFFFFFFE0] =	vst v10;
	v4 =	vadd.f32 v4, v1;
	v6 =	vmul.f32 v6, v2  }
0x169: {  	v2 =	vmul.f32 v7, v2;
	[tilespmem:s10+$0xFFFFFFF0] =	vst v5;
	v3 =	vadd.f32 v3, v1  }
0x16a: {  	[tilespmem:s10+$0x0] =	vst v4;
	v4 =	vadd.f32 v6, v1  }
0x16b: {  	v1 =	vadd.f32 v2, v1;
	[tilespmem:s10+$0x10] =	vst v3  }
0x16c: {  	[tilespmem:s10+$0x20] =	vst v4  }
0x16d: {  	[tilespmem:s10+$0xFFFFFFC0] =	vst v1  }
0x16e: {  	s10 =	rddreg [dreg:$0xc]  }
0x16f: {  	s10 =	sadd.s32 s13, s10  }
0x170: {  	[hbm4b:s10+s31] =	stream.strided.scatter [tilespmem:s6], [sflag:$0x1], $0x800, s1, s31, $0x38;
	[tilespmem:$0x1FE80] =	vst v63  }
0x171: {  	_ =	swait.ge [sflag:s4], $0x800  }
0x172: {  	[sflag:s4] =	ssyncset.done $0x0  }
0x173: {  	[sflag:s4] =	ssyncadd.s32 $0xFFFFF800  }
0x174: {  	v2 =	vld.idx.msk [tilespmem:v0+s26+$0x0], $0xffff  }
0x175: {  	v1 =	vld.idx.msk [tilespmem:v0+s29+$0x0], $0xffff;
	_ =	swait.ge [sflag:s28], $0x800  }
0x176: {  	[sflag:s28] =	ssyncset.done $0x0;
	s19 =	rddreg [dreg:$0xd]  }
0x177: {  	s21 =	simm.s32 $0x1EF40;
	[sflag:s28] =	ssyncadd.s32 $0xFFFFF800;
	s10 =	sadd.s32 s17, s19  }
0x178: {  	[tilespmem:s25], [sflag:$0x3] =	stream.strided.gather [hbm4b:s10+s31], $0x800, s1, s31, $0x38;
	[tilespmem:$0x1FE80] =	vst v63  }
0x179: {  	v3 =	vld [tilespmem:s21+$0x30]  }
0x17a: {  	v4 =	vld [tilespmem:s21+$0xFFFFFFD0]  }
0x17b: {  	v5 =	vld [tilespmem:s21+$0xFFFFFFE0]  }
0x17c: {  	v6 =	vld [tilespmem:s21+$0xFFFFFFF0]  }
0x17d: {  	v7 =	vld [tilespmem:s21+$0x0];
	_ =	sdelay $0x1  }
0x17e: {  	v8 =	vld [tilespmem:s21+$0x10];
	v3 =	vmul.f32 v3, v2  }
0x17f: {  	v9 =	vld [tilespmem:s21+$0x20];
	v4 =	vmul.f32 v4, v2  }
0x180: {  	s10 =	simm.s32 $0x1EFC0;
	v10 =	vld [tilespmem:s21+$0xFFFFFFC0];
	v5 =	vmul.f32 v5, v2;
	v3 =	vadd.f32 v3, v1  }
0x181: {  	s19 =	simm.s32 $0x1D740;
	v11 =	vld [tilespmem:s10+$0x30];
	v6 =	vmul.f32 v6, v2;
	v7 =	vmul.f32 v7, v2;
	v4 =	vadd.f32 v4, v1  }
0x182: {  	v12 =	vld [tilespmem:s10+$0xFFFFFFD0];
	v13 =	vadd.f32 v5, v1;
	[tilespmem:s19+$0x30] =	vst v3  }
0x183: {  	v14 =	vld [tilespmem:s10+$0xFFFFFFE0];
	v7 =	vadd.f32 v7, v1;
	[tilespmem:s19+$0xFFFFFFD0] =	vst v4;
	v3 =	vadd.f32 v6, v1;
	v6 =	vmul.f32 v8, v2  }
0x184: {  	v5 =	vld [tilespmem:s10+$0xFFFFFFF0];
	[tilespmem:s19+$0xFFFFFFE0] =	vst v13;
	v8 =	vmul.f32 v9, v2  }
0x185: {  	v10 =	vmul.f32 v10, v2;
	v4 =	vld [tilespmem:s10+$0x0];
	[tilespmem:s19+$0x0] =	vst v7;
	v63 =	vadd.f32 v6, v1  }
0x186: {  	v15 =	vmul.f32 v11, v2;
	[tilespmem:s19+$0xFFFFFFF0] =	vst v3;
	v3 =	vld [tilespmem:s10+$0x10];
	v16 =	vadd.f32 v8, v1  }
0x187: {  	v11 =	vadd.f32 v10, v1;
	v9 =	vmul.f32 v12, v2;
	v6 =	vld [tilespmem:s10+$0x20];
	[tilespmem:s19+$0x10] =	vst v63  }
0x188: {  	s21 =	simm.s32 $0x8;
	v10 =	vmul.f32 v14, v2;
	v7 =	vld [tilespmem:s10+$0xFFFFFFC0];
	v8 =	vadd.f32 v15, v1;
	s10 =	simm.s32 $0x1F040;
	[tilespmem:s19+$0x20] =	vst v16  }
.LBB2_27:
0x189: {  	v12 =	vld [tilespmem:s10+$0x30];
	s21 =	sadd.s32 $0x8, s21;
	v9 =	vadd.f32 v9, v1;
	v5 =	vmul.f32 v5, v2;
	[tilespmem:s19+$0xFFFFFFC0] =	vst v11;
	s19 =	sadd.s32 $0x80, s19  }
0x18a: {  	v11 =	vld [tilespmem:s10+$0xFFFFFFD0];
	p0 =	slt.u32 s21, $0x78;
	v10 =	vadd.f32 v10, v1;
	v4 =	vmul.f32 v4, v2;
	[tilespmem:s19+$0x30] =	vst v8  }
0x18b: {  	v8 =	vld [tilespmem:s10+$0xFFFFFFE0];
	[tilespmem:s19+$0xFFFFFFD0] =	vst v9;
	v9 =	vadd.f32 v5, v1;
	v3 =	vmul.f32 v3, v2  }
.Ltmp15:
0x18c: {  	v5 =	vld [tilespmem:s10+$0xFFFFFFF0];
	[tilespmem:s19+$0xFFFFFFE0] =	vst v10;
	v10 =	vadd.f32 v4, v1;
	v6 =	vmul.f32 v6, v2;
	(pc) =	sbr.rel @p0 .LBB2_27-.Ltmp15, $4  }
0x18d: {  	v4 =	vld [tilespmem:s10+$0x0];
	v7 =	vmul.f32 v7, v2;
	[tilespmem:s19+$0xFFFFFFF0] =	vst v9;
	v13 =	vadd.f32 v3, v1  }
0x18e: {  	v3 =	vld [tilespmem:s10+$0x10];
	v12 =	vmul.f32 v12, v2;
	[tilespmem:s19+$0x0] =	vst v10;
	v14 =	vadd.f32 v6, v1  }
0x18f: {  	v9 =	vmul.f32 v11, v2;
	v6 =	vld [tilespmem:s10+$0x20];
	v11 =	vadd.f32 v7, v1;
	[tilespmem:s19+$0x10] =	vst v13  }
0x190: {  	v7 =	vld [tilespmem:s10+$0xFFFFFFC0];
	v10 =	vmul.f32 v8, v2;
	v8 =	vadd.f32 v12, v1;
	s10 =	sadd.s32 $0x80, s10;
	[tilespmem:s19+$0x20] =	vst v14  }
0x191: {  	v9 =	vadd.f32 v9, v1;
	v5 =	vmul.f32 v5, v2;
	[tilespmem:s19+$0xFFFFFFC0] =	vst v11;
	s10 =	sadd.s32 $0x80, s19  }
0x192: {  	v10 =	vadd.f32 v10, v1;
	v4 =	vmul.f32 v4, v2;
	[tilespmem:s10+$0x30] =	vst v8  }
0x193: {  	[tilespmem:s10+$0xFFFFFFD0] =	vst v9;
	v5 =	vadd.f32 v5, v1;
	v3 =	vmul.f32 v3, v2  }
0x194: {  	[tilespmem:s10+$0xFFFFFFE0] =	vst v10;
	v4 =	vadd.f32 v4, v1;
	v6 =	vmul.f32 v6, v2  }
0x195: {  	v2 =	vmul.f32 v7, v2;
	[tilespmem:s10+$0xFFFFFFF0] =	vst v5;
	v3 =	vadd.f32 v3, v1  }
0x196: {  	[tilespmem:s10+$0x0] =	vst v4;
	v4 =	vadd.f32 v6, v1  }
0x197: {  	v1 =	vadd.f32 v2, v1;
	[tilespmem:s10+$0x10] =	vst v3  }
0x198: {  	[tilespmem:s10+$0x20] =	vst v4  }
0x199: {  	[tilespmem:s10+$0xFFFFFFC0] =	vst v1  }
0x19a: {  	s10 =	rddreg [dreg:$0xe]  }
0x19b: {  	s10 =	sadd.s32 s13, s10  }
0x19c: {  	[hbm4b:s10+s31] =	stream.strided.scatter [tilespmem:s3], [sflag:$0x1], $0x800, s1, s31, $0x38;
	[tilespmem:$0x1FE80] =	vst v63  }
0x19d: {  	_ =	swait.ge [sflag:s4], $0x800  }
0x19e: {  	[sflag:s4] =	ssyncset.done $0x0  }
0x19f: {  	[sflag:s4] =	ssyncadd.s32 $0xFFFFF800  }
0x1a0: {  	v2 =	vld.idx.msk [tilespmem:v0+s26+$0x0], $0xffff  }
0x1a1: {  	v1 =	vld.idx.msk [tilespmem:v0+s29+$0x0], $0xffff;
	_ =	swait.ge [sflag:s28], $0x800  }
0x1a2: {  	[sflag:s28] =	ssyncset.done $0x0;
	s19 =	rddreg [dreg:$0xf]  }
0x1a3: {  	s21 =	simm.s32 $0x1E740;
	[sflag:s28] =	ssyncadd.s32 $0xFFFFF800;
	s10 =	sadd.s32 s17, s19  }
0x1a4: {  	[tilespmem:s2], [sflag:$0x3] =	stream.strided.gather [hbm4b:s10+s31], $0x800, s1, s31, $0x38;
	[tilespmem:$0x1FE80] =	vst v63  }
0x1a5: {  	v3 =	vld [tilespmem:s21+$0x30]  }
0x1a6: {  	v4 =	vld [tilespmem:s21+$0xFFFFFFD0]  }
0x1a7: {  	v5 =	vld [tilespmem:s21+$0xFFFFFFE0]  }
0x1a8: {  	v6 =	vld [tilespmem:s21+$0xFFFFFFF0]  }
0x1a9: {  	v7 =	vld [tilespmem:s21+$0x0];
	_ =	sdelay $0x1  }
0x1aa: {  	v8 =	vld [tilespmem:s21+$0x10];
	v3 =	vmul.f32 v3, v2  }
0x1ab: {  	v9 =	vld [tilespmem:s21+$0x20];
	v4 =	vmul.f32 v4, v2  }
0x1ac: {  	s10 =	simm.s32 $0x1E7C0;
	v10 =	vld [tilespmem:s21+$0xFFFFFFC0];
	v5 =	vmul.f32 v5, v2;
	v3 =	vadd.f32 v3, v1  }
0x1ad: {  	s19 =	simm.s32 $0x1C740;
	v11 =	vld [tilespmem:s10+$0x30];
	v6 =	vmul.f32 v6, v2;
	v7 =	vmul.f32 v7, v2;
	v4 =	vadd.f32 v4, v1  }
0x1ae: {  	v12 =	vld [tilespmem:s10+$0xFFFFFFD0];
	v13 =	vadd.f32 v5, v1;
	[tilespmem:s19+$0x30] =	vst v3  }
0x1af: {  	v14 =	vld [tilespmem:s10+$0xFFFFFFE0];
	v7 =	vadd.f32 v7, v1;
	[tilespmem:s19+$0xFFFFFFD0] =	vst v4;
	v3 =	vadd.f32 v6, v1;
	v6 =	vmul.f32 v8, v2  }
0x1b0: {  	v5 =	vld [tilespmem:s10+$0xFFFFFFF0];
	[tilespmem:s19+$0xFFFFFFE0] =	vst v13;
	v8 =	vmul.f32 v9, v2  }
0x1b1: {  	v10 =	vmul.f32 v10, v2;
	v4 =	vld [tilespmem:s10+$0x0];
	[tilespmem:s19+$0x0] =	vst v7;
	v63 =	vadd.f32 v6, v1  }
0x1b2: {  	v15 =	vmul.f32 v11, v2;
	[tilespmem:s19+$0xFFFFFFF0] =	vst v3;
	v3 =	vld [tilespmem:s10+$0x10];
	v16 =	vadd.f32 v8, v1  }
0x1b3: {  	v11 =	vadd.f32 v10, v1;
	v9 =	vmul.f32 v12, v2;
	v6 =	vld [tilespmem:s10+$0x20];
	[tilespmem:s19+$0x10] =	vst v63  }
0x1b4: {  	s21 =	simm.s32 $0x8;
	v10 =	vmul.f32 v14, v2;
	v7 =	vld [tilespmem:s10+$0xFFFFFFC0];
	v8 =	vadd.f32 v15, v1;
	s10 =	simm.s32 $0x1E840;
	[tilespmem:s19+$0x20] =	vst v16  }
.LBB2_29:
0x1b5: {  	v12 =	vld [tilespmem:s10+$0x30];
	s21 =	sadd.s32 $0x8, s21;
	v9 =	vadd.f32 v9, v1;
	v5 =	vmul.f32 v5, v2;
	[tilespmem:s19+$0xFFFFFFC0] =	vst v11;
	s19 =	sadd.s32 $0x80, s19  }
0x1b6: {  	v11 =	vld [tilespmem:s10+$0xFFFFFFD0];
	p0 =	slt.u32 s21, $0x78;
	v10 =	vadd.f32 v10, v1;
	v4 =	vmul.f32 v4, v2;
	[tilespmem:s19+$0x30] =	vst v8  }
0x1b7: {  	v8 =	vld [tilespmem:s10+$0xFFFFFFE0];
	[tilespmem:s19+$0xFFFFFFD0] =	vst v9;
	v9 =	vadd.f32 v5, v1;
	v3 =	vmul.f32 v3, v2  }
.Ltmp16:
0x1b8: {  	v5 =	vld [tilespmem:s10+$0xFFFFFFF0];
	[tilespmem:s19+$0xFFFFFFE0] =	vst v10;
	v10 =	vadd.f32 v4, v1;
	v6 =	vmul.f32 v6, v2;
	(pc) =	sbr.rel @p0 .LBB2_29-.Ltmp16, $4  }
0x1b9: {  	v4 =	vld [tilespmem:s10+$0x0];
	v7 =	vmul.f32 v7, v2;
	[tilespmem:s19+$0xFFFFFFF0] =	vst v9;
	v13 =	vadd.f32 v3, v1  }
0x1ba: {  	v3 =	vld [tilespmem:s10+$0x10];
	v12 =	vmul.f32 v12, v2;
	[tilespmem:s19+$0x0] =	vst v10;
	v14 =	vadd.f32 v6, v1  }
0x1bb: {  	v9 =	vmul.f32 v11, v2;
	v6 =	vld [tilespmem:s10+$0x20];
	v11 =	vadd.f32 v7, v1;
	[tilespmem:s19+$0x10] =	vst v13  }
0x1bc: {  	v7 =	vld [tilespmem:s10+$0xFFFFFFC0];
	v10 =	vmul.f32 v8, v2;
	v8 =	vadd.f32 v12, v1;
	s10 =	sadd.s32 $0x80, s10;
	[tilespmem:s19+$0x20] =	vst v14  }
0x1bd: {  	v9 =	vadd.f32 v9, v1;
	v5 =	vmul.f32 v5, v2;
	[tilespmem:s19+$0xFFFFFFC0] =	vst v11;
	s10 =	sadd.s32 $0x80, s19  }
0x1be: {  	v10 =	vadd.f32 v10, v1;
	v4 =	vmul.f32 v4, v2;
	[tilespmem:s10+$0x30] =	vst v8  }
0x1bf: {  	[tilespmem:s10+$0xFFFFFFD0] =	vst v9;
	v5 =	vadd.f32 v5, v1;
	v3 =	vmul.f32 v3, v2  }
0x1c0: {  	[tilespmem:s10+$0xFFFFFFE0] =	vst v10;
	v4 =	vadd.f32 v4, v1;
	v6 =	vmul.f32 v6, v2  }
0x1c1: {  	v2 =	vmul.f32 v7, v2;
	[tilespmem:s10+$0xFFFFFFF0] =	vst v5;
	v3 =	vadd.f32 v3, v1  }
0x1c2: {  	[tilespmem:s10+$0x0] =	vst v4;
	v4 =	vadd.f32 v6, v1  }
0x1c3: {  	v1 =	vadd.f32 v2, v1;
	[tilespmem:s10+$0x10] =	vst v3  }
0x1c4: {  	[tilespmem:s10+$0x20] =	vst v4  }
0x1c5: {  	[tilespmem:s10+$0xFFFFFFC0] =	vst v1  }
0x1c6: {  	s10 =	rddreg [dreg:$0x10]  }
0x1c7: {  	s10 =	sadd.s32 s13, s10  }
0x1c8: {  	[hbm4b:s10+s31] =	stream.strided.scatter [tilespmem:s6], [sflag:$0x1], $0x800, s1, s31, $0x38;
	[tilespmem:$0x1FE80] =	vst v63  }
0x1c9: {  	_ =	swait.ge [sflag:s4], $0x800  }
0x1ca: {  	[sflag:s4] =	ssyncset.done $0x0  }
0x1cb: {  	[sflag:s4] =	ssyncadd.s32 $0xFFFFF800  }
0x1cc: {  	v2 =	vld.idx.msk [tilespmem:v0+s26+$0x0], $0xffff  }
0x1cd: {  	v1 =	vld.idx.msk [tilespmem:v0+s29+$0x0], $0xffff;
	_ =	swait.ge [sflag:s28], $0x800  }
0x1ce: {  	[sflag:s28] =	ssyncset.done $0x0;
	s21 =	rddreg [dreg:$0x11]  }
0x1cf: {  	s19 =	simm.s32 $0x1EF40;
	[sflag:s28] =	ssyncadd.s32 $0xFFFFF800;
	s10 =	sadd.s32 s17, s21  }
0x1d0: {  	[tilespmem:s25], [sflag:$0x3] =	stream.strided.gather [hbm4b:s10+s31], $0x800, s1, s31, $0x38;
	[tilespmem:$0x1FE80] =	vst v63  }
0x1d1: {  	v3 =	vld [tilespmem:s19+$0x30]  }
0x1d2: {  	v4 =	vld [tilespmem:s19+$0xFFFFFFD0]  }
0x1d3: {  	v5 =	vld [tilespmem:s19+$0xFFFFFFE0]  }
0x1d4: {  	v6 =	vld [tilespmem:s19+$0xFFFFFFF0]  }
0x1d5: {  	v7 =	vld [tilespmem:s19+$0x0];
	_ =	sdelay $0x1  }
0x1d6: {  	v8 =	vld [tilespmem:s19+$0x10];
	v3 =	vmul.f32 v3, v2  }
0x1d7: {  	v9 =	vld [tilespmem:s19+$0x20];
	v4 =	vmul.f32 v4, v2  }
0x1d8: {  	s21 =	simm.s32 $0x1EFC0;
	v10 =	vld [tilespmem:s19+$0xFFFFFFC0];
	v5 =	vmul.f32 v5, v2;
	v3 =	vadd.f32 v3, v1  }
0x1d9: {  	s17 =	simm.s32 $0x1D740;
	v11 =	vld [tilespmem:s21+$0x30];
	v6 =	vmul.f32 v6, v2;
	v7 =	vmul.f32 v7, v2;
	v4 =	vadd.f32 v4, v1  }
0x1da: {  	v12 =	vld [tilespmem:s21+$0xFFFFFFD0];
	v13 =	vadd.f32 v5, v1;
	[tilespmem:s17+$0x30] =	vst v3  }
0x1db: {  	v14 =	vld [tilespmem:s21+$0xFFFFFFE0];
	v7 =	vadd.f32 v7, v1;
	[tilespmem:s17+$0xFFFFFFD0] =	vst v4;
	v3 =	vadd.f32 v6, v1;
	v6 =	vmul.f32 v8, v2  }
0x1dc: {  	v5 =	vld [tilespmem:s21+$0xFFFFFFF0];
	[tilespmem:s17+$0xFFFFFFE0] =	vst v13;
	v8 =	vmul.f32 v9, v2  }
0x1dd: {  	v10 =	vmul.f32 v10, v2;
	v4 =	vld [tilespmem:s21+$0x0];
	[tilespmem:s17+$0x0] =	vst v7;
	v63 =	vadd.f32 v6, v1  }
0x1de: {  	v15 =	vmul.f32 v11, v2;
	[tilespmem:s17+$0xFFFFFFF0] =	vst v3;
	v3 =	vld [tilespmem:s21+$0x10];
	v16 =	vadd.f32 v8, v1  }
0x1df: {  	v11 =	vadd.f32 v10, v1;
	v9 =	vmul.f32 v12, v2;
	v6 =	vld [tilespmem:s21+$0x20];
	[tilespmem:s17+$0x10] =	vst v63  }
0x1e0: {  	s10 =	simm.s32 $0x1F040;
	s19 =	simm.s32 $0x8;
	v10 =	vmul.f32 v14, v2;
	v7 =	vld [tilespmem:s21+$0xFFFFFFC0];
	v8 =	vadd.f32 v15, v1;
	[tilespmem:s17+$0x20] =	vst v16  }
.LBB2_31:
0x1e1: {  	v12 =	vld [tilespmem:s10+$0x30];
	s19 =	sadd.s32 $0x8, s19;
	v9 =	vadd.f32 v9, v1;
	v5 =	vmul.f32 v5, v2;
	[tilespmem:s17+$0xFFFFFFC0] =	vst v11;
	s17 =	sadd.s32 $0x80, s17  }
0x1e2: {  	v11 =	vld [tilespmem:s10+$0xFFFFFFD0];
	p0 =	slt.u32 s19, $0x78;
	v10 =	vadd.f32 v10, v1;
	v4 =	vmul.f32 v4, v2;
	[tilespmem:s17+$0x30] =	vst v8  }
0x1e3: {  	v8 =	vld [tilespmem:s10+$0xFFFFFFE0];
	[tilespmem:s17+$0xFFFFFFD0] =	vst v9;
	v9 =	vadd.f32 v5, v1;
	v3 =	vmul.f32 v3, v2  }
.Ltmp17:
0x1e4: {  	v5 =	vld [tilespmem:s10+$0xFFFFFFF0];
	[tilespmem:s17+$0xFFFFFFE0] =	vst v10;
	v10 =	vadd.f32 v4, v1;
	v6 =	vmul.f32 v6, v2;
	(pc) =	sbr.rel @p0 .LBB2_31-.Ltmp17, $4  }
0x1e5: {  	v4 =	vld [tilespmem:s10+$0x0];
	v7 =	vmul.f32 v7, v2;
	[tilespmem:s17+$0xFFFFFFF0] =	vst v9;
	v13 =	vadd.f32 v3, v1  }
0x1e6: {  	v3 =	vld [tilespmem:s10+$0x10];
	v12 =	vmul.f32 v12, v2;
	[tilespmem:s17+$0x0] =	vst v10;
	v14 =	vadd.f32 v6, v1  }
0x1e7: {  	v9 =	vmul.f32 v11, v2;
	v6 =	vld [tilespmem:s10+$0x20];
	v11 =	vadd.f32 v7, v1;
	[tilespmem:s17+$0x10] =	vst v13  }
0x1e8: {  	v7 =	vld [tilespmem:s10+$0xFFFFFFC0];
	v10 =	vmul.f32 v8, v2;
	v8 =	vadd.f32 v12, v1;
	s10 =	sadd.s32 $0x80, s10;
	[tilespmem:s17+$0x20] =	vst v14  }
0x1e9: {  	v9 =	vadd.f32 v9, v1;
	v5 =	vmul.f32 v5, v2;
	[tilespmem:s17+$0xFFFFFFC0] =	vst v11;
	s10 =	sadd.s32 $0x80, s17  }
0x1ea: {  	v10 =	vadd.f32 v10, v1;
	v4 =	vmul.f32 v4, v2;
	[tilespmem:s10+$0x30] =	vst v8  }
0x1eb: {  	[tilespmem:s10+$0xFFFFFFD0] =	vst v9;
	v5 =	vadd.f32 v5, v1;
	v3 =	vmul.f32 v3, v2  }
0x1ec: {  	[tilespmem:s10+$0xFFFFFFE0] =	vst v10;
	v4 =	vadd.f32 v4, v1;
	v6 =	vmul.f32 v6, v2  }
0x1ed: {  	v2 =	vmul.f32 v7, v2;
	[tilespmem:s10+$0xFFFFFFF0] =	vst v5;
	v3 =	vadd.f32 v3, v1  }
0x1ee: {  	[tilespmem:s10+$0x0] =	vst v4;
	v4 =	vadd.f32 v6, v1  }
0x1ef: {  	v1 =	vadd.f32 v2, v1;
	[tilespmem:s10+$0x10] =	vst v3  }
0x1f0: {  	[tilespmem:s10+$0x20] =	vst v4  }
0x1f1: {  	s21 =	sadd.s32 s13, s22;
	[tilespmem:s10+$0xFFFFFFC0] =	vst v1  }
0x1f2: {  	[hbm4b:s21+s31] =	stream.strided.scatter [tilespmem:s3], [sflag:$0x1], $0x800, s1, s31, $0x38;
	[tilespmem:$0x1FE80] =	vst v63  }
0x1f3: {  	_ =	swait.ge [sflag:s4], $0x800  }
0x1f4: {  	[sflag:s4] =	ssyncset.done $0x0  }
0x1f5: {  	[sflag:s4] =	ssyncadd.s32 $0xFFFFF800  }
0x1f6: {  	s15 =	sor.u32 s15, s11;
	v2 =	vld.idx.msk [tilespmem:v0+s26+$0x0], $0xffff  }
0x1f7: {  	s10 =	sshrl.u32 s15, $0x3;
	v1 =	vld.idx.msk [tilespmem:v0+s29+$0x0], $0xffff;
	_ =	swait.ge [sflag:s28], $0x800  }
0x1f8: {  	s10 =	sor.u32 $0x3800, s10;
	[sflag:s28] =	ssyncset.done $0x0  }
0x1f9: {  	s17 =	simm.s32 $0x1E740;
	s10 =	sadd.s32 s14, s10;
	[sflag:s28] =	ssyncadd.s32 $0xFFFFF800  }
0x1fa: {  	[tilespmem:s2], [sflag:$0x3] =	stream.strided.gather [hbm4b:s10+s31], $0x800, s1, s31, $0x38;
	[tilespmem:$0x1FE80] =	vst v63  }
0x1fb: {  	v3 =	vld [tilespmem:s17+$0x30]  }
0x1fc: {  	v4 =	vld [tilespmem:s17+$0xFFFFFFD0]  }
0x1fd: {  	v5 =	vld [tilespmem:s17+$0xFFFFFFE0]  }
0x1fe: {  	v6 =	vld [tilespmem:s17+$0xFFFFFFF0]  }
0x1ff: {  	v7 =	vld [tilespmem:s17+$0x0];
	_ =	sdelay $0x1  }
0x200: {  	v8 =	vld [tilespmem:s17+$0x10];
	v3 =	vmul.f32 v3, v2  }
0x201: {  	v9 =	vld [tilespmem:s17+$0x20];
	v4 =	vmul.f32 v4, v2  }
0x202: {  	s19 =	simm.s32 $0x1E7C0;
	v10 =	vld [tilespmem:s17+$0xFFFFFFC0];
	v5 =	vmul.f32 v5, v2;
	v3 =	vadd.f32 v3, v1  }
0x203: {  	s11 =	simm.s32 $0x1C740;
	v11 =	vld [tilespmem:s19+$0x30];
	v6 =	vmul.f32 v6, v2;
	v7 =	vmul.f32 v7, v2;
	v4 =	vadd.f32 v4, v1  }
0x204: {  	v12 =	vld [tilespmem:s19+$0xFFFFFFD0];
	v13 =	vadd.f32 v5, v1;
	[tilespmem:s11+$0x30] =	vst v3  }
0x205: {  	v14 =	vld [tilespmem:s19+$0xFFFFFFE0];
	v7 =	vadd.f32 v7, v1;
	[tilespmem:s11+$0xFFFFFFD0] =	vst v4;
	v3 =	vadd.f32 v6, v1;
	v6 =	vmul.f32 v8, v2  }
0x206: {  	v5 =	vld [tilespmem:s19+$0xFFFFFFF0];
	[tilespmem:s11+$0xFFFFFFE0] =	vst v13;
	v8 =	vmul.f32 v9, v2  }
0x207: {  	v10 =	vmul.f32 v10, v2;
	v4 =	vld [tilespmem:s19+$0x0];
	[tilespmem:s11+$0x0] =	vst v7;
	v63 =	vadd.f32 v6, v1  }
0x208: {  	v15 =	vmul.f32 v11, v2;
	[tilespmem:s11+$0xFFFFFFF0] =	vst v3;
	v3 =	vld [tilespmem:s19+$0x10];
	v16 =	vadd.f32 v8, v1  }
0x209: {  	v11 =	vadd.f32 v10, v1;
	v9 =	vmul.f32 v12, v2;
	v6 =	vld [tilespmem:s19+$0x20];
	[tilespmem:s11+$0x10] =	vst v63  }
0x20a: {  	s15 =	simm.s32 $0x8;
	s21 =	smov.u32 s14;
	s10 =	simm.s32 $0x1E840;
	v10 =	vmul.f32 v14, v2;
	v7 =	vld [tilespmem:s19+$0xFFFFFFC0];
	v8 =	vadd.f32 v15, v1;
	[tilespmem:s11+$0x20] =	vst v16  }
.LBB2_33:
0x20b: {  	v12 =	vld [tilespmem:s10+$0x30];
	s15 =	sadd.s32 $0x8, s15;
	v9 =	vadd.f32 v9, v1;
	v5 =	vmul.f32 v5, v2;
	[tilespmem:s11+$0xFFFFFFC0] =	vst v11;
	s11 =	sadd.s32 $0x80, s11  }
0x20c: {  	v11 =	vld [tilespmem:s10+$0xFFFFFFD0];
	p0 =	slt.u32 s15, $0x78;
	v10 =	vadd.f32 v10, v1;
	v4 =	vmul.f32 v4, v2;
	[tilespmem:s11+$0x30] =	vst v8  }
0x20d: {  	v8 =	vld [tilespmem:s10+$0xFFFFFFE0];
	[tilespmem:s11+$0xFFFFFFD0] =	vst v9;
	v9 =	vadd.f32 v5, v1;
	v3 =	vmul.f32 v3, v2  }
.Ltmp18:
0x20e: {  	v5 =	vld [tilespmem:s10+$0xFFFFFFF0];
	[tilespmem:s11+$0xFFFFFFE0] =	vst v10;
	v10 =	vadd.f32 v4, v1;
	v6 =	vmul.f32 v6, v2;
	(pc) =	sbr.rel @p0 .LBB2_33-.Ltmp18, $4  }
0x20f: {  	v4 =	vld [tilespmem:s10+$0x0];
	v7 =	vmul.f32 v7, v2;
	[tilespmem:s11+$0xFFFFFFF0] =	vst v9;
	v13 =	vadd.f32 v3, v1  }
0x210: {  	v3 =	vld [tilespmem:s10+$0x10];
	v12 =	vmul.f32 v12, v2;
	[tilespmem:s11+$0x0] =	vst v10;
	v14 =	vadd.f32 v6, v1  }
0x211: {  	v9 =	vmul.f32 v11, v2;
	v6 =	vld [tilespmem:s10+$0x20];
	v11 =	vadd.f32 v7, v1;
	[tilespmem:s11+$0x10] =	vst v13  }
0x212: {  	v7 =	vld [tilespmem:s10+$0xFFFFFFC0];
	v10 =	vmul.f32 v8, v2;
	v8 =	vadd.f32 v12, v1;
	s10 =	sadd.s32 $0x80, s10;
	[tilespmem:s11+$0x20] =	vst v14  }
0x213: {  	v9 =	vadd.f32 v9, v1;
	v5 =	vmul.f32 v5, v2;
	[tilespmem:s11+$0xFFFFFFC0] =	vst v11;
	s10 =	sadd.s32 $0x80, s11  }
0x214: {  	v10 =	vadd.f32 v10, v1;
	v4 =	vmul.f32 v4, v2;
	[tilespmem:s10+$0x30] =	vst v8  }
0x215: {  	[tilespmem:s10+$0xFFFFFFD0] =	vst v9;
	v5 =	vadd.f32 v5, v1;
	v3 =	vmul.f32 v3, v2  }
0x216: {  	[tilespmem:s10+$0xFFFFFFE0] =	vst v10;
	v4 =	vadd.f32 v4, v1;
	v6 =	vmul.f32 v6, v2  }
0x217: {  	v2 =	vmul.f32 v7, v2;
	[tilespmem:s10+$0xFFFFFFF0] =	vst v5;
	v3 =	vadd.f32 v3, v1  }
0x218: {  	[tilespmem:s10+$0x0] =	vst v4;
	v4 =	vadd.f32 v6, v1  }
0x219: {  	v1 =	vadd.f32 v2, v1;
	[tilespmem:s10+$0x10] =	vst v3  }
0x21a: {  	[tilespmem:s10+$0x20] =	vst v4  }
0x21b: {  	s15 =	sadd.s32 s13, s23;
	[tilespmem:s10+$0xFFFFFFC0] =	vst v1  }
0x21c: {  	[hbm4b:s15+s31] =	stream.strided.scatter [tilespmem:s6], [sflag:$0x1], $0x800, s1, s31, $0x38;
	[tilespmem:$0x1FE80] =	vst v63  }
0x21d: {  	_ =	swait.ge [sflag:s4], $0x800  }
0x21e: {  	[sflag:s4] =	ssyncset.done $0x0  }
0x21f: {  	[sflag:s4] =	ssyncadd.s32 $0xFFFFF800  }
0x220: {  	v1 =	vld.idx.msk [tilespmem:v0+s26+$0x0], $0xffff  }
0x221: {  	v0 =	vld.idx.msk [tilespmem:v0+s29+$0x0], $0xffff;
	_ =	swait.ge [sflag:s28], $0x800  }
0x222: {  	[sflag:s28] =	ssyncset.done $0x0  }
0x223: {  	s17 =	simm.s32 $0x1EF40;
	[sflag:s28] =	ssyncadd.s32 $0xFFFFF800  }
0x224: {  	v2 =	vld [tilespmem:s17+$0x30]  }
0x225: {  	v3 =	vld [tilespmem:s17+$0xFFFFFFD0]  }
0x226: {  	v4 =	vld [tilespmem:s17+$0xFFFFFFE0]  }
0x227: {  	v5 =	vld [tilespmem:s17+$0xFFFFFFF0]  }
0x228: {  	v6 =	vld [tilespmem:s17+$0x0];
	_ =	sdelay $0x1  }
0x229: {  	v7 =	vld [tilespmem:s17+$0x10];
	v2 =	vmul.f32 v2, v1  }
0x22a: {  	v8 =	vld [tilespmem:s17+$0x20];
	v3 =	vmul.f32 v3, v1  }
0x22b: {  	s19 =	simm.s32 $0x1EFC0;
	v9 =	vld [tilespmem:s17+$0xFFFFFFC0];
	v4 =	vmul.f32 v4, v1;
	v2 =	vadd.f32 v2, v0  }
0x22c: {  	s11 =	simm.s32 $0x1D740;
	v10 =	vld [tilespmem:s19+$0x30];
	v5 =	vmul.f32 v5, v1;
	v6 =	vmul.f32 v6, v1;
	v3 =	vadd.f32 v3, v0  }
0x22d: {  	v11 =	vld [tilespmem:s19+$0xFFFFFFD0];
	v12 =	vadd.f32 v4, v0;
	[tilespmem:s11+$0x30] =	vst v2  }
0x22e: {  	v13 =	vld [tilespmem:s19+$0xFFFFFFE0];
	v6 =	vadd.f32 v6, v0;
	[tilespmem:s11+$0xFFFFFFD0] =	vst v3;
	v2 =	vadd.f32 v5, v0;
	v5 =	vmul.f32 v7, v1  }
0x22f: {  	v4 =	vld [tilespmem:s19+$0xFFFFFFF0];
	[tilespmem:s11+$0xFFFFFFE0] =	vst v12;
	v7 =	vmul.f32 v8, v1  }
0x230: {  	v9 =	vmul.f32 v9, v1;
	v3 =	vld [tilespmem:s19+$0x0];
	[tilespmem:s11+$0x0] =	vst v6;
	v63 =	vadd.f32 v5, v0  }
0x231: {  	v14 =	vmul.f32 v10, v1;
	[tilespmem:s11+$0xFFFFFFF0] =	vst v2;
	v2 =	vld [tilespmem:s19+$0x10];
	v15 =	vadd.f32 v7, v0  }
0x232: {  	v10 =	vadd.f32 v9, v0;
	v8 =	vmul.f32 v11, v1;
	v5 =	vld [tilespmem:s19+$0x20];
	[tilespmem:s11+$0x10] =	vst v63  }
0x233: {  	s13 =	simm.s32 $0x8;
	s10 =	simm.s32 $0x1F040;
	v9 =	vmul.f32 v13, v1;
	v6 =	vld [tilespmem:s19+$0xFFFFFFC0];
	v7 =	vadd.f32 v14, v0;
	[tilespmem:s11+$0x20] =	vst v15  }
.LBB2_35:
0x234: {  	v11 =	vld [tilespmem:s10+$0x30];
	s13 =	sadd.s32 $0x8, s13;
	v8 =	vadd.f32 v8, v0;
	v4 =	vmul.f32 v4, v1;
	[tilespmem:s11+$0xFFFFFFC0] =	vst v10;
	s11 =	sadd.s32 $0x80, s11  }
0x235: {  	v10 =	vld [tilespmem:s10+$0xFFFFFFD0];
	p0 =	slt.u32 s13, $0x78;
	v9 =	vadd.f32 v9, v0;
	v3 =	vmul.f32 v3, v1;
	[tilespmem:s11+$0x30] =	vst v7  }
0x236: {  	v7 =	vld [tilespmem:s10+$0xFFFFFFE0];
	[tilespmem:s11+$0xFFFFFFD0] =	vst v8;
	v8 =	vadd.f32 v4, v0;
	v2 =	vmul.f32 v2, v1  }
.Ltmp19:
0x237: {  	v4 =	vld [tilespmem:s10+$0xFFFFFFF0];
	[tilespmem:s11+$0xFFFFFFE0] =	vst v9;
	v9 =	vadd.f32 v3, v0;
	v5 =	vmul.f32 v5, v1;
	(pc) =	sbr.rel @p0 .LBB2_35-.Ltmp19, $4  }
0x238: {  	v3 =	vld [tilespmem:s10+$0x0];
	v6 =	vmul.f32 v6, v1;
	[tilespmem:s11+$0xFFFFFFF0] =	vst v8;
	v12 =	vadd.f32 v2, v0  }
0x239: {  	v2 =	vld [tilespmem:s10+$0x10];
	v11 =	vmul.f32 v11, v1;
	[tilespmem:s11+$0x0] =	vst v9;
	v13 =	vadd.f32 v5, v0  }
0x23a: {  	v8 =	vmul.f32 v10, v1;
	v5 =	vld [tilespmem:s10+$0x20];
	v10 =	vadd.f32 v6, v0;
	[tilespmem:s11+$0x10] =	vst v12  }
0x23b: {  	v6 =	vld [tilespmem:s10+$0xFFFFFFC0];
	v9 =	vmul.f32 v7, v1;
	v7 =	vadd.f32 v11, v0;
	s10 =	sadd.s32 $0x80, s10;
	[tilespmem:s11+$0x20] =	vst v13  }
0x23c: {  	v8 =	vadd.f32 v8, v0;
	v4 =	vmul.f32 v4, v1;
	[tilespmem:s11+$0xFFFFFFC0] =	vst v10;
	s10 =	sadd.s32 $0x80, s11  }
0x23d: {  	v9 =	vadd.f32 v9, v0;
	v3 =	vmul.f32 v3, v1;
	[tilespmem:s10+$0x30] =	vst v7  }
0x23e: {  	[tilespmem:s10+$0xFFFFFFD0] =	vst v8;
	v4 =	vadd.f32 v4, v0;
	v2 =	vmul.f32 v2, v1  }
0x23f: {  	[tilespmem:s10+$0xFFFFFFE0] =	vst v9;
	v3 =	vadd.f32 v3, v0;
	v5 =	vmul.f32 v5, v1  }
.Ltmp20:
0x240: {  	v61 =	vmul.f32 v6, v1;
	[tilespmem:s10+$0xFFFFFFF0] =	vst v4;
	v2 =	vadd.f32 v2, v0;
	(pc) =	sbr.rel .LBB2_37-.Ltmp20, $4  }
0x241: {  	[tilespmem:s10+$0x0] =	vst v3;
	v62 =	vadd.f32 v5, v0  }
0x242: {  	v63 =	vadd.f32 v61, v0;
	[tilespmem:s10+$0x10] =	vst v2  }
0x243: {  	[tilespmem:s10+$0x20] =	vst v62  }
0x244: {  	[tilespmem:s10+$0xFFFFFFC0] =	vst v63  }
.LBB2_38:
0x245: {  	s0 =	simm.s32 $0x0;
	s7 =	simm.s32 $0xFFFFFFFF  }
.LBB2_39:
0x246: {  	s13 =	sadd.s32 s24, s0  }
0x247: {  	s10 =	smov.u32 s7;
	s7 =	sshrl.u32 s13, $0x6;
	s11 =	sshrl.u32 s13, $0x3  }
0x248: {  	s15 =	smul.u32 $0x61C000, s7;
	s11 =	sand.u32 $0x7, s11  }
0x249: {  	s11 =	smul.u32 $0xC3800, s11  }
0x24a: {  	s17 =	sshll.u32 s13, $0x7  }
0x24b: {  	s15 =	sadd.s32 s15, s11;
	s11 =	sand.u32 $0x380, s17  }
0x24c: {  	s15 =	sor.u32 s11, s15  }
0x24d: {  	p0 =	seq.s32 s7, s10;
	s15 =	sshrl.u32 s15, $0x3  }
0x24e: {  	s10 =	sshll.u32 @!p0 s7, $0x4;
	s15 =	sadd.s32 s18, s15  }
0x24f: {  	[tilespmem:s9], [sflag:$0x2] =	stream.strided.gather [hbm4b:s15+s31], $0x18700, s1, s31, $0x38;
	[tilespmem:$0x1FE80] =	vst v63  }
0x250: {  	s10 =	sand.u32 @!p0 $0x70, s10;
	s15 =	sshll.u32 @!p0 s7, $0xB  }
0x251: {  	s19 =	simm.s32 @!p0 $0x18700;
	s10 =	sadd.s32 @!p0 s16, s10;
	s15 =	sand.u32 @!p0 $0xFFFC000, s15  }
0x252: {  	s17 =	simm.s32 @!p0 $0x400;
	s10 =	sadd.s32 @!p0 s15, s10;
	s15 =	simm.s32 @!p0 $0x80  }
0x253: {  	[tilespmem:s19], [sflag:$0x4] =	stream.strided.gather @!p0 [hbm4b:s10+s15], $0x4000, s17, s15, $0x38;
	[tilespmem:$0x1FE80] =	vst v63  }
0x254: {  	s10 =	simm.s32 @!p0 $0x4  }
0x255: {  	_ =	swait.ge @!p0 [sflag:s10], $0x4000  }
0x256: {  	[sflag:s10] =	ssyncset.done @!p0 $0x0  }
0x257: {  	[sflag:s10] =	ssyncadd.s32 @!p0 $0xFFFFC000  }
0x258: {  	_ =	swait.ge [sflag:s5], $0x18700  }
0x259: {  	[sflag:s5] =	ssyncset.done $0x0  }
0x25a: {  	s19 =	simm.s32 $0x18740;
	[sflag:s5] =	ssyncadd.s32 $0xFFFE7900  }
0x25b: {  	v0 =	vld [tilespmem:s19+$0x30]  }
0x25c: {  	v1 =	vld [tilespmem:s19+$0xFFFFFFD0]  }
0x25d: {  	v2 =	vld [tilespmem:s19+$0xFFFFFFE0]  }
0x25e: {  	v3 =	vld [tilespmem:s19+$0xFFFFFFF0]  }
0x25f: {  	v6 =	vld [tilespmem:s19+$0x0]  }
0x260: {  	v7 =	vld [tilespmem:s19+$0x10]  }
0x261: {  	v8 =	vld [tilespmem:s19+$0x20]  }
0x262: {  	v9 =	vld [tilespmem:s19+$0xFFFFFFC0]  }
0x263: {  	v10 =	vld.idx.msk [tilespmem:v0+s9+$0x0], $0xffff  }
0x264: {  	v11 =	vld.idx.msk [tilespmem:v1+s9+$0x0], $0xffff  }
0x265: {  	v5 =	vld.idx.msk [tilespmem:v2+s9+$0x0], $0xffff  }
0x266: {  	v4 =	vld.idx.msk [tilespmem:v3+s9+$0x0], $0xffff  }
0x267: {  	v3 =	vld.idx.msk [tilespmem:v6+s9+$0x0], $0xffff  }
0x268: {  	s15 =	simm.s32 $0x1C740;
	v1 =	vld.idx.msk [tilespmem:v7+s9+$0x0], $0xffff  }
0x269: {  	v0 =	vld.idx.msk [tilespmem:v8+s9+$0x0], $0xffff;
	[tilespmem:s15+$0x30] =	vst v10  }
0x26a: {  	s17 =	simm.s32 $0x0;
	s10 =	simm.s32 $0x187C0;
	v2 =	vld.idx.msk [tilespmem:v9+s9+$0x0], $0xffff;
	[tilespmem:s15+$0xFFFFFFD0] =	vst v11  }
.LBB2_40:
0x26b: {  	v6 =	vld [tilespmem:s10+$0x30];
	s17 =	sadd.s32 $0x8, s17;
	[tilespmem:s15+$0xFFFFFFE0] =	vst v5  }
0x26c: {  	v5 =	vld [tilespmem:s10+$0xFFFFFFD0];
	p0 =	slt.u32 s17, $0xF8;
	[tilespmem:s15+$0xFFFFFFF0] =	vst v4  }
0x26d: {  	v4 =	vld [tilespmem:s10+$0xFFFFFFE0];
	[tilespmem:s15+$0x0] =	vst v3  }
0x26e: {  	v3 =	vld [tilespmem:s10+$0xFFFFFFF0];
	[tilespmem:s15+$0x10] =	vst v1  }
0x26f: {  	v1 =	vld [tilespmem:s10+$0x0];
	[tilespmem:s15+$0x20] =	vst v0  }
0x270: {  	v0 =	vld [tilespmem:s10+$0x10];
	[tilespmem:s15+$0xFFFFFFC0] =	vst v2  }
0x271: {  	v2 =	vld [tilespmem:s10+$0x20]  }
0x272: {  	v7 =	vld [tilespmem:s10+$0xFFFFFFC0]  }
0x273: {  	v6 =	vld.idx.msk [tilespmem:v6+s9+$0x0], $0xffff  }
0x274: {  	v8 =	vld.idx.msk [tilespmem:v5+s9+$0x0], $0xffff  }
0x275: {  	v5 =	vld.idx.msk [tilespmem:v4+s9+$0x0], $0xffff  }
.Ltmp21:
0x276: {  	v4 =	vld.idx.msk [tilespmem:v3+s9+$0x0], $0xffff;
	(pc) =	sbr.rel @p0 .LBB2_40-.Ltmp21, $4  }
0x277: {  	v3 =	vld.idx.msk [tilespmem:v1+s9+$0x0], $0xffff  }
0x278: {  	s15 =	sadd.s32 $0x80, s15;
	v1 =	vld.idx.msk [tilespmem:v0+s9+$0x0], $0xffff  }
0x279: {  	v0 =	vld.idx.msk [tilespmem:v2+s9+$0x0], $0xffff;
	[tilespmem:s15+$0x30] =	vst v6  }
0x27a: {  	s10 =	sadd.s32 $0x80, s10;
	v2 =	vld.idx.msk [tilespmem:v7+s9+$0x0], $0xffff;
	[tilespmem:s15+$0xFFFFFFD0] =	vst v8  }
0x27b: {  	[tilespmem:s15+$0xFFFFFFE0] =	vst v5;
	s10 =	sshll.u32 s13, $0xE  }
0x27c: {  	[tilespmem:s15+$0xFFFFFFF0] =	vst v4;
	s13 =	sand.u32 $0x7FFE0000, s10  }
0x27d: {  	[tilespmem:s15+$0x0] =	vst v3;
	s10 =	sor.u32 s11, s13  }
0x27e: {  	[tilespmem:s15+$0x10] =	vst v1;
	s10 =	sadd.s32 $0xE00000, s10  }
0x27f: {  	[tilespmem:s15+$0x20] =	vst v0;
	s10 =	sshrl.u32 s10, $0x3  }
0x280: {  	s19 =	simm.s32 $0x19770;
	[tilespmem:s15+$0xFFFFFFC0] =	vst v2;
	s10 =	sadd.s32 s8, s10  }
0x281: {  	[hbm4b:s10+s31] =	stream.strided.scatter [tilespmem:s6], [sflag:$0x1], $0x1000, s1, s31, $0x38;
	[tilespmem:$0x1FE80] =	vst v63  }
0x282: {  	v0 =	vld [tilespmem:s19+$0x0]  }
0x283: {  	v1 =	vld [tilespmem:s19+$0xFFFFFFA0]  }
0x284: {  	v2 =	vld [tilespmem:s19+$0xFFFFFFB0]  }
0x285: {  	v3 =	vld [tilespmem:s19+$0xFFFFFFC0]  }
0x286: {  	v6 =	vld [tilespmem:s19+$0xFFFFFFD0]  }
0x287: {  	v7 =	vld [tilespmem:s19+$0xFFFFFFE0]  }
0x288: {  	v8 =	vld [tilespmem:s19+$0xFFFFFFF0]  }
0x289: {  	v9 =	vld [tilespmem:s19+$0xFFFFFF90]  }
0x28a: {  	v10 =	vld.idx.msk [tilespmem:v0+s9+$0x0], $0xffff  }
0x28b: {  	v11 =	vld.idx.msk [tilespmem:v1+s9+$0x0], $0xffff  }
0x28c: {  	v5 =	vld.idx.msk [tilespmem:v2+s9+$0x0], $0xffff  }
0x28d: {  	v4 =	vld.idx.msk [tilespmem:v3+s9+$0x0], $0xffff  }
0x28e: {  	v3 =	vld.idx.msk [tilespmem:v6+s9+$0x0], $0xffff  }
0x28f: {  	s15 =	simm.s32 $0x1D740;
	v1 =	vld.idx.msk [tilespmem:v7+s9+$0x0], $0xffff  }
0x290: {  	v0 =	vld.idx.msk [tilespmem:v8+s9+$0x0], $0xffff;
	[tilespmem:s15+$0x30] =	vst v10  }
0x291: {  	s17 =	simm.s32 $0x0;
	s10 =	simm.s32 $0x197F0;
	v2 =	vld.idx.msk [tilespmem:v9+s9+$0x0], $0xffff;
	[tilespmem:s15+$0xFFFFFFD0] =	vst v11  }
.LBB2_42:
0x292: {  	v6 =	vld [tilespmem:s10+$0x0];
	s17 =	sadd.s32 $0x8, s17;
	[tilespmem:s15+$0xFFFFFFE0] =	vst v5  }
0x293: {  	v5 =	vld [tilespmem:s10+$0xFFFFFFA0];
	p0 =	slt.u32 s17, $0xF8;
	[tilespmem:s15+$0xFFFFFFF0] =	vst v4  }
0x294: {  	v4 =	vld [tilespmem:s10+$0xFFFFFFB0];
	[tilespmem:s15+$0x0] =	vst v3  }
0x295: {  	v3 =	vld [tilespmem:s10+$0xFFFFFFC0];
	[tilespmem:s15+$0x10] =	vst v1  }
0x296: {  	v1 =	vld [tilespmem:s10+$0xFFFFFFD0];
	[tilespmem:s15+$0x20] =	vst v0  }
0x297: {  	v0 =	vld [tilespmem:s10+$0xFFFFFFE0];
	[tilespmem:s15+$0xFFFFFFC0] =	vst v2  }
0x298: {  	v2 =	vld [tilespmem:s10+$0xFFFFFFF0]  }
0x299: {  	v7 =	vld [tilespmem:s10+$0xFFFFFF90]  }
0x29a: {  	v6 =	vld.idx.msk [tilespmem:v6+s9+$0x0], $0xffff  }
0x29b: {  	v8 =	vld.idx.msk [tilespmem:v5+s9+$0x0], $0xffff  }
0x29c: {  	v5 =	vld.idx.msk [tilespmem:v4+s9+$0x0], $0xffff  }
.Ltmp22:
0x29d: {  	v4 =	vld.idx.msk [tilespmem:v3+s9+$0x0], $0xffff;
	(pc) =	sbr.rel @p0 .LBB2_42-.Ltmp22, $4  }
0x29e: {  	v3 =	vld.idx.msk [tilespmem:v1+s9+$0x0], $0xffff  }
0x29f: {  	s15 =	sadd.s32 $0x80, s15;
	v1 =	vld.idx.msk [tilespmem:v0+s9+$0x0], $0xffff  }
0x2a0: {  	v0 =	vld.idx.msk [tilespmem:v2+s9+$0x0], $0xffff;
	[tilespmem:s15+$0x30] =	vst v6  }
0x2a1: {  	s10 =	sadd.s32 $0x80, s10;
	v2 =	vld.idx.msk [tilespmem:v7+s9+$0x0], $0xffff;
	[tilespmem:s15+$0xFFFFFFD0] =	vst v8  }
0x2a2: {  	[tilespmem:s15+$0xFFFFFFE0] =	vst v5  }
0x2a3: {  	[tilespmem:s15+$0xFFFFFFF0] =	vst v4  }
0x2a4: {  	s11 =	sadd.s32 s11, s13;
	[tilespmem:s15+$0x0] =	vst v3  }
0x2a5: {  	s10 =	sadd.s32 $0xE08000, s11;
	[tilespmem:s15+$0x10] =	vst v1  }
0x2a6: {  	s10 =	sshrl.u32 s10, $0x3;
	[tilespmem:s15+$0x20] =	vst v0  }
0x2a7: {  	s10 =	sadd.s32 s8, s10;
	[tilespmem:s15+$0xFFFFFFC0] =	vst v2  }
0x2a8: {  	[hbm4b:s10+s31] =	stream.strided.scatter [tilespmem:s3], [sflag:$0x1], $0x1000, s1, s31, $0x38;
	[tilespmem:$0x1FE80] =	vst v63  }
0x2a9: {  	_ =	swait.ge [sflag:s4], $0x1000  }
0x2aa: {  	[sflag:s4] =	ssyncset.done $0x0  }
0x2ab: {  	s19 =	simm.s32 $0x1A770;
	[sflag:s4] =	ssyncadd.s32 $0xFFFFF000  }
0x2ac: {  	v0 =	vld [tilespmem:s19+$0x0]  }
0x2ad: {  	v1 =	vld [tilespmem:s19+$0xFFFFFFA0]  }
0x2ae: {  	v2 =	vld [tilespmem:s19+$0xFFFFFFB0]  }
0x2af: {  	v3 =	vld [tilespmem:s19+$0xFFFFFFC0]  }
0x2b0: {  	v6 =	vld [tilespmem:s19+$0xFFFFFFD0]  }
0x2b1: {  	v7 =	vld [tilespmem:s19+$0xFFFFFFE0]  }
0x2b2: {  	v8 =	vld [tilespmem:s19+$0xFFFFFFF0]  }
0x2b3: {  	v9 =	vld [tilespmem:s19+$0xFFFFFF90]  }
0x2b4: {  	v10 =	vld.idx.msk [tilespmem:v0+s9+$0x0], $0xffff  }
0x2b5: {  	v11 =	vld.idx.msk [tilespmem:v1+s9+$0x0], $0xffff  }
0x2b6: {  	v5 =	vld.idx.msk [tilespmem:v2+s9+$0x0], $0xffff  }
0x2b7: {  	v4 =	vld.idx.msk [tilespmem:v3+s9+$0x0], $0xffff  }
0x2b8: {  	v1 =	vld.idx.msk [tilespmem:v6+s9+$0x0], $0xffff  }
0x2b9: {  	s13 =	simm.s32 $0x1C740;
	v2 =	vld.idx.msk [tilespmem:v7+s9+$0x0], $0xffff  }
0x2ba: {  	v0 =	vld.idx.msk [tilespmem:v8+s9+$0x0], $0xffff;
	[tilespmem:s13+$0x30] =	vst v10  }
0x2bb: {  	s15 =	simm.s32 $0x0;
	s10 =	simm.s32 $0x1A7F0;
	v3 =	vld.idx.msk [tilespmem:v9+s9+$0x0], $0xffff;
	[tilespmem:s13+$0xFFFFFFD0] =	vst v11  }
.LBB2_44:
0x2bc: {  	v6 =	vld [tilespmem:s10+$0x0];
	s15 =	sadd.s32 $0x8, s15;
	[tilespmem:s13+$0xFFFFFFE0] =	vst v5  }
0x2bd: {  	v5 =	vld [tilespmem:s10+$0xFFFFFFA0];
	p0 =	slt.u32 s15, $0xF8;
	[tilespmem:s13+$0xFFFFFFF0] =	vst v4  }
0x2be: {  	v4 =	vld [tilespmem:s10+$0xFFFFFFB0];
	[tilespmem:s13+$0x0] =	vst v1  }
0x2bf: {  	v1 =	vld [tilespmem:s10+$0xFFFFFFC0];
	[tilespmem:s13+$0x10] =	vst v2  }
0x2c0: {  	v2 =	vld [tilespmem:s10+$0xFFFFFFD0];
	[tilespmem:s13+$0x20] =	vst v0  }
0x2c1: {  	v0 =	vld [tilespmem:s10+$0xFFFFFFE0];
	[tilespmem:s13+$0xFFFFFFC0] =	vst v3  }
0x2c2: {  	v3 =	vld [tilespmem:s10+$0xFFFFFFF0]  }
0x2c3: {  	v7 =	vld [tilespmem:s10+$0xFFFFFF90]  }
0x2c4: {  	v6 =	vld.idx.msk [tilespmem:v6+s9+$0x0], $0xffff  }
0x2c5: {  	v8 =	vld.idx.msk [tilespmem:v5+s9+$0x0], $0xffff  }
0x2c6: {  	v5 =	vld.idx.msk [tilespmem:v4+s9+$0x0], $0xffff  }
.Ltmp23:
0x2c7: {  	v4 =	vld.idx.msk [tilespmem:v1+s9+$0x0], $0xffff;
	(pc) =	sbr.rel @p0 .LBB2_44-.Ltmp23, $4  }
0x2c8: {  	v1 =	vld.idx.msk [tilespmem:v2+s9+$0x0], $0xffff  }
0x2c9: {  	s13 =	sadd.s32 $0x80, s13;
	v2 =	vld.idx.msk [tilespmem:v0+s9+$0x0], $0xffff  }
0x2ca: {  	v0 =	vld.idx.msk [tilespmem:v3+s9+$0x0], $0xffff;
	[tilespmem:s13+$0x30] =	vst v6  }
0x2cb: {  	s10 =	sadd.s32 $0x80, s10;
	v3 =	vld.idx.msk [tilespmem:v7+s9+$0x0], $0xffff;
	[tilespmem:s13+$0xFFFFFFD0] =	vst v8  }
0x2cc: {  	[tilespmem:s13+$0xFFFFFFE0] =	vst v5  }
0x2cd: {  	[tilespmem:s13+$0xFFFFFFF0] =	vst v4  }
0x2ce: {  	[tilespmem:s13+$0x0] =	vst v1  }
0x2cf: {  	s10 =	sadd.s32 $0xE10000, s11;
	[tilespmem:s13+$0x10] =	vst v2  }
0x2d0: {  	s10 =	sshrl.u32 s10, $0x3;
	[tilespmem:s13+$0x20] =	vst v0  }
0x2d1: {  	s10 =	sadd.s32 s8, s10;
	[tilespmem:s13+$0xFFFFFFC0] =	vst v3  }
0x2d2: {  	[hbm4b:s10+s31] =	stream.strided.scatter [tilespmem:s6], [sflag:$0x1], $0x1000, s1, s31, $0x38;
	[tilespmem:$0x1FE80] =	vst v63  }
0x2d3: {  	_ =	swait.ge [sflag:s4], $0x1000  }
0x2d4: {  	[sflag:s4] =	ssyncset.done $0x0  }
0x2d5: {  	s19 =	simm.s32 $0x1B770;
	[sflag:s4] =	ssyncadd.s32 $0xFFFFF000  }
0x2d6: {  	v0 =	vld [tilespmem:s19+$0x0]  }
0x2d7: {  	v1 =	vld [tilespmem:s19+$0xFFFFFFA0]  }
0x2d8: {  	v2 =	vld [tilespmem:s19+$0xFFFFFFB0]  }
0x2d9: {  	v3 =	vld [tilespmem:s19+$0xFFFFFFC0]  }
0x2da: {  	v6 =	vld [tilespmem:s19+$0xFFFFFFD0]  }
0x2db: {  	v7 =	vld [tilespmem:s19+$0xFFFFFFE0]  }
0x2dc: {  	v8 =	vld [tilespmem:s19+$0xFFFFFFF0]  }
0x2dd: {  	v9 =	vld [tilespmem:s19+$0xFFFFFF90]  }
0x2de: {  	v10 =	vld.idx.msk [tilespmem:v0+s9+$0x0], $0xffff  }
0x2df: {  	v11 =	vld.idx.msk [tilespmem:v1+s9+$0x0], $0xffff  }
0x2e0: {  	v5 =	vld.idx.msk [tilespmem:v2+s9+$0x0], $0xffff  }
0x2e1: {  	v4 =	vld.idx.msk [tilespmem:v3+s9+$0x0], $0xffff  }
0x2e2: {  	v1 =	vld.idx.msk [tilespmem:v6+s9+$0x0], $0xffff  }
0x2e3: {  	s13 =	simm.s32 $0x1D740;
	v2 =	vld.idx.msk [tilespmem:v7+s9+$0x0], $0xffff  }
0x2e4: {  	v0 =	vld.idx.msk [tilespmem:v8+s9+$0x0], $0xffff;
	[tilespmem:s13+$0x30] =	vst v10  }
0x2e5: {  	s15 =	simm.s32 $0x0;
	s10 =	simm.s32 $0x1B7F0;
	v3 =	vld.idx.msk [tilespmem:v9+s9+$0x0], $0xffff;
	[tilespmem:s13+$0xFFFFFFD0] =	vst v11  }
.LBB2_46:
0x2e6: {  	v6 =	vld [tilespmem:s10+$0x0];
	s15 =	sadd.s32 $0x8, s15;
	[tilespmem:s13+$0xFFFFFFE0] =	vst v5  }
0x2e7: {  	v5 =	vld [tilespmem:s10+$0xFFFFFFA0];
	p0 =	slt.u32 s15, $0xF8;
	[tilespmem:s13+$0xFFFFFFF0] =	vst v4  }
0x2e8: {  	v4 =	vld [tilespmem:s10+$0xFFFFFFB0];
	[tilespmem:s13+$0x0] =	vst v1  }
0x2e9: {  	v1 =	vld [tilespmem:s10+$0xFFFFFFC0];
	[tilespmem:s13+$0x10] =	vst v2  }
0x2ea: {  	v2 =	vld [tilespmem:s10+$0xFFFFFFD0];
	[tilespmem:s13+$0x20] =	vst v0  }
0x2eb: {  	v0 =	vld [tilespmem:s10+$0xFFFFFFE0];
	[tilespmem:s13+$0xFFFFFFC0] =	vst v3  }
0x2ec: {  	v3 =	vld [tilespmem:s10+$0xFFFFFFF0]  }
0x2ed: {  	v7 =	vld [tilespmem:s10+$0xFFFFFF90]  }
0x2ee: {  	v6 =	vld.idx.msk [tilespmem:v6+s9+$0x0], $0xffff  }
0x2ef: {  	v8 =	vld.idx.msk [tilespmem:v5+s9+$0x0], $0xffff  }
0x2f0: {  	v5 =	vld.idx.msk [tilespmem:v4+s9+$0x0], $0xffff  }
.Ltmp24:
0x2f1: {  	v4 =	vld.idx.msk [tilespmem:v1+s9+$0x0], $0xffff;
	(pc) =	sbr.rel @p0 .LBB2_46-.Ltmp24, $4  }
0x2f2: {  	v1 =	vld.idx.msk [tilespmem:v2+s9+$0x0], $0xffff  }
0x2f3: {  	s13 =	sadd.s32 $0x80, s13;
	v2 =	vld.idx.msk [tilespmem:v0+s9+$0x0], $0xffff  }
0x2f4: {  	v0 =	vld.idx.msk [tilespmem:v3+s9+$0x0], $0xffff;
	[tilespmem:s13+$0x30] =	vst v6  }
0x2f5: {  	s10 =	sadd.s32 $0x80, s10;
	v3 =	vld.idx.msk [tilespmem:v7+s9+$0x0], $0xffff;
	[tilespmem:s13+$0xFFFFFFD0] =	vst v8  }
0x2f6: {  	[tilespmem:s13+$0xFFFFFFE0] =	vst v5  }
0x2f7: {  	[tilespmem:s13+$0xFFFFFFF0] =	vst v4  }
0x2f8: {  	[tilespmem:s13+$0x0] =	vst v1  }
0x2f9: {  	s10 =	sadd.s32 $0xE18000, s11;
	[tilespmem:s13+$0x10] =	vst v2  }
0x2fa: {  	s10 =	sshrl.u32 s10, $0x3;
	[tilespmem:s13+$0x20] =	vst v0  }
0x2fb: {  	s0 =	sadd.s32 $0x1, s0;
	s10 =	sadd.s32 s8, s10;
	[tilespmem:s13+$0xFFFFFFC0] =	vst v3  }
0x2fc: {  	[hbm4b:s10+s31] =	stream.strided.scatter [tilespmem:s3], [sflag:$0x1], $0x1000, s1, s31, $0x38;
	[tilespmem:$0x1FE80] =	vst v63  }
0x2fd: {  	p0 =	sne.s32 s0, $0x34;
	_ =	swait.ge [sflag:s4], $0x1000  }
.Ltmp25:
0x2fe: {  	[sflag:s4] =	ssyncset.done $0x0;
	(pc) =	sbr.rel @p0 .LBB2_39-.Ltmp25, $4  }
0x2ff: {  	[sflag:s4] =	ssyncadd.s32 $0xFFFFF000  }
0x300: {  	_ =	swait.ge [sflag:s4], $0x1000  }
0x301: {  	[sflag:s4] =	ssyncset.done $0x0  }
0x302: {  	[sflag:s4] =	ssyncadd.s32 $0xFFFFF000  }
0x303: {  	s7 =	rddreg [dreg:$0x13]  }
0x304: {  	s0 =	rddreg [dreg:$0x12];
	s7 =	sadd.s32 $0x1, s7  }
0x305: {  	p0 =	sne.s32 s7, s0  }
.Ltmp26:
0x306: {  	_ = 	snop;
	(pc) =	sbr.rel @p0 .LBB2_1-.Ltmp26, $1  }
0x307: {  	_ =	sdelay $0x3  }
0x308: {  	_ =	sfence.sel $0x180000  }
0x309: {  	[bflag:$0x0] =	sbarrier.arrive $0xFFFF  }
0x30a: {  	_ =	strace $0x90000047  }
0x30b: {  	s0 =	stileid.u32;
	[bflag:$0x2] =	sbarrier.arrive $0xFFFF  }
0x30c: {  	p0 =	sne.s32 s0, $0x0;
	s0 =	rddreg [dreg:$0x7]  }
0x30d: {  	s0 =	sadd.s32 @!p0 $0x100000, s0  }
0x30e: {  	[sflag:s0] =	ssyncadd.tile.s32 @!p0 $0x1;
	_ =	shalt  }
.Lfunc_end2:
_tile_overlayer_lowered:
.L_overlay_start_2:
0x30f: {  	(tag) =	ssettag $0x2  }
0x310: {  	s0 =	rddreg [dreg:$0x0];
	s2 =	stileid.u32  }
0x311: {  	s1 =	rddreg [dreg:$0x1];
	p0 =	sne.s32 s2, $0x0  }
0x312: {  	s3 =	rddreg [dreg:$0x2];
	[bflag:$0x3] =	sbarrier.arrive $0xFFFF;
	s2 =	simm.s32 @!p0 $0x1C04  }
0x313: {  	[timem:s3], [sflag:s2] =	dma.local @!p0 [hbm:s0], s1  }
0x314: {  	s0 =	simm.s32 @!p0 $0x4  }
0x315: {  	_ =	swait.ge @!p0 [sflag:s0], s1  }
0x316: {  	s1 =	ssub.s32 @!p0 $0x0, s1;
	[sflag:s0] =	ssyncset.done @!p0 $0x0  }
0x317: {  	[sflag:s0] =	ssyncadd.s32 @!p0 s1  }
0x318: {  	[bflag:$0x3] =	sbarrier.arrive $0xFFFF  }
0x319: {  	_ =	shalt  }

</sc_bundles>
